<compile_context>
chip_gen: v7x
topology: tpu7x:2x2x1
jax: 0.10.2.dev20260603
libtpu: 0.0.44.dev20260713+nightly
codegen_flags: <defaults>
</compile_context>

<pallas_src>
import functools

import jax
import jax.numpy as jnp
from jax import lax
from jax.experimental import pallas as pl
from jax.experimental.pallas import tpu as pltpu
from jax.experimental.pallas import tpu_sc as plsc

L = 16
NW = 32
B, N, M = 4, 4096, 4096
W_PER_B = NW // B
SC_CHUNK = 64
SC_TAIL = SC_CHUNK * W_PER_B
N_TC = N - SC_TAIL
SRCS = 8
M_VECS = M // L
TCN = 512
NB = N_TC // TCN
MT = 512


def _sc_chamfer(sx, sy, sz, tx, ty, tz, w):
    mesh = plsc.VectorSubcoreMesh(core_axis_name="c", subcore_axis_name="s")

    @functools.partial(
        pl.kernel,
        mesh=mesh,
        out_type=jax.ShapeDtypeStruct((NW, L), jnp.float32),
        scratch_types=[
            pltpu.VMEM((SC_CHUNK,), jnp.float32),
            pltpu.VMEM((SC_CHUNK,), jnp.float32),
            pltpu.VMEM((SC_CHUNK,), jnp.float32),
            pltpu.VMEM((SC_CHUNK,), jnp.float32),
            pltpu.VMEM((M,), jnp.float32),
            pltpu.VMEM((M,), jnp.float32),
            pltpu.VMEM((M,), jnp.float32),
            pltpu.VMEM((M,), jnp.float32),
            pltpu.VMEM((L,), jnp.float32),
        ],
    )
    def k(sx_h, sy_h, sz_h, tx_h, ty_h, tz_h, w_h, out_h,
          sx_s, sy_s, sz_s, w_s, tx_s, ty_s, tz_s, t2_s, o_s):
        wid = lax.axis_index("s") * 2 + lax.axis_index("c")
        b = wid // W_PER_B
        src_base = b * N + N_TC + (wid % W_PER_B) * SC_CHUNK
        tgt_base = b * M

        pltpu.sync_copy(sx_h.at[pl.ds(src_base, SC_CHUNK)], sx_s)
        pltpu.sync_copy(sy_h.at[pl.ds(src_base, SC_CHUNK)], sy_s)
        pltpu.sync_copy(sz_h.at[pl.ds(src_base, SC_CHUNK)], sz_s)
        pltpu.sync_copy(w_h.at[pl.ds(src_base, SC_CHUNK)], w_s)
        pltpu.sync_copy(tx_h.at[pl.ds(tgt_base, M)], tx_s)
        pltpu.sync_copy(ty_h.at[pl.ds(tgt_base, M)], ty_s)
        pltpu.sync_copy(tz_h.at[pl.ds(tgt_base, M)], tz_s)

        def bq(v):
            u = lax.bitcast_convert_type(v, jnp.uint32)
            r = ((u + ((u >> 16) & jnp.uint32(1)) + jnp.uint32(0x7FFF))
                 & jnp.uint32(0xFFFF0000))
            return lax.bitcast_convert_type(r, jnp.float32)

        lane = lax.broadcasted_iota(jnp.int32, (L,), 0)

        def t2_body(i, _):
            txv = tx_s[pl.ds(i * L, L)]
            tyv = ty_s[pl.ds(i * L, L)]
            tzv = tz_s[pl.ds(i * L, L)]
            t2_s[pl.ds(i * L, L)] = txv * txv + tyv * tyv + tzv * tzv
            tx_s[pl.ds(i * L, L)] = bq(txv)
            ty_s[pl.ds(i * L, L)] = bq(tyv)
            tz_s[pl.ds(i * L, L)] = bq(tzv)
            return 0
        lax.fori_loop(0, M_VECS, t2_body, 0)

        inf = jnp.float32(jnp.inf)

        def hmin(v):
            for sh in (8, 4, 2, 1):
                v = jnp.minimum(
                    v, v.at[lane ^ sh].get(mode="promise_in_bounds"))
            return v[0]

        def pass_body(p, total):
            base = p * L
            sxv = sx_s[pl.ds(base, L)]
            syv = sy_s[pl.ds(base, L)]
            szv = sz_s[pl.ds(base, L)]
            wv = w_s[pl.ds(base, L)]
            s2v = sxv * sxv + syv * syv + szv * szv
            ws2v = wv * s2v
            sxq = bq(sxv)
            syq = bq(syv)
            szq = bq(szv)

            for half in range(L // SRCS):
                idxs = [half * SRCS + j for j in range(SRCS)]
                bx = [jnp.broadcast_to(-2.0 * sxq[i], (L,)) for i in idxs]
                by = [jnp.broadcast_to(-2.0 * syq[i], (L,)) for i in idxs]
                bz = [jnp.broadcast_to(-2.0 * szq[i], (L,)) for i in idxs]

                def m_body(mb, accs):
                    off = mb * L
                    txv = tx_s[pl.ds(off, L)]
                    tyv = ty_s[pl.ds(off, L)]
                    tzv = tz_s[pl.ds(off, L)]
                    t2v = t2_s[pl.ds(off, L)]
                    out = []
                    for j in range(SRCS):
                        val = ((t2v + bx[j] * txv)
                               + (by[j] * tyv + bz[j] * tzv))
                        out.append(jnp.minimum(accs[j], val))
                    return tuple(out)

                accs = lax.fori_loop(
                    0, M_VECS, m_body,
                    tuple(jnp.full((L,), inf) for _ in range(SRCS)))

                for j in range(SRCS):
                    i = idxs[j]
                    total = (total + wv[i] * hmin(accs[j]) + ws2v[i])
            return total

        total = lax.fori_loop(0, SC_CHUNK // L, pass_body,
                              jnp.float32(0.0))

        o_s[...] = jnp.where(lane == 0, total, jnp.float32(0.0))
        pltpu.sync_copy(o_s, out_h.at[wid])

    return k(sx, sy, sz, tx, ty, tz, w)


def _tc_block(sq_ref, rq_ref, t2_ref, w_ref, ws2_ref, o_ref):
    sq = sq_ref[0]
    rq = rq_ref[0]
    t2 = t2_ref[0]
    rowmin = None
    for mc in range(M // MT):
        cross = lax.dot_general(
            sq, rq[:, mc * MT:(mc + 1) * MT], (((0,), (0,)), ((), ())),
            preferred_element_type=jnp.float32)
        val = t2[:, mc * MT:(mc + 1) * MT] + cross
        cmin = jnp.min(val, axis=1, keepdims=True)
        rowmin = cmin if rowmin is None else jnp.minimum(rowmin, cmin)
    rowmin_t = jnp.swapaxes(rowmin, 0, 1)
    part = jnp.sum(w_ref[0] * rowmin_t) + jnp.sum(ws2_ref[0])
    row = lax.broadcasted_iota(jnp.int32, (8, 128), 0)
    col = lax.broadcasted_iota(jnp.int32, (8, 128), 1)
    o_ref[0, 0] = jnp.where((row == 0) & (col == 0), part, 0.0)


def _tc_chamfer(sq, rq, t2, w2, ws2):
    out = pl.pallas_call(
        _tc_block,
        grid=(B, NB),
        in_specs=[
            pl.BlockSpec((1, 3, TCN), lambda b, n: (b, 0, n)),
            pl.BlockSpec((1, 3, M), lambda b, n: (b, 0, 0)),
            pl.BlockSpec((1, 1, M), lambda b, n: (b, 0, 0)),
            pl.BlockSpec((1, 1, TCN), lambda b, n: (b, 0, n)),
            pl.BlockSpec((1, 1, TCN), lambda b, n: (b, 0, n)),
        ],
        out_specs=pl.BlockSpec((1, 1, 8, 128), lambda b, n: (b, n, 0, 0)),
        out_shape=jax.ShapeDtypeStruct((B, NB, 8, 128), jnp.float32),
    )(sq, rq, t2, w2, ws2)
    return jnp.sum(out)


@jax.jit
def kernel(source_cloud, target_cloud, weights_source):
    sxp = source_cloud[:, :, 0]
    syp = source_cloud[:, :, 1]
    szp = source_cloud[:, :, 2]
    txp = target_cloud[:, :, 0]
    typ = target_cloud[:, :, 1]
    tzp = target_cloud[:, :, 2]

    sc_part = _sc_chamfer(
        sxp.reshape(-1), syp.reshape(-1), szp.reshape(-1),
        txp.reshape(-1), typ.reshape(-1), tzp.reshape(-1),
        weights_source.reshape(-1))

    sq = jnp.stack([sxp, syp, szp], axis=1).astype(jnp.bfloat16)
    rq = -2.0 * jnp.stack([txp, typ, tzp], axis=1).astype(jnp.bfloat16)
    t2 = (txp * txp + typ * typ + tzp * tzp)[:, None, :]
    s2 = sxp * sxp + syp * syp + szp * szp
    w2 = weights_source[:, None, :]
    ws2 = (weights_source * s2)[:, None, :]

    tc_part = _tc_chamfer(sq, rq, t2, w2, ws2)

    return (tc_part + jnp.sum(sc_part)) / B

# --- scband reference (transcript-rebuilt; emitter-appended) ---
"""Pipeline reference for scband-weighted-chamfer-distance-31799937859588 (READ-ONLY COPY).

The authoritative reference and input builder live on the scoring server;
editing this copy changes nothing except your own understanding.
"""

import jax, jax.numpy as jnp
import numpy as np


def setup_inputs(seed: int = 0) -> dict:
    key = jax.random.key(seed)
    k1, k2, k3 = jax.random.split(key, 3)
    B, N, M, D = 4, 4096, 4096, 3
    source_cloud = jax.random.normal(k1, (B, N, D), dtype=jnp.float32)
    target_cloud = jax.random.normal(k2, (B, M, D), dtype=jnp.float32)
    weights_source = jax.random.uniform(k3, (B, N), dtype=jnp.float32)
    return {
        "source_cloud": source_cloud,
        "target_cloud": target_cloud,
        "weights_source": weights_source,
    }


def reference(source_cloud, target_cloud, weights_source):
    # knn_points with K=1: squared euclidean nearest-neighbor distance from each
    # source point to the target cloud (brute force).
    # d2[b, n, m] = ||s[b,n] - t[b,m]||^2
    s2 = jnp.sum(source_cloud * source_cloud, axis=-1)  # [B, N]
    t2 = jnp.sum(target_cloud * target_cloud, axis=-1)  # [B, M]
    cross = jnp.einsum('bnd,bmd->bnm', source_cloud, target_cloud)  # [B, N, M]
    d2 = s2[:, :, None] + t2[:, None, :] - 2.0 * cross  # [B, N, M]
    # source_nn.dists[..., 0] with K=1 == min over target axis
    chamfer_forward = jnp.min(d2, axis=-1)  # [B, N]
    # weights_source applied per-source-point
    chamfer_forward = chamfer_forward * weights_source
    # point_reduction='sum' (default)
    chamfer_forward = jnp.sum(chamfer_forward, axis=1)  # [B]
    # batch_reduction='mean' (default)
    chamfer_forward = jnp.mean(chamfer_forward)  # scalar
    return chamfer_forward

if __name__ == "__main__":
    import jax
    _d = setup_inputs()
    print(jax.jit(kernel)(*tuple(_d.values())))

</pallas_src>

<mosaic_0001>
#map = affine_map<(d0, d1) -> (0)>
#map1 = affine_map<(d0, d1) -> (0, 0)>
module attributes {stable_mosaic.version = 14 : i64} {
  func.func @k(%arg0: i32, %arg1: i32, %arg2: memref<16384xf32, #tpu.memory_space<hbm>>, %arg3: memref<16384xf32, #tpu.memory_space<hbm>>, %arg4: memref<16384xf32, #tpu.memory_space<hbm>>, %arg5: memref<16384xf32, #tpu.memory_space<hbm>>, %arg6: memref<16384xf32, #tpu.memory_space<hbm>>, %arg7: memref<16384xf32, #tpu.memory_space<hbm>>, %arg8: memref<16384xf32, #tpu.memory_space<hbm>>, %arg9: memref<32x16xf32, #tpu.memory_space<hbm>>, %arg10: memref<64xf32, #tpu.memory_space<vmem>>, %arg11: memref<64xf32, #tpu.memory_space<vmem>>, %arg12: memref<64xf32, #tpu.memory_space<vmem>>, %arg13: memref<64xf32, #tpu.memory_space<vmem>>, %arg14: memref<4096xf32, #tpu.memory_space<vmem>>, %arg15: memref<4096xf32, #tpu.memory_space<vmem>>, %arg16: memref<4096xf32, #tpu.memory_space<vmem>>, %arg17: memref<4096xf32, #tpu.memory_space<vmem>>, %arg18: memref<16xf32, #tpu.memory_space<vmem>>) attributes {dimension_semantics = [#tpu.dimension_semantics<core_parallel>, #tpu.dimension_semantics<subcore_parallel>], iteration_bounds = array<i64: 2, 16>, scalar_prefetch = 0 : i64, scratch_operands = 9 : i64, tpu.core_type = #tpu.core_type<sc_vector_subcore>, window_params = [{transform_indices = #map}, {transform_indices = #map}, {transform_indices = #map}, {transform_indices = #map}, {transform_indices = #map}, {transform_indices = #map}, {transform_indices = #map}, {transform_indices = #map1}]} {
    %mul3A = arith.constant 2 : i32
    %mul3A_0 = arith.muli %arg1, %mul3A : i32
    %add3A = arith.addi %mul3A_0, %arg0 : i32
    %jit3A = arith.constant 8 : i32
    %div3A = arith.divsi %add3A, %jit3A : i32
    %sign3A = arith.constant 0 : i32
    %sign3A_1 = arith.cmpi sgt, %add3A, %sign3A : i32
    %sign3A_2 = arith.extui %sign3A_1 : i1 to i32
    %sign3A_3 = arith.constant 0 : i32
    %sign3A_4 = arith.cmpi slt, %add3A, %sign3A_3 : i32
    %sign3A_5 = arith.extui %sign3A_4 : i1 to i32
    %sign3A_6 = arith.subi %sign3A_2, %sign3A_5 : i32
    %sign3A_7 = arith.constant 0 : i32
    %sign3A_8 = arith.cmpi sgt, %jit3A, %sign3A_7 : i32
    %sign3A_9 = arith.extui %sign3A_8 : i1 to i32
    %sign3A_10 = arith.constant 0 : i32
    %sign3A_11 = arith.cmpi slt, %jit3A, %sign3A_10 : i32
    %sign3A_12 = arith.extui %sign3A_11 : i1 to i32
    %sign3A_13 = arith.subi %sign3A_9, %sign3A_12 : i32
    %ne3A = arith.cmpi ne, %sign3A_6, %sign3A_13 : i32
    %rem3A = arith.remsi %add3A, %jit3A : i32
    %ne3A_14 = arith.constant 0 : i32
    %ne3A_15 = arith.cmpi ne, %rem3A, %ne3A_14 : i32
    %and3A = arith.andi %ne3A, %ne3A_15 : i1
    %sub3A = arith.constant 1 : i32
    %sub3A_16 = arith.subi %div3A, %sub3A : i32
    %select_n3A = arith.select %and3A, %sub3A_16, %div3A : i32
    %mul3A_17 = arith.constant 4096 : i32
    %mul3A_18 = arith.muli %select_n3A, %mul3A_17 : i32
    %add3A_19 = arith.constant 3584 : i32
    %add3A_20 = arith.addi %mul3A_18, %add3A_19 : i32
    %jit3A_21 = arith.constant 8 : i32
    %eq3A = arith.constant 0 : i32
    %eq3A_22 = arith.cmpi eq, %jit3A_21, %eq3A : i32
    %jit3A_23 = arith.constant 1 : i32
    %select_n3A_24 = arith.select %eq3A_22, %jit3A_23, %jit3A_21 : i32
    %rem3A_25 = arith.remsi %add3A, %select_n3A_24 : i32
    %ne3A_26 = arith.constant 0 : i32
    %ne3A_27 = arith.cmpi ne, %rem3A_25, %ne3A_26 : i32
    %lt3A = arith.constant 0 : i32
    %lt3A_28 = arith.cmpi slt, %rem3A_25, %lt3A : i32
    %lt3A_29 = arith.constant 0 : i32
    %lt3A_30 = arith.cmpi slt, %select_n3A_24, %lt3A_29 : i32
    %ne3A_31 = arith.xori %lt3A_28, %lt3A_30 : i1
    %and3A_32 = arith.andi %ne3A_31, %ne3A_27 : i1
    %add3A_33 = arith.addi %rem3A_25, %select_n3A_24 : i32
    %select_n3A_34 = arith.select %and3A_32, %add3A_33, %rem3A_25 : i32
    %mul3A_35 = arith.constant 64 : i32
    %mul3A_36 = arith.muli %select_n3A_34, %mul3A_35 : i32
    %add3A_37 = arith.addi %add3A_20, %mul3A_36 : i32
    %mul3A_38 = arith.constant 4096 : i32
    %mul3A_39 = arith.muli %select_n3A, %mul3A_38 : i32
    "tpu.region"() ({
      %run_scoped3A = tpu.sem_alloc : memref<!tpu.dma_semaphore, #tpu.memory_space<semaphore_mem>>
      %dma_start3A = tpu.memref_slice %arg2[%add3A_37] : memref<16384xf32, #tpu.memory_space<hbm>> -> memref<64xf32, #tpu.memory_space<hbm>>
      %dma_start3A_63 = tpu.memref_slice %arg2[%add3A_37] : memref<16384xf32, #tpu.memory_space<hbm>> -> memref<64xf32, #tpu.memory_space<hbm>>
      tpu.enqueue_dma source(%dma_start3A_63 : memref<64xf32, #tpu.memory_space<hbm>>) target(%arg10 : memref<64xf32, #tpu.memory_space<vmem>>) target_semaphore(%run_scoped3A : memref<!tpu.dma_semaphore, #tpu.memory_space<semaphore_mem>>)
      %dma_wait3A = tpu.memref_slice %arg2[%add3A_37] : memref<16384xf32, #tpu.memory_space<hbm>> -> memref<64xf32, #tpu.memory_space<hbm>>
      %dma_wait3A_64 = tpu.memref_slice %arg2[%add3A_37] : memref<16384xf32, #tpu.memory_space<hbm>> -> memref<64xf32, #tpu.memory_space<hbm>>
      tpu.wait_dma2 semaphore(%run_scoped3A : memref<!tpu.dma_semaphore, #tpu.memory_space<semaphore_mem>>) src(%dma_wait3A_64 : memref<64xf32, #tpu.memory_space<hbm>>) dst(%arg10 : memref<64xf32, #tpu.memory_space<vmem>>)
      tpu.yield
    }) : () -> ()
    "tpu.region"() ({
      %run_scoped3A = tpu.sem_alloc : memref<!tpu.dma_semaphore, #tpu.memory_space<semaphore_mem>>
      %dma_start3A = tpu.memref_slice %arg3[%add3A_37] : memref<16384xf32, #tpu.memory_space<hbm>> -> memref<64xf32, #tpu.memory_space<hbm>>
      %dma_start3A_63 = tpu.memref_slice %arg3[%add3A_37] : memref<16384xf32, #tpu.memory_space<hbm>> -> memref<64xf32, #tpu.memory_space<hbm>>
      tpu.enqueue_dma source(%dma_start3A_63 : memref<64xf32, #tpu.memory_space<hbm>>) target(%arg11 : memref<64xf32, #tpu.memory_space<vmem>>) target_semaphore(%run_scoped3A : memref<!tpu.dma_semaphore, #tpu.memory_space<semaphore_mem>>)
      %dma_wait3A = tpu.memref_slice %arg3[%add3A_37] : memref<16384xf32, #tpu.memory_space<hbm>> -> memref<64xf32, #tpu.memory_space<hbm>>
      %dma_wait3A_64 = tpu.memref_slice %arg3[%add3A_37] : memref<16384xf32, #tpu.memory_space<hbm>> -> memref<64xf32, #tpu.memory_space<hbm>>
      tpu.wait_dma2 semaphore(%run_scoped3A : memref<!tpu.dma_semaphore, #tpu.memory_space<semaphore_mem>>) src(%dma_wait3A_64 : memref<64xf32, #tpu.memory_space<hbm>>) dst(%arg11 : memref<64xf32, #tpu.memory_space<vmem>>)
      tpu.yield
    }) : () -> ()
    "tpu.region"() ({
      %run_scoped3A = tpu.sem_alloc : memref<!tpu.dma_semaphore, #tpu.memory_space<semaphore_mem>>
      %dma_start3A = tpu.memref_slice %arg4[%add3A_37] : memref<16384xf32, #tpu.memory_space<hbm>> -> memref<64xf32, #tpu.memory_space<hbm>>
      %dma_start3A_63 = tpu.memref_slice %arg4[%add3A_37] : memref<16384xf32, #tpu.memory_space<hbm>> -> memref<64xf32, #tpu.memory_space<hbm>>
      tpu.enqueue_dma source(%dma_start3A_63 : memref<64xf32, #tpu.memory_space<hbm>>) target(%arg12 : memref<64xf32, #tpu.memory_space<vmem>>) target_semaphore(%run_scoped3A : memref<!tpu.dma_semaphore, #tpu.memory_space<semaphore_mem>>)
      %dma_wait3A = tpu.memref_slice %arg4[%add3A_37] : memref<16384xf32, #tpu.memory_space<hbm>> -> memref<64xf32, #tpu.memory_space<hbm>>
      %dma_wait3A_64 = tpu.memref_slice %arg4[%add3A_37] : memref<16384xf32, #tpu.memory_space<hbm>> -> memref<64xf32, #tpu.memory_space<hbm>>
      tpu.wait_dma2 semaphore(%run_scoped3A : memref<!tpu.dma_semaphore, #tpu.memory_space<semaphore_mem>>) src(%dma_wait3A_64 : memref<64xf32, #tpu.memory_space<hbm>>) dst(%arg12 : memref<64xf32, #tpu.memory_space<vmem>>)
      tpu.yield
    }) : () -> ()
    "tpu.region"() ({
      %run_scoped3A = tpu.sem_alloc : memref<!tpu.dma_semaphore, #tpu.memory_space<semaphore_mem>>
      %dma_start3A = tpu.memref_slice %arg8[%add3A_37] : memref<16384xf32, #tpu.memory_space<hbm>> -> memref<64xf32, #tpu.memory_space<hbm>>
      %dma_start3A_63 = tpu.memref_slice %arg8[%add3A_37] : memref<16384xf32, #tpu.memory_space<hbm>> -> memref<64xf32, #tpu.memory_space<hbm>>
      tpu.enqueue_dma source(%dma_start3A_63 : memref<64xf32, #tpu.memory_space<hbm>>) target(%arg13 : memref<64xf32, #tpu.memory_space<vmem>>) target_semaphore(%run_scoped3A : memref<!tpu.dma_semaphore, #tpu.memory_space<semaphore_mem>>)
      %dma_wait3A = tpu.memref_slice %arg8[%add3A_37] : memref<16384xf32, #tpu.memory_space<hbm>> -> memref<64xf32, #tpu.memory_space<hbm>>
      %dma_wait3A_64 = tpu.memref_slice %arg8[%add3A_37] : memref<16384xf32, #tpu.memory_space<hbm>> -> memref<64xf32, #tpu.memory_space<hbm>>
      tpu.wait_dma2 semaphore(%run_scoped3A : memref<!tpu.dma_semaphore, #tpu.memory_space<semaphore_mem>>) src(%dma_wait3A_64 : memref<64xf32, #tpu.memory_space<hbm>>) dst(%arg13 : memref<64xf32, #tpu.memory_space<vmem>>)
      tpu.yield
    }) : () -> ()
    "tpu.region"() ({
      %run_scoped3A = tpu.sem_alloc : memref<!tpu.dma_semaphore, #tpu.memory_space<semaphore_mem>>
      %dma_start3A = tpu.memref_slice %arg5[%mul3A_39] : memref<16384xf32, #tpu.memory_space<hbm>> -> memref<4096xf32, #tpu.memory_space<hbm>>
      %dma_start3A_63 = tpu.memref_slice %arg5[%mul3A_39] : memref<16384xf32, #tpu.memory_space<hbm>> -> memref<4096xf32, #tpu.memory_space<hbm>>
      tpu.enqueue_dma source(%dma_start3A_63 : memref<4096xf32, #tpu.memory_space<hbm>>) target(%arg14 : memref<4096xf32, #tpu.memory_space<vmem>>) target_semaphore(%run_scoped3A : memref<!tpu.dma_semaphore, #tpu.memory_space<semaphore_mem>>)
      %dma_wait3A = tpu.memref_slice %arg5[%mul3A_39] : memref<16384xf32, #tpu.memory_space<hbm>> -> memref<4096xf32, #tpu.memory_space<hbm>>
      %dma_wait3A_64 = tpu.memref_slice %arg5[%mul3A_39] : memref<16384xf32, #tpu.memory_space<hbm>> -> memref<4096xf32, #tpu.memory_space<hbm>>
      tpu.wait_dma2 semaphore(%run_scoped3A : memref<!tpu.dma_semaphore, #tpu.memory_space<semaphore_mem>>) src(%dma_wait3A_64 : memref<4096xf32, #tpu.memory_space<hbm>>) dst(%arg14 : memref<4096xf32, #tpu.memory_space<vmem>>)
      tpu.yield
    }) : () -> ()
    "tpu.region"() ({
      %run_scoped3A = tpu.sem_alloc : memref<!tpu.dma_semaphore, #tpu.memory_space<semaphore_mem>>
      %dma_start3A = tpu.memref_slice %arg6[%mul3A_39] : memref<16384xf32, #tpu.memory_space<hbm>> -> memref<4096xf32, #tpu.memory_space<hbm>>
      %dma_start3A_63 = tpu.memref_slice %arg6[%mul3A_39] : memref<16384xf32, #tpu.memory_space<hbm>> -> memref<4096xf32, #tpu.memory_space<hbm>>
      tpu.enqueue_dma source(%dma_start3A_63 : memref<4096xf32, #tpu.memory_space<hbm>>) target(%arg15 : memref<4096xf32, #tpu.memory_space<vmem>>) target_semaphore(%run_scoped3A : memref<!tpu.dma_semaphore, #tpu.memory_space<semaphore_mem>>)
      %dma_wait3A = tpu.memref_slice %arg6[%mul3A_39] : memref<16384xf32, #tpu.memory_space<hbm>> -> memref<4096xf32, #tpu.memory_space<hbm>>
      %dma_wait3A_64 = tpu.memref_slice %arg6[%mul3A_39] : memref<16384xf32, #tpu.memory_space<hbm>> -> memref<4096xf32, #tpu.memory_space<hbm>>
      tpu.wait_dma2 semaphore(%run_scoped3A : memref<!tpu.dma_semaphore, #tpu.memory_space<semaphore_mem>>) src(%dma_wait3A_64 : memref<4096xf32, #tpu.memory_space<hbm>>) dst(%arg15 : memref<4096xf32, #tpu.memory_space<vmem>>)
      tpu.yield
    }) : () -> ()
    "tpu.region"() ({
      %run_scoped3A = tpu.sem_alloc : memref<!tpu.dma_semaphore, #tpu.memory_space<semaphore_mem>>
      %dma_start3A = tpu.memref_slice %arg7[%mul3A_39] : memref<16384xf32, #tpu.memory_space<hbm>> -> memref<4096xf32, #tpu.memory_space<hbm>>
      %dma_start3A_63 = tpu.memref_slice %arg7[%mul3A_39] : memref<16384xf32, #tpu.memory_space<hbm>> -> memref<4096xf32, #tpu.memory_space<hbm>>
      tpu.enqueue_dma source(%dma_start3A_63 : memref<4096xf32, #tpu.memory_space<hbm>>) target(%arg16 : memref<4096xf32, #tpu.memory_space<vmem>>) target_semaphore(%run_scoped3A : memref<!tpu.dma_semaphore, #tpu.memory_space<semaphore_mem>>)
      %dma_wait3A = tpu.memref_slice %arg7[%mul3A_39] : memref<16384xf32, #tpu.memory_space<hbm>> -> memref<4096xf32, #tpu.memory_space<hbm>>
      %dma_wait3A_64 = tpu.memref_slice %arg7[%mul3A_39] : memref<16384xf32, #tpu.memory_space<hbm>> -> memref<4096xf32, #tpu.memory_space<hbm>>
      tpu.wait_dma2 semaphore(%run_scoped3A : memref<!tpu.dma_semaphore, #tpu.memory_space<semaphore_mem>>) src(%dma_wait3A_64 : memref<4096xf32, #tpu.memory_space<hbm>>) dst(%arg16 : memref<4096xf32, #tpu.memory_space<vmem>>)
      tpu.yield
    }) : () -> ()
    %iota3A = tpu.iota {dimensions = array<i32: 0>} : vector<16xi32>
    %scan3A = arith.constant 0 : i32
    %scan3A_40 = arith.constant 0 : i32
    %scan3A_41 = arith.constant 256 : i32
    %scan3A_42 = arith.addi %scan3A_40, %scan3A_41 : i32
    %scan3A_43 = arith.constant 1 : i32
    %scan3A_44 = scf.for %scan3A_63 = %scan3A_40 to %scan3A_42 step %scan3A_43 iter_args(%scan3A_64 = %scan3A) -> (i32)  : i32 {
      %mul3A_65 = arith.constant 16 : i32
      %mul3A_66 = arith.muli %scan3A_63, %mul3A_65 : i32
      %get3A = arith.index_cast %mul3A_66 : i32 to index
      %get3A_67 = tpu.vector_load %arg14[%get3A] {strides = array<i32>} : memref<4096xf32, #tpu.memory_space<vmem>>, vector<16xf32>,
      %get3A_68 = vector.shape_cast %get3A_67 : vector<16xf32> to vector<16xf32>
      %mul3A_69 = arith.constant 16 : i32
      %mul3A_70 = arith.muli %scan3A_63, %mul3A_69 : i32
      %get3A_71 = arith.index_cast %mul3A_70 : i32 to index
      %get3A_72 = tpu.vector_load %arg15[%get3A_71] {strides = array<i32>} : memref<4096xf32, #tpu.memory_space<vmem>>, vector<16xf32>,
      %get3A_73 = vector.shape_cast %get3A_72 : vector<16xf32> to vector<16xf32>
      %mul3A_74 = arith.constant 16 : i32
      %mul3A_75 = arith.muli %scan3A_63, %mul3A_74 : i32
      %get3A_76 = arith.index_cast %mul3A_75 : i32 to index
      %get3A_77 = tpu.vector_load %arg16[%get3A_76] {strides = array<i32>} : memref<4096xf32, #tpu.memory_space<vmem>>, vector<16xf32>,
      %get3A_78 = vector.shape_cast %get3A_77 : vector<16xf32> to vector<16xf32>
      %mul3A_79 = arith.mulf %get3A_68, %get3A_68 : vector<16xf32>
      %mul3A_80 = arith.mulf %get3A_73, %get3A_73 : vector<16xf32>
      %add3A_81 = arith.addf %mul3A_79, %mul3A_80 : vector<16xf32>
      %mul3A_82 = arith.mulf %get3A_78, %get3A_78 : vector<16xf32>
      %add3A_83 = arith.addf %add3A_81, %mul3A_82 : vector<16xf32>
      %mul3A_84 = arith.constant 16 : i32
      %mul3A_85 = arith.muli %scan3A_63, %mul3A_84 : i32
      %swap3A_86 = arith.index_cast %mul3A_85 : i32 to index
      %swap3A_87 = tpu.vector_load %arg17[%swap3A_86] {strides = array<i32>} : memref<4096xf32, #tpu.memory_space<vmem>>, vector<16xf32>,
      %swap3A_88 = vector.shape_cast %swap3A_87 : vector<16xf32> to vector<16xf32>
      %swap3A_89 = vector.shape_cast %add3A_83 : vector<16xf32> to vector<16xf32>
      tpu.vector_store %arg17[%swap3A_86], %swap3A_89 {strides = array<i32>} : memref<4096xf32, #tpu.memory_space<vmem>>, vector<16xf32>,
      %bitcast_convert_type3A = tpu.bitcast %get3A_68 : vector<16xf32> -> vector<16xi32>
      %shift_right_logical3A = arith.constant 16 : i32
      %shift_right_logical3A_90 = vector.broadcast %shift_right_logical3A : i32 to vector<16xi32>
      %shift_right_logical3A_91 = arith.shrui %bitcast_convert_type3A, %shift_right_logical3A_90 : vector<16xi32>
      %and3A_92 = arith.constant 1 : i32
      %and3A_93 = vector.broadcast %and3A_92 : i32 to vector<16xi32>
      %and3A_94 = arith.andi %shift_right_logical3A_91, %and3A_93 : vector<16xi32>
      %add3A_95 = arith.addi %bitcast_convert_type3A, %and3A_94 : vector<16xi32>
      %add3A_96 = arith.constant 32767 : i32
      %add3A_97 = vector.broadcast %add3A_96 : i32 to vector<16xi32>
      %add3A_98 = arith.addi %add3A_95, %add3A_97 : vector<16xi32>
      %and3A_99 = arith.constant -65536 : i32
      %and3A_100 = vector.broadcast %and3A_99 : i32 to vector<16xi32>
      %and3A_101 = arith.andi %add3A_98, %and3A_100 : vector<16xi32>
      %bitcast_convert_type3A_102 = tpu.bitcast %and3A_101 : vector<16xi32> -> vector<16xf32>
      %mul3A_103 = arith.constant 16 : i32
      %mul3A_104 = arith.muli %scan3A_63, %mul3A_103 : i32
      %swap3A_105 = arith.index_cast %mul3A_104 : i32 to index
      %swap3A_106 = tpu.vector_load %arg14[%swap3A_105] {strides = array<i32>} : memref<4096xf32, #tpu.memory_space<vmem>>, vector<16xf32>,
      %swap3A_107 = vector.shape_cast %swap3A_106 : vector<16xf32> to vector<16xf32>
      %swap3A_108 = vector.shape_cast %bitcast_convert_type3A_102 : vector<16xf32> to vector<16xf32>
      tpu.vector_store %arg14[%swap3A_105], %swap3A_108 {strides = array<i32>} : memref<4096xf32, #tpu.memory_space<vmem>>, vector<16xf32>,
      %bitcast_convert_type3A_109 = tpu.bitcast %get3A_73 : vector<16xf32> -> vector<16xi32>
      %shift_right_logical3A_110 = arith.constant 16 : i32
      %shift_right_logical3A_111 = vector.broadcast %shift_right_logical3A_110 : i32 to vector<16xi32>
      %shift_right_logical3A_112 = arith.shrui %bitcast_convert_type3A_109, %shift_right_logical3A_111 : vector<16xi32>
      %and3A_113 = arith.constant 1 : i32
      %and3A_114 = vector.broadcast %and3A_113 : i32 to vector<16xi32>
      %and3A_115 = arith.andi %shift_right_logical3A_112, %and3A_114 : vector<16xi32>
      %add3A_116 = arith.addi %bitcast_convert_type3A_109, %and3A_115 : vector<16xi32>
      %add3A_117 = arith.constant 32767 : i32
      %add3A_118 = vector.broadcast %add3A_117 : i32 to vector<16xi32>
      %add3A_119 = arith.addi %add3A_116, %add3A_118 : vector<16xi32>
      %and3A_120 = arith.constant -65536 : i32
      %and3A_121 = vector.broadcast %and3A_120 : i32 to vector<16xi32>
      %and3A_122 = arith.andi %add3A_119, %and3A_121 : vector<16xi32>
      %bitcast_convert_type3A_123 = tpu.bitcast %and3A_122 : vector<16xi32> -> vector<16xf32>
      %mul3A_124 = arith.constant 16 : i32
      %mul3A_125 = arith.muli %scan3A_63, %mul3A_124 : i32
      %swap3A_126 = arith.index_cast %mul3A_125 : i32 to index
      %swap3A_127 = tpu.vector_load %arg15[%swap3A_126] {strides = array<i32>} : memref<4096xf32, #tpu.memory_space<vmem>>, vector<16xf32>,
      %swap3A_128 = vector.shape_cast %swap3A_127 : vector<16xf32> to vector<16xf32>
      %swap3A_129 = vector.shape_cast %bitcast_convert_type3A_123 : vector<16xf32> to vector<16xf32>
      tpu.vector_store %arg15[%swap3A_126], %swap3A_129 {strides = array<i32>} : memref<4096xf32, #tpu.memory_space<vmem>>, vector<16xf32>,
      %bitcast_convert_type3A_130 = tpu.bitcast %get3A_78 : vector<16xf32> -> vector<16xi32>
      %shift_right_logical3A_131 = arith.constant 16 : i32
      %shift_right_logical3A_132 = vector.broadcast %shift_right_logical3A_131 : i32 to vector<16xi32>
      %shift_right_logical3A_133 = arith.shrui %bitcast_convert_type3A_130, %shift_right_logical3A_132 : vector<16xi32>
      %and3A_134 = arith.constant 1 : i32
      %and3A_135 = vector.broadcast %and3A_134 : i32 to vector<16xi32>
      %and3A_136 = arith.andi %shift_right_logical3A_133, %and3A_135 : vector<16xi32>
      %add3A_137 = arith.addi %bitcast_convert_type3A_130, %and3A_136 : vector<16xi32>
      %add3A_138 = arith.constant 32767 : i32
      %add3A_139 = vector.broadcast %add3A_138 : i32 to vector<16xi32>
      %add3A_140 = arith.addi %add3A_137, %add3A_139 : vector<16xi32>
      %and3A_141 = arith.constant -65536 : i32
      %and3A_142 = vector.broadcast %and3A_141 : i32 to vector<16xi32>
      %and3A_143 = arith.andi %add3A_140, %and3A_142 : vector<16xi32>
      %bitcast_convert_type3A_144 = tpu.bitcast %and3A_143 : vector<16xi32> -> vector<16xf32>
      %mul3A_145 = arith.constant 16 : i32
      %mul3A_146 = arith.muli %scan3A_63, %mul3A_145 : i32
      %swap3A_147 = arith.index_cast %mul3A_146 : i32 to index
      %swap3A_148 = tpu.vector_load %arg16[%swap3A_147] {strides = array<i32>} : memref<4096xf32, #tpu.memory_space<vmem>>, vector<16xf32>,
      %swap3A_149 = vector.shape_cast %swap3A_148 : vector<16xf32> to vector<16xf32>
      %swap3A_150 = vector.shape_cast %bitcast_convert_type3A_144 : vector<16xf32> to vector<16xf32>
      tpu.vector_store %arg16[%swap3A_147], %swap3A_150 {strides = array<i32>} : memref<4096xf32, #tpu.memory_space<vmem>>, vector<16xf32>,
      %scan3A_151 = arith.constant 0 : i32
      scf.yield %scan3A_151 : i32
    }
    %scan3A_45 = arith.constant 256 : i32
    %scan3A_46 = arith.constant 0x7F800000 : f32
    %scan3A_47 = arith.constant 0.000000e+00 : f32
    %scan3A_48 = arith.constant 0 : i32
    %scan3A_49 = arith.constant 4 : i32
    %scan3A_50 = arith.addi %scan3A_48, %scan3A_49 : i32
    %scan3A_51 = arith.constant 1 : i32
    %scan3A_52 = scf.for %scan3A_63 = %scan3A_48 to %scan3A_50 step %scan3A_51 iter_args(%scan3A_64 = %scan3A_47) -> (f32)  : i32 {
      %mul3A_65 = arith.constant 16 : i32
      %mul3A_66 = arith.muli %scan3A_63, %mul3A_65 : i32
      %get3A = arith.index_cast %mul3A_66 : i32 to index
      %get3A_67 = tpu.vector_load %arg10[%get3A] {strides = array<i32>} : memref<64xf32, #tpu.memory_space<vmem>>, vector<16xf32>,
      %get3A_68 = vector.shape_cast %get3A_67 : vector<16xf32> to vector<16xf32>
      %get3A_69 = arith.index_cast %mul3A_66 : i32 to index
      %get3A_70 = tpu.vector_load %arg11[%get3A_69] {strides = array<i32>} : memref<64xf32, #tpu.memory_space<vmem>>, vector<16xf32>,
      %get3A_71 = vector.shape_cast %get3A_70 : vector<16xf32> to vector<16xf32>
      %get3A_72 = arith.index_cast %mul3A_66 : i32 to index
      %get3A_73 = tpu.vector_load %arg12[%get3A_72] {strides = array<i32>} : memref<64xf32, #tpu.memory_space<vmem>>, vector<16xf32>,
      %get3A_74 = vector.shape_cast %get3A_73 : vector<16xf32> to vector<16xf32>
      %get3A_75 = arith.index_cast %mul3A_66 : i32 to index
      %get3A_76 = tpu.vector_load %arg13[%get3A_75] {strides = array<i32>} : memref<64xf32, #tpu.memory_space<vmem>>, vector<16xf32>,
      %get3A_77 = vector.shape_cast %get3A_76 : vector<16xf32> to vector<16xf32>
      %mul3A_78 = arith.mulf %get3A_68, %get3A_68 : vector<16xf32>
      %mul3A_79 = arith.mulf %get3A_71, %get3A_71 : vector<16xf32>
      %add3A_80 = arith.addf %mul3A_78, %mul3A_79 : vector<16xf32>
      %mul3A_81 = arith.mulf %get3A_74, %get3A_74 : vector<16xf32>
      %add3A_82 = arith.addf %add3A_80, %mul3A_81 : vector<16xf32>
      %mul3A_83 = arith.mulf %get3A_77, %add3A_82 : vector<16xf32>
      %bitcast_convert_type3A = tpu.bitcast %get3A_68 : vector<16xf32> -> vector<16xi32>
      %shift_right_logical3A = arith.constant 16 : i32
      %shift_right_logical3A_84 = vector.broadcast %shift_right_logical3A : i32 to vector<16xi32>
      %shift_right_logical3A_85 = arith.shrui %bitcast_convert_type3A, %shift_right_logical3A_84 : vector<16xi32>
      %and3A_86 = arith.constant 1 : i32
      %and3A_87 = vector.broadcast %and3A_86 : i32 to vector<16xi32>
      %and3A_88 = arith.andi %shift_right_logical3A_85, %and3A_87 : vector<16xi32>
      %add3A_89 = arith.addi %bitcast_convert_type3A, %and3A_88 : vector<16xi32>
      %add3A_90 = arith.constant 32767 : i32
      %add3A_91 = vector.broadcast %add3A_90 : i32 to vector<16xi32>
      %add3A_92 = arith.addi %add3A_89, %add3A_91 : vector<16xi32>
      %and3A_93 = arith.constant -65536 : i32
      %and3A_94 = vector.broadcast %and3A_93 : i32 to vector<16xi32>
      %and3A_95 = arith.andi %add3A_92, %and3A_94 : vector<16xi32>
      %bitcast_convert_type3A_96 = tpu.bitcast %and3A_95 : vector<16xi32> -> vector<16xf32>
      %bitcast_convert_type3A_97 = tpu.bitcast %get3A_71 : vector<16xf32> -> vector<16xi32>
      %shift_right_logical3A_98 = arith.constant 16 : i32
      %shift_right_logical3A_99 = vector.broadcast %shift_right_logical3A_98 : i32 to vector<16xi32>
      %shift_right_logical3A_100 = arith.shrui %bitcast_convert_type3A_97, %shift_right_logical3A_99 : vector<16xi32>
      %and3A_101 = arith.constant 1 : i32
      %and3A_102 = vector.broadcast %and3A_101 : i32 to vector<16xi32>
      %and3A_103 = arith.andi %shift_right_logical3A_100, %and3A_102 : vector<16xi32>
      %add3A_104 = arith.addi %bitcast_convert_type3A_97, %and3A_103 : vector<16xi32>
      %add3A_105 = arith.constant 32767 : i32
      %add3A_106 = vector.broadcast %add3A_105 : i32 to vector<16xi32>
      %add3A_107 = arith.addi %add3A_104, %add3A_106 : vector<16xi32>
      %and3A_108 = arith.constant -65536 : i32
      %and3A_109 = vector.broadcast %and3A_108 : i32 to vector<16xi32>
      %and3A_110 = arith.andi %add3A_107, %and3A_109 : vector<16xi32>
      %bitcast_convert_type3A_111 = tpu.bitcast %and3A_110 : vector<16xi32> -> vector<16xf32>
      %bitcast_convert_type3A_112 = tpu.bitcast %get3A_74 : vector<16xf32> -> vector<16xi32>
      %shift_right_logical3A_113 = arith.constant 16 : i32
      %shift_right_logical3A_114 = vector.broadcast %shift_right_logical3A_113 : i32 to vector<16xi32>
      %shift_right_logical3A_115 = arith.shrui %bitcast_convert_type3A_112, %shift_right_logical3A_114 : vector<16xi32>
      %and3A_116 = arith.constant 1 : i32
      %and3A_117 = vector.broadcast %and3A_116 : i32 to vector<16xi32>
      %and3A_118 = arith.andi %shift_right_logical3A_115, %and3A_117 : vector<16xi32>
      %add3A_119 = arith.addi %bitcast_convert_type3A_112, %and3A_118 : vector<16xi32>
      %add3A_120 = arith.constant 32767 : i32
      %add3A_121 = vector.broadcast %add3A_120 : i32 to vector<16xi32>
      %add3A_122 = arith.addi %add3A_119, %add3A_121 : vector<16xi32>
      %and3A_123 = arith.constant -65536 : i32
      %and3A_124 = vector.broadcast %and3A_123 : i32 to vector<16xi32>
      %and3A_125 = arith.andi %add3A_122, %and3A_124 : vector<16xi32>
      %bitcast_convert_type3A_126 = tpu.bitcast %and3A_125 : vector<16xi32> -> vector<16xf32>
      %slice3A = vector.extract_strided_slice %bitcast_convert_type3A_96 {offsets = [0], sizes = [1], strides = [1]} : vector<16xf32> to vector<1xf32>
      %squeeze3A = vector.extract %slice3A[0] : f32 from vector<1xf32>
      %mul3A_127 = arith.constant -2.000000e+00 : f32
      %mul3A_128 = arith.mulf %mul3A_127, %squeeze3A : f32
      %broadcast_in_dim3A_129 = vector.broadcast %mul3A_128 : f32 to vector<16xf32>
      %slice3A_130 = vector.extract_strided_slice %bitcast_convert_type3A_96 {offsets = [1], sizes = [1], strides = [1]} : vector<16xf32> to vector<1xf32>
      %squeeze3A_131 = vector.extract %slice3A_130[0] : f32 from vector<1xf32>
      %mul3A_132 = arith.constant -2.000000e+00 : f32
      %mul3A_133 = arith.mulf %mul3A_132, %squeeze3A_131 : f32
      %broadcast_in_dim3A_134 = vector.broadcast %mul3A_133 : f32 to vector<16xf32>
      %slice3A_135 = vector.extract_strided_slice %bitcast_convert_type3A_96 {offsets = [2], sizes = [1], strides = [1]} : vector<16xf32> to vector<1xf32>
      %squeeze3A_136 = vector.extract %slice3A_135[0] : f32 from vector<1xf32>
      %mul3A_137 = arith.constant -2.000000e+00 : f32
      %mul3A_138 = arith.mulf %mul3A_137, %squeeze3A_136 : f32
      %broadcast_in_dim3A_139 = vector.broadcast %mul3A_138 : f32 to vector<16xf32>
      %slice3A_140 = vector.extract_strided_slice %bitcast_convert_type3A_96 {offsets = [3], sizes = [1], strides = [1]} : vector<16xf32> to vector<1xf32>
      %squeeze3A_141 = vector.extract %slice3A_140[0] : f32 from vector<1xf32>
      %mul3A_142 = arith.constant -2.000000e+00 : f32
      %mul3A_143 = arith.mulf %mul3A_142, %squeeze3A_141 : f32
      %broadcast_in_dim3A_144 = vector.broadcast %mul3A_143 : f32 to vector<16xf32>
      %slice3A_145 = vector.extract_strided_slice %bitcast_convert_type3A_96 {offsets = [4], sizes = [1], strides = [1]} : vector<16xf32> to vector<1xf32>
      %squeeze3A_146 = vector.extract %slice3A_145[0] : f32 from vector<1xf32>
      %mul3A_147 = arith.constant -2.000000e+00 : f32
      %mul3A_148 = arith.mulf %mul3A_147, %squeeze3A_146 : f32
      %broadcast_in_dim3A_149 = vector.broadcast %mul3A_148 : f32 to vector<16xf32>
      %slice3A_150 = vector.extract_strided_slice %bitcast_convert_type3A_96 {offsets = [5], sizes = [1], strides = [1]} : vector<16xf32> to vector<1xf32>
      %squeeze3A_151 = vector.extract %slice3A_150[0] : f32 from vector<1xf32>
      %mul3A_152 = arith.constant -2.000000e+00 : f32
      %mul3A_153 = arith.mulf %mul3A_152, %squeeze3A_151 : f32
      %broadcast_in_dim3A_154 = vector.broadcast %mul3A_153 : f32 to vector<16xf32>
      %slice3A_155 = vector.extract_strided_slice %bitcast_convert_type3A_96 {offsets = [6], sizes = [1], strides = [1]} : vector<16xf32> to vector<1xf32>
      %squeeze3A_156 = vector.extract %slice3A_155[0] : f32 from vector<1xf32>
      %mul3A_157 = arith.constant -2.000000e+00 : f32
      %mul3A_158 = arith.mulf %mul3A_157, %squeeze3A_156 : f32
      %broadcast_in_dim3A_159 = vector.broadcast %mul3A_158 : f32 to vector<16xf32>
      %slice3A_160 = vector.extract_strided_slice %bitcast_convert_type3A_96 {offsets = [7], sizes = [1], strides = [1]} : vector<16xf32> to vector<1xf32>
      %squeeze3A_161 = vector.extract %slice3A_160[0] : f32 from vector<1xf32>
      %mul3A_162 = arith.constant -2.000000e+00 : f32
      %mul3A_163 = arith.mulf %mul3A_162, %squeeze3A_161 : f32
      %broadcast_in_dim3A_164 = vector.broadcast %mul3A_163 : f32 to vector<16xf32>
      %slice3A_165 = vector.extract_strided_slice %bitcast_convert_type3A_111 {offsets = [0], sizes = [1], strides = [1]} : vector<16xf32> to vector<1xf32>
      %squeeze3A_166 = vector.extract %slice3A_165[0] : f32 from vector<1xf32>
      %mul3A_167 = arith.constant -2.000000e+00 : f32
      %mul3A_168 = arith.mulf %mul3A_167, %squeeze3A_166 : f32
      %broadcast_in_dim3A_169 = vector.broadcast %mul3A_168 : f32 to vector<16xf32>
      %slice3A_170 = vector.extract_strided_slice %bitcast_convert_type3A_111 {offsets = [1], sizes = [1], strides = [1]} : vector<16xf32> to vector<1xf32>
      %squeeze3A_171 = vector.extract %slice3A_170[0] : f32 from vector<1xf32>
      %mul3A_172 = arith.constant -2.000000e+00 : f32
      %mul3A_173 = arith.mulf %mul3A_172, %squeeze3A_171 : f32
      %broadcast_in_dim3A_174 = vector.broadcast %mul3A_173 : f32 to vector<16xf32>
      %slice3A_175 = vector.extract_strided_slice %bitcast_convert_type3A_111 {offsets = [2], sizes = [1], strides = [1]} : vector<16xf32> to vector<1xf32>
      %squeeze3A_176 = vector.extract %slice3A_175[0] : f32 from vector<1xf32>
      %mul3A_177 = arith.constant -2.000000e+00 : f32
      %mul3A_178 = arith.mulf %mul3A_177, %squeeze3A_176 : f32
      %broadcast_in_dim3A_179 = vector.broadcast %mul3A_178 : f32 to vector<16xf32>
      %slice3A_180 = vector.extract_strided_slice %bitcast_convert_type3A_111 {offsets = [3], sizes = [1], strides = [1]} : vector<16xf32> to vector<1xf32>
      %squeeze3A_181 = vector.extract %slice3A_180[0] : f32 from vector<1xf32>
      %mul3A_182 = arith.constant -2.000000e+00 : f32
      %mul3A_183 = arith.mulf %mul3A_182, %squeeze3A_181 : f32
      %broadcast_in_dim3A_184 = vector.broadcast %mul3A_183 : f32 to vector<16xf32>
      %slice3A_185 = vector.extract_strided_slice %bitcast_convert_type3A_111 {offsets = [4], sizes = [1], strides = [1]} : vector<16xf32> to vector<1xf32>
      %squeeze3A_186 = vector.extract %slice3A_185[0] : f32 from vector<1xf32>
      %mul3A_187 = arith.constant -2.000000e+00 : f32
      %mul3A_188 = arith.mulf %mul3A_187, %squeeze3A_186 : f32
      %broadcast_in_dim3A_189 = vector.broadcast %mul3A_188 : f32 to vector<16xf32>
      %slice3A_190 = vector.extract_strided_slice %bitcast_convert_type3A_111 {offsets = [5], sizes = [1], strides = [1]} : vector<16xf32> to vector<1xf32>
      %squeeze3A_191 = vector.extract %slice3A_190[0] : f32 from vector<1xf32>
      %mul3A_192 = arith.constant -2.000000e+00 : f32
      %mul3A_193 = arith.mulf %mul3A_192, %squeeze3A_191 : f32
      %broadcast_in_dim3A_194 = vector.broadcast %mul3A_193 : f32 to vector<16xf32>
      %slice3A_195 = vector.extract_strided_slice %bitcast_convert_type3A_111 {offsets = [6], sizes = [1], strides = [1]} : vector<16xf32> to vector<1xf32>
      %squeeze3A_196 = vector.extract %slice3A_195[0] : f32 from vector<1xf32>
      %mul3A_197 = arith.constant -2.000000e+00 : f32
      %mul3A_198 = arith.mulf %mul3A_197, %squeeze3A_196 : f32
      %broadcast_in_dim3A_199 = vector.broadcast %mul3A_198 : f32 to vector<16xf32>
      %slice3A_200 = vector.extract_strided_slice %bitcast_convert_type3A_111 {offsets = [7], sizes = [1], strides = [1]} : vector<16xf32> to vector<1xf32>
      %squeeze3A_201 = vector.extract %slice3A_200[0] : f32 from vector<1xf32>
      %mul3A_202 = arith.constant -2.000000e+00 : f32
      %mul3A_203 = arith.mulf %mul3A_202, %squeeze3A_201 : f32
      %broadcast_in_dim3A_204 = vector.broadcast %mul3A_203 : f32 to vector<16xf32>
      %slice3A_205 = vector.extract_strided_slice %bitcast_convert_type3A_126 {offsets = [0], sizes = [1], strides = [1]} : vector<16xf32> to vector<1xf32>
      %squeeze3A_206 = vector.extract %slice3A_205[0] : f32 from vector<1xf32>
      %mul3A_207 = arith.constant -2.000000e+00 : f32
      %mul3A_208 = arith.mulf %mul3A_207, %squeeze3A_206 : f32
      %broadcast_in_dim3A_209 = vector.broadcast %mul3A_208 : f32 to vector<16xf32>
      %slice3A_210 = vector.extract_strided_slice %bitcast_convert_type3A_126 {offsets = [1], sizes = [1], strides = [1]} : vector<16xf32> to vector<1xf32>
      %squeeze3A_211 = vector.extract %slice3A_210[0] : f32 from vector<1xf32>
      %mul3A_212 = arith.constant -2.000000e+00 : f32
      %mul3A_213 = arith.mulf %mul3A_212, %squeeze3A_211 : f32
      %broadcast_in_dim3A_214 = vector.broadcast %mul3A_213 : f32 to vector<16xf32>
      %slice3A_215 = vector.extract_strided_slice %bitcast_convert_type3A_126 {offsets = [2], sizes = [1], strides = [1]} : vector<16xf32> to vector<1xf32>
      %squeeze3A_216 = vector.extract %slice3A_215[0] : f32 from vector<1xf32>
      %mul3A_217 = arith.constant -2.000000e+00 : f32
      %mul3A_218 = arith.mulf %mul3A_217, %squeeze3A_216 : f32
      %broadcast_in_dim3A_219 = vector.broadcast %mul3A_218 : f32 to vector<16xf32>
      %slice3A_220 = vector.extract_strided_slice %bitcast_convert_type3A_126 {offsets = [3], sizes = [1], strides = [1]} : vector<16xf32> to vector<1xf32>
      %squeeze3A_221 = vector.extract %slice3A_220[0] : f32 from vector<1xf32>
      %mul3A_222 = arith.constant -2.000000e+00 : f32
      %mul3A_223 = arith.mulf %mul3A_222, %squeeze3A_221 : f32
      %broadcast_in_dim3A_224 = vector.broadcast %mul3A_223 : f32 to vector<16xf32>
      %slice3A_225 = vector.extract_strided_slice %bitcast_convert_type3A_126 {offsets = [4], sizes = [1], strides = [1]} : vector<16xf32> to vector<1xf32>
      %squeeze3A_226 = vector.extract %slice3A_225[0] : f32 from vector<1xf32>
      %mul3A_227 = arith.constant -2.000000e+00 : f32
      %mul3A_228 = arith.mulf %mul3A_227, %squeeze3A_226 : f32
      %broadcast_in_dim3A_229 = vector.broadcast %mul3A_228 : f32 to vector<16xf32>
      %slice3A_230 = vector.extract_strided_slice %bitcast_convert_type3A_126 {offsets = [5], sizes = [1], strides = [1]} : vector<16xf32> to vector<1xf32>
      %squeeze3A_231 = vector.extract %slice3A_230[0] : f32 from vector<1xf32>
      %mul3A_232 = arith.constant -2.000000e+00 : f32
      %mul3A_233 = arith.mulf %mul3A_232, %squeeze3A_231 : f32
      %broadcast_in_dim3A_234 = vector.broadcast %mul3A_233 : f32 to vector<16xf32>
      %slice3A_235 = vector.extract_strided_slice %bitcast_convert_type3A_126 {offsets = [6], sizes = [1], strides = [1]} : vector<16xf32> to vector<1xf32>
      %squeeze3A_236 = vector.extract %slice3A_235[0] : f32 from vector<1xf32>
      %mul3A_237 = arith.constant -2.000000e+00 : f32
      %mul3A_238 = arith.mulf %mul3A_237, %squeeze3A_236 : f32
      %broadcast_in_dim3A_239 = vector.broadcast %mul3A_238 : f32 to vector<16xf32>
      %slice3A_240 = vector.extract_strided_slice %bitcast_convert_type3A_126 {offsets = [7], sizes = [1], strides = [1]} : vector<16xf32> to vector<1xf32>
      %squeeze3A_241 = vector.extract %slice3A_240[0] : f32 from vector<1xf32>
      %mul3A_242 = arith.constant -2.000000e+00 : f32
      %mul3A_243 = arith.mulf %mul3A_242, %squeeze3A_241 : f32
      %broadcast_in_dim3A_244 = vector.broadcast %mul3A_243 : f32 to vector<16xf32>
      %broadcast_in_dim3A_245 = vector.broadcast %scan3A_46 : f32 to vector<16xf32>
      %broadcast_in_dim3A_246 = vector.broadcast %scan3A_46 : f32 to vector<16xf32>
      %broadcast_in_dim3A_247 = vector.broadcast %scan3A_46 : f32 to vector<16xf32>
      %broadcast_in_dim3A_248 = vector.broadcast %scan3A_46 : f32 to vector<16xf32>
      %broadcast_in_dim3A_249 = vector.broadcast %scan3A_46 : f32 to vector<16xf32>
      %broadcast_in_dim3A_250 = vector.broadcast %scan3A_46 : f32 to vector<16xf32>
      %broadcast_in_dim3A_251 = vector.broadcast %scan3A_46 : f32 to vector<16xf32>
      %broadcast_in_dim3A_252 = vector.broadcast %scan3A_46 : f32 to vector<16xf32>
      %scan3A_253 = arith.constant 0 : i32
      %scan3A_254 = arith.constant 256 : i32
      %scan3A_255 = arith.addi %scan3A_253, %scan3A_254 : i32
      %scan3A_256 = arith.constant 1 : i32
      %scan3A_257:8 = scf.for %scan3A_1430 = %scan3A_253 to %scan3A_255 step %scan3A_256 iter_args(%scan3A_1431 = %broadcast_in_dim3A_245, %scan3A_1432 = %broadcast_in_dim3A_246, %scan3A_1433 = %broadcast_in_dim3A_247, %scan3A_1434 = %broadcast_in_dim3A_248, %scan3A_1435 = %broadcast_in_dim3A_249, %scan3A_1436 = %broadcast_in_dim3A_250, %scan3A_1437 = %broadcast_in_dim3A_251, %scan3A_1438 = %broadcast_in_dim3A_252) -> (vector<16xf32>, vector<16xf32>, vector<16xf32>, vector<16xf32>, vector<16xf32>, vector<16xf32>, vector<16xf32>, vector<16xf32>)  : i32 {
        %mul3A_1439 = arith.constant 16 : i32
        %mul3A_1440 = arith.muli %scan3A_1430, %mul3A_1439 : i32
        %get3A_1441 = arith.index_cast %mul3A_1440 : i32 to index
        %get3A_1442 = tpu.vector_load %arg14[%get3A_1441] {strides = array<i32>} : memref<4096xf32, #tpu.memory_space<vmem>>, vector<16xf32>,
        %get3A_1443 = vector.shape_cast %get3A_1442 : vector<16xf32> to vector<16xf32>
        %get3A_1444 = arith.index_cast %mul3A_1440 : i32 to index
        %get3A_1445 = tpu.vector_load %arg15[%get3A_1444] {strides = array<i32>} : memref<4096xf32, #tpu.memory_space<vmem>>, vector<16xf32>,
        %get3A_1446 = vector.shape_cast %get3A_1445 : vector<16xf32> to vector<16xf32>
        %get3A_1447 = arith.index_cast %mul3A_1440 : i32 to index
        %get3A_1448 = tpu.vector_load %arg16[%get3A_1447] {strides = array<i32>} : memref<4096xf32, #tpu.memory_space<vmem>>, vector<16xf32>,
        %get3A_1449 = vector.shape_cast %get3A_1448 : vector<16xf32> to vector<16xf32>
        %get3A_1450 = arith.index_cast %mul3A_1440 : i32 to index
        %get3A_1451 = tpu.vector_load %arg17[%get3A_1450] {strides = array<i32>} : memref<4096xf32, #tpu.memory_space<vmem>>, vector<16xf32>,
        %get3A_1452 = vector.shape_cast %get3A_1451 : vector<16xf32> to vector<16xf32>
        %mul3A_1453 = arith.mulf %broadcast_in_dim3A_129, %get3A_1443 : vector<16xf32>
        %add3A_1454 = arith.addf %get3A_1452, %mul3A_1453 : vector<16xf32>
        %mul3A_1455 = arith.mulf %broadcast_in_dim3A_169, %get3A_1446 : vector<16xf32>
        %mul3A_1456 = arith.mulf %broadcast_in_dim3A_209, %get3A_1449 : vector<16xf32>
        %add3A_1457 = arith.addf %mul3A_1455, %mul3A_1456 : vector<16xf32>
        %add3A_1458 = arith.addf %add3A_1454, %add3A_1457 : vector<16xf32>
        %min3A_1459 = arith.minimumf %scan3A_1431, %add3A_1458 : vector<16xf32>
        %mul3A_1460 = arith.mulf %broadcast_in_dim3A_134, %get3A_1443 : vector<16xf32>
        %add3A_1461 = arith.addf %get3A_1452, %mul3A_1460 : vector<16xf32>
        %mul3A_1462 = arith.mulf %broadcast_in_dim3A_174, %get3A_1446 : vector<16xf32>
        %mul3A_1463 = arith.mulf %broadcast_in_dim3A_214, %get3A_1449 : vector<16xf32>
        %add3A_1464 = arith.addf %mul3A_1462, %mul3A_1463 : vector<16xf32>
        %add3A_1465 = arith.addf %add3A_1461, %add3A_1464 : vector<16xf32>
        %min3A_1466 = arith.minimumf %scan3A_1432, %add3A_1465 : vector<16xf32>
        %mul3A_1467 = arith.mulf %broadcast_in_dim3A_139, %get3A_1443 : vector<16xf32>
        %add3A_1468 = arith.addf %get3A_1452, %mul3A_1467 : vector<16xf32>
        %mul3A_1469 = arith.mulf %broadcast_in_dim3A_179, %get3A_1446 : vector<16xf32>
        %mul3A_1470 = arith.mulf %broadcast_in_dim3A_219, %get3A_1449 : vector<16xf32>
        %add3A_1471 = arith.addf %mul3A_1469, %mul3A_1470 : vector<16xf32>
        %add3A_1472 = arith.addf %add3A_1468, %add3A_1471 : vector<16xf32>
        %min3A_1473 = arith.minimumf %scan3A_1433, %add3A_1472 : vector<16xf32>
        %mul3A_1474 = arith.mulf %broadcast_in_dim3A_144, %get3A_1443 : vector<16xf32>
        %add3A_1475 = arith.addf %get3A_1452, %mul3A_1474 : vector<16xf32>
        %mul3A_1476 = arith.mulf %broadcast_in_dim3A_184, %get3A_1446 : vector<16xf32>
        %mul3A_1477 = arith.mulf %broadcast_in_dim3A_224, %get3A_1449 : vector<16xf32>
        %add3A_1478 = arith.addf %mul3A_1476, %mul3A_1477 : vector<16xf32>
        %add3A_1479 = arith.addf %add3A_1475, %add3A_1478 : vector<16xf32>
        %min3A_1480 = arith.minimumf %scan3A_1434, %add3A_1479 : vector<16xf32>
        %mul3A_1481 = arith.mulf %broadcast_in_dim3A_149, %get3A_1443 : vector<16xf32>
        %add3A_1482 = arith.addf %get3A_1452, %mul3A_1481 : vector<16xf32>
        %mul3A_1483 = arith.mulf %broadcast_in_dim3A_189, %get3A_1446 : vector<16xf32>
        %mul3A_1484 = arith.mulf %broadcast_in_dim3A_229, %get3A_1449 : vector<16xf32>
        %add3A_1485 = arith.addf %mul3A_1483, %mul3A_1484 : vector<16xf32>
        %add3A_1486 = arith.addf %add3A_1482, %add3A_1485 : vector<16xf32>
        %min3A_1487 = arith.minimumf %scan3A_1435, %add3A_1486 : vector<16xf32>
        %mul3A_1488 = arith.mulf %broadcast_in_dim3A_154, %get3A_1443 : vector<16xf32>
        %add3A_1489 = arith.addf %get3A_1452, %mul3A_1488 : vector<16xf32>
        %mul3A_1490 = arith.mulf %broadcast_in_dim3A_194, %get3A_1446 : vector<16xf32>
        %mul3A_1491 = arith.mulf %broadcast_in_dim3A_234, %get3A_1449 : vector<16xf32>
        %add3A_1492 = arith.addf %mul3A_1490, %mul3A_1491 : vector<16xf32>
        %add3A_1493 = arith.addf %add3A_1489, %add3A_1492 : vector<16xf32>
        %min3A_1494 = arith.minimumf %scan3A_1436, %add3A_1493 : vector<16xf32>
        %mul3A_1495 = arith.mulf %broadcast_in_dim3A_159, %get3A_1443 : vector<16xf32>
        %add3A_1496 = arith.addf %get3A_1452, %mul3A_1495 : vector<16xf32>
        %mul3A_1497 = arith.mulf %broadcast_in_dim3A_199, %get3A_1446 : vector<16xf32>
        %mul3A_1498 = arith.mulf %broadcast_in_dim3A_239, %get3A_1449 : vector<16xf32>
        %add3A_1499 = arith.addf %mul3A_1497, %mul3A_1498 : vector<16xf32>
        %add3A_1500 = arith.addf %add3A_1496, %add3A_1499 : vector<16xf32>
        %min3A_1501 = arith.minimumf %scan3A_1437, %add3A_1500 : vector<16xf32>
        %mul3A_1502 = arith.mulf %broadcast_in_dim3A_164, %get3A_1443 : vector<16xf32>
        %add3A_1503 = arith.addf %get3A_1452, %mul3A_1502 : vector<16xf32>
        %mul3A_1504 = arith.mulf %broadcast_in_dim3A_204, %get3A_1446 : vector<16xf32>
        %mul3A_1505 = arith.mulf %broadcast_in_dim3A_244, %get3A_1449 : vector<16xf32>
        %add3A_1506 = arith.addf %mul3A_1504, %mul3A_1505 : vector<16xf32>
        %add3A_1507 = arith.addf %add3A_1503, %add3A_1506 : vector<16xf32>
        %min3A_1508 = arith.minimumf %scan3A_1438, %add3A_1507 : vector<16xf32>
        scf.yield %min3A_1459, %min3A_1466, %min3A_1473, %min3A_1480, %min3A_1487, %min3A_1494, %min3A_1501, %min3A_1508 : vector<16xf32>, vector<16xf32>, vector<16xf32>, vector<16xf32>, vector<16xf32>, vector<16xf32>, vector<16xf32>, vector<16xf32>
      }
      %scan3A_258 = arith.constant 256 : i32
      %slice3A_259 = vector.extract_strided_slice %get3A_77 {offsets = [0], sizes = [1], strides = [1]} : vector<16xf32> to vector<1xf32>
      %squeeze3A_260 = vector.extract %slice3A_259[0] : f32 from vector<1xf32>
      %xor3A = arith.constant 8 : i32
      %xor3A_261 = vector.broadcast %xor3A : i32 to vector<16xi32>
      %xor3A_262 = arith.xori %iota3A, %xor3A_261 : vector<16xi32>
      %lt3A_263 = arith.constant 0 : i32
      %lt3A_264 = vector.broadcast %lt3A_263 : i32 to vector<16xi32>
      %lt3A_265 = arith.cmpi slt, %xor3A_262, %lt3A_264 : vector<16xi32>
      %add3A_266 = arith.constant 16 : i32
      %add3A_267 = vector.broadcast %add3A_266 : i32 to vector<16xi32>
      %add3A_268 = arith.addi %xor3A_262, %add3A_267 : vector<16xi32>
      %select_n3A_269 = arith.select %lt3A_265, %add3A_268, %xor3A_262 : vector<16xi1>, vector<16xi32>
      %broadcast_in_dim3A_270 = vector.shape_cast %select_n3A_269 : vector<16xi32> to vector<16x1xi32>
      %gather3A = vector.shape_cast %broadcast_in_dim3A_270 : vector<16x1xi32> to vector<16xi32>
      %gather3A_271 = tpu.dynamic_gather %scan3A_257#0[%gather3A] in [0] : vector<16xf32>, vector<16xi32> -> vector<16xf32>
      %min3A = arith.minimumf %scan3A_257#0, %gather3A_271 : vector<16xf32>
      %xor3A_272 = arith.constant 4 : i32
      %xor3A_273 = vector.broadcast %xor3A_272 : i32 to vector<16xi32>
      %xor3A_274 = arith.xori %iota3A, %xor3A_273 : vector<16xi32>
      %lt3A_275 = arith.constant 0 : i32
      %lt3A_276 = vector.broadcast %lt3A_275 : i32 to vector<16xi32>
      %lt3A_277 = arith.cmpi slt, %xor3A_274, %lt3A_276 : vector<16xi32>
      %add3A_278 = arith.constant 16 : i32
      %add3A_279 = vector.broadcast %add3A_278 : i32 to vector<16xi32>
      %add3A_280 = arith.addi %xor3A_274, %add3A_279 : vector<16xi32>
      %select_n3A_281 = arith.select %lt3A_277, %add3A_280, %xor3A_274 : vector<16xi1>, vector<16xi32>
      %broadcast_in_dim3A_282 = vector.shape_cast %select_n3A_281 : vector<16xi32> to vector<16x1xi32>
      %gather3A_283 = vector.shape_cast %broadcast_in_dim3A_282 : vector<16x1xi32> to vector<16xi32>
      %gather3A_284 = tpu.dynamic_gather %min3A[%gather3A_283] in [0] : vector<16xf32>, vector<16xi32> -> vector<16xf32>
      %min3A_285 = arith.minimumf %min3A, %gather3A_284 : vector<16xf32>
      %xor3A_286 = arith.constant 2 : i32
      %xor3A_287 = vector.broadcast %xor3A_286 : i32 to vector<16xi32>
      %xor3A_288 = arith.xori %iota3A, %xor3A_287 : vector<16xi32>
      %lt3A_289 = arith.constant 0 : i32
      %lt3A_290 = vector.broadcast %lt3A_289 : i32 to vector<16xi32>
      %lt3A_291 = arith.cmpi slt, %xor3A_288, %lt3A_290 : vector<16xi32>
      %add3A_292 = arith.constant 16 : i32
      %add3A_293 = vector.broadcast %add3A_292 : i32 to vector<16xi32>
      %add3A_294 = arith.addi %xor3A_288, %add3A_293 : vector<16xi32>
      %select_n3A_295 = arith.select %lt3A_291, %add3A_294, %xor3A_288 : vector<16xi1>, vector<16xi32>
      %broadcast_in_dim3A_296 = vector.shape_cast %select_n3A_295 : vector<16xi32> to vector<16x1xi32>
      %gather3A_297 = vector.shape_cast %broadcast_in_dim3A_296 : vector<16x1xi32> to vector<16xi32>
      %gather3A_298 = tpu.dynamic_gather %min3A_285[%gather3A_297] in [0] : vector<16xf32>, vector<16xi32> -> vector<16xf32>
      %min3A_299 = arith.minimumf %min3A_285, %gather3A_298 : vector<16xf32>
      %xor3A_300 = arith.constant 1 : i32
      %xor3A_301 = vector.broadcast %xor3A_300 : i32 to vector<16xi32>
      %xor3A_302 = arith.xori %iota3A, %xor3A_301 : vector<16xi32>
      %lt3A_303 = arith.constant 0 : i32
      %lt3A_304 = vector.broadcast %lt3A_303 : i32 to vector<16xi32>
      %lt3A_305 = arith.cmpi slt, %xor3A_302, %lt3A_304 : vector<16xi32>
      %add3A_306 = arith.constant 16 : i32
      %add3A_307 = vector.broadcast %add3A_306 : i32 to vector<16xi32>
      %add3A_308 = arith.addi %xor3A_302, %add3A_307 : vector<16xi32>
      %select_n3A_309 = arith.select %lt3A_305, %add3A_308, %xor3A_302 : vector<16xi1>, vector<16xi32>
      %broadcast_in_dim3A_310 = vector.shape_cast %select_n3A_309 : vector<16xi32> to vector<16x1xi32>
      %gather3A_311 = vector.shape_cast %broadcast_in_dim3A_310 : vector<16x1xi32> to vector<16xi32>
      %gather3A_312 = tpu.dynamic_gather %min3A_299[%gather3A_311] in [0] : vector<16xf32>, vector<16xi32> -> vector<16xf32>
      %min3A_313 = arith.minimumf %min3A_299, %gather3A_312 : vector<16xf32>
      %slice3A_314 = vector.extract_strided_slice %min3A_313 {offsets = [0], sizes = [1], strides = [1]} : vector<16xf32> to vector<1xf32>
      %squeeze3A_315 = vector.extract %slice3A_314[0] : f32 from vector<1xf32>
      %mul3A_316 = arith.mulf %squeeze3A_260, %squeeze3A_315 : f32
      %add3A_317 = arith.addf %scan3A_64, %mul3A_316 : f32
      %slice3A_318 = vector.extract_strided_slice %mul3A_83 {offsets = [0], sizes = [1], strides = [1]} : vector<16xf32> to vector<1xf32>
      %squeeze3A_319 = vector.extract %slice3A_318[0] : f32 from vector<1xf32>
      %add3A_320 = arith.addf %add3A_317, %squeeze3A_319 : f32
      %slice3A_321 = vector.extract_strided_slice %get3A_77 {offsets = [1], sizes = [1], strides = [1]} : vector<16xf32> to vector<1xf32>
      %squeeze3A_322 = vector.extract %slice3A_321[0] : f32 from vector<1xf32>
      %xor3A_323 = arith.constant 8 : i32
      %xor3A_324 = vector.broadcast %xor3A_323 : i32 to vector<16xi32>
      %xor3A_325 = arith.xori %iota3A, %xor3A_324 : vector<16xi32>
      %lt3A_326 = arith.constant 0 : i32
      %lt3A_327 = vector.broadcast %lt3A_326 : i32 to vector<16xi32>
      %lt3A_328 = arith.cmpi slt, %xor3A_325, %lt3A_327 : vector<16xi32>
      %add3A_329 = arith.constant 16 : i32
      %add3A_330 = vector.broadcast %add3A_329 : i32 to vector<16xi32>
      %add3A_331 = arith.addi %xor3A_325, %add3A_330 : vector<16xi32>
      %select_n3A_332 = arith.select %lt3A_328, %add3A_331, %xor3A_325 : vector<16xi1>, vector<16xi32>
      %broadcast_in_dim3A_333 = vector.shape_cast %select_n3A_332 : vector<16xi32> to vector<16x1xi32>
      %gather3A_334 = vector.shape_cast %broadcast_in_dim3A_333 : vector<16x1xi32> to vector<16xi32>
      %gather3A_335 = tpu.dynamic_gather %scan3A_257#1[%gather3A_334] in [0] : vector<16xf32>, vector<16xi32> -> vector<16xf32>
      %min3A_336 = arith.minimumf %scan3A_257#1, %gather3A_335 : vector<16xf32>
      %xor3A_337 = arith.constant 4 : i32
      %xor3A_338 = vector.broadcast %xor3A_337 : i32 to vector<16xi32>
      %xor3A_339 = arith.xori %iota3A, %xor3A_338 : vector<16xi32>
      %lt3A_340 = arith.constant 0 : i32
      %lt3A_341 = vector.broadcast %lt3A_340 : i32 to vector<16xi32>
      %lt3A_342 = arith.cmpi slt, %xor3A_339, %lt3A_341 : vector<16xi32>
      %add3A_343 = arith.constant 16 : i32
      %add3A_344 = vector.broadcast %add3A_343 : i32 to vector<16xi32>
      %add3A_345 = arith.addi %xor3A_339, %add3A_344 : vector<16xi32>
      %select_n3A_346 = arith.select %lt3A_342, %add3A_345, %xor3A_339 : vector<16xi1>, vector<16xi32>
      %broadcast_in_dim3A_347 = vector.shape_cast %select_n3A_346 : vector<16xi32> to vector<16x1xi32>
      %gather3A_348 = vector.shape_cast %broadcast_in_dim3A_347 : vector<16x1xi32> to vector<16xi32>
      %gather3A_349 = tpu.dynamic_gather %min3A_336[%gather3A_348] in [0] : vector<16xf32>, vector<16xi32> -> vector<16xf32>
      %min3A_350 = arith.minimumf %min3A_336, %gather3A_349 : vector<16xf32>
      %xor3A_351 = arith.constant 2 : i32
      %xor3A_352 = vector.broadcast %xor3A_351 : i32 to vector<16xi32>
      %xor3A_353 = arith.xori %iota3A, %xor3A_352 : vector<16xi32>
      %lt3A_354 = arith.constant 0 : i32
      %lt3A_355 = vector.broadcast %lt3A_354 : i32 to vector<16xi32>
      %lt3A_356 = arith.cmpi slt, %xor3A_353, %lt3A_355 : vector<16xi32>
      %add3A_357 = arith.constant 16 : i32
      %add3A_358 = vector.broadcast %add3A_357 : i32 to vector<16xi32>
      %add3A_359 = arith.addi %xor3A_353, %add3A_358 : vector<16xi32>
      %select_n3A_360 = arith.select %lt3A_356, %add3A_359, %xor3A_353 : vector<16xi1>, vector<16xi32>
      %broadcast_in_dim3A_361 = vector.shape_cast %select_n3A_360 : vector<16xi32> to vector<16x1xi32>
      %gather3A_362 = vector.shape_cast %broadcast_in_dim3A_361 : vector<16x1xi32> to vector<16xi32>
      %gather3A_363 = tpu.dynamic_gather %min3A_350[%gather3A_362] in [0] : vector<16xf32>, vector<16xi32> -> vector<16xf32>
      %min3A_364 = arith.minimumf %min3A_350, %gather3A_363 : vector<16xf32>
      %xor3A_365 = arith.constant 1 : i32
      %xor3A_366 = vector.broadcast %xor3A_365 : i32 to vector<16xi32>
      %xor3A_367 = arith.xori %iota3A, %xor3A_366 : vector<16xi32>
      %lt3A_368 = arith.constant 0 : i32
      %lt3A_369 = vector.broadcast %lt3A_368 : i32 to vector<16xi32>
      %lt3A_370 = arith.cmpi slt, %xor3A_367, %lt3A_369 : vector<16xi32>
      %add3A_371 = arith.constant 16 : i32
      %add3A_372 = vector.broadcast %add3A_371 : i32 to vector<16xi32>
      %add3A_373 = arith.addi %xor3A_367, %add3A_372 : vector<16xi32>
      %select_n3A_374 = arith.select %lt3A_370, %add3A_373, %xor3A_367 : vector<16xi1>, vector<16xi32>
      %broadcast_in_dim3A_375 = vector.shape_cast %select_n3A_374 : vector<16xi32> to vector<16x1xi32>
      %gather3A_376 = vector.shape_cast %broadcast_in_dim3A_375 : vector<16x1xi32> to vector<16xi32>
      %gather3A_377 = tpu.dynamic_gather %min3A_364[%gather3A_376] in [0] : vector<16xf32>, vector<16xi32> -> vector<16xf32>
      %min3A_378 = arith.minimumf %min3A_364, %gather3A_377 : vector<16xf32>
      %slice3A_379 = vector.extract_strided_slice %min3A_378 {offsets = [0], sizes = [1], strides = [1]} : vector<16xf32> to vector<1xf32>
      %squeeze3A_380 = vector.extract %slice3A_379[0] : f32 from vector<1xf32>
      %mul3A_381 = arith.mulf %squeeze3A_322, %squeeze3A_380 : f32
      %add3A_382 = arith.addf %add3A_320, %mul3A_381 : f32
      %slice3A_383 = vector.extract_strided_slice %mul3A_83 {offsets = [1], sizes = [1], strides = [1]} : vector<16xf32> to vector<1xf32>
      %squeeze3A_384 = vector.extract %slice3A_383[0] : f32 from vector<1xf32>
      %add3A_385 = arith.addf %add3A_382, %squeeze3A_384 : f32
      %slice3A_386 = vector.extract_strided_slice %get3A_77 {offsets = [2], sizes = [1], strides = [1]} : vector<16xf32> to vector<1xf32>
      %squeeze3A_387 = vector.extract %slice3A_386[0] : f32 from vector<1xf32>
      %xor3A_388 = arith.constant 8 : i32
      %xor3A_389 = vector.broadcast %xor3A_388 : i32 to vector<16xi32>
      %xor3A_390 = arith.xori %iota3A, %xor3A_389 : vector<16xi32>
      %lt3A_391 = arith.constant 0 : i32
      %lt3A_392 = vector.broadcast %lt3A_391 : i32 to vector<16xi32>
      %lt3A_393 = arith.cmpi slt, %xor3A_390, %lt3A_392 : vector<16xi32>
      %add3A_394 = arith.constant 16 : i32
      %add3A_395 = vector.broadcast %add3A_394 : i32 to vector<16xi32>
      %add3A_396 = arith.addi %xor3A_390, %add3A_395 : vector<16xi32>
      %select_n3A_397 = arith.select %lt3A_393, %add3A_396, %xor3A_390 : vector<16xi1>, vector<16xi32>
      %broadcast_in_dim3A_398 = vector.shape_cast %select_n3A_397 : vector<16xi32> to vector<16x1xi32>
      %gather3A_399 = vector.shape_cast %broadcast_in_dim3A_398 : vector<16x1xi32> to vector<16xi32>
      %gather3A_400 = tpu.dynamic_gather %scan3A_257#2[%gather3A_399] in [0] : vector<16xf32>, vector<16xi32> -> vector<16xf32>
      %min3A_401 = arith.minimumf %scan3A_257#2, %gather3A_400 : vector<16xf32>
      %xor3A_402 = arith.constant 4 : i32
      %xor3A_403 = vector.broadcast %xor3A_402 : i32 to vector<16xi32>
      %xor3A_404 = arith.xori %iota3A, %xor3A_403 : vector<16xi32>
      %lt3A_405 = arith.constant 0 : i32
      %lt3A_406 = vector.broadcast %lt3A_405 : i32 to vector<16xi32>
      %lt3A_407 = arith.cmpi slt, %xor3A_404, %lt3A_406 : vector<16xi32>
      %add3A_408 = arith.constant 16 : i32
      %add3A_409 = vector.broadcast %add3A_408 : i32 to vector<16xi32>
      %add3A_410 = arith.addi %xor3A_404, %add3A_409 : vector<16xi32>
      %select_n3A_411 = arith.select %lt3A_407, %add3A_410, %xor3A_404 : vector<16xi1>, vector<16xi32>
      %broadcast_in_dim3A_412 = vector.shape_cast %select_n3A_411 : vector<16xi32> to vector<16x1xi32>
      %gather3A_413 = vector.shape_cast %broadcast_in_dim3A_412 : vector<16x1xi32> to vector<16xi32>
      %gather3A_414 = tpu.dynamic_gather %min3A_401[%gather3A_413] in [0] : vector<16xf32>, vector<16xi32> -> vector<16xf32>
      %min3A_415 = arith.minimumf %min3A_401, %gather3A_414 : vector<16xf32>
      %xor3A_416 = arith.constant 2 : i32
      %xor3A_417 = vector.broadcast %xor3A_416 : i32 to vector<16xi32>
      %xor3A_418 = arith.xori %iota3A, %xor3A_417 : vector<16xi32>
      %lt3A_419 = arith.constant 0 : i32
      %lt3A_420 = vector.broadcast %lt3A_419 : i32 to vector<16xi32>
      %lt3A_421 = arith.cmpi slt, %xor3A_418, %lt3A_420 : vector<16xi32>
      %add3A_422 = arith.constant 16 : i32
      %add3A_423 = vector.broadcast %add3A_422 : i32 to vector<16xi32>
      %add3A_424 = arith.addi %xor3A_418, %add3A_423 : vector<16xi32>
      %select_n3A_425 = arith.select %lt3A_421, %add3A_424, %xor3A_418 : vector<16xi1>, vector<16xi32>
      %broadcast_in_dim3A_426 = vector.shape_cast %select_n3A_425 : vector<16xi32> to vector<16x1xi32>
      %gather3A_427 = vector.shape_cast %broadcast_in_dim3A_426 : vector<16x1xi32> to vector<16xi32>
      %gather3A_428 = tpu.dynamic_gather %min3A_415[%gather3A_427] in [0] : vector<16xf32>, vector<16xi32> -> vector<16xf32>
      %min3A_429 = arith.minimumf %min3A_415, %gather3A_428 : vector<16xf32>
      %xor3A_430 = arith.constant 1 : i32
      %xor3A_431 = vector.broadcast %xor3A_430 : i32 to vector<16xi32>
      %xor3A_432 = arith.xori %iota3A, %xor3A_431 : vector<16xi32>
      %lt3A_433 = arith.constant 0 : i32
      %lt3A_434 = vector.broadcast %lt3A_433 : i32 to vector<16xi32>
      %lt3A_435 = arith.cmpi slt, %xor3A_432, %lt3A_434 : vector<16xi32>
      %add3A_436 = arith.constant 16 : i32
      %add3A_437 = vector.broadcast %add3A_436 : i32 to vector<16xi32>
      %add3A_438 = arith.addi %xor3A_432, %add3A_437 : vector<16xi32>
      %select_n3A_439 = arith.select %lt3A_435, %add3A_438, %xor3A_432 : vector<16xi1>, vector<16xi32>
      %broadcast_in_dim3A_440 = vector.shape_cast %select_n3A_439 : vector<16xi32> to vector<16x1xi32>
      %gather3A_441 = vector.shape_cast %broadcast_in_dim3A_440 : vector<16x1xi32> to vector<16xi32>
      %gather3A_442 = tpu.dynamic_gather %min3A_429[%gather3A_441] in [0] : vector<16xf32>, vector<16xi32> -> vector<16xf32>
      %min3A_443 = arith.minimumf %min3A_429, %gather3A_442 : vector<16xf32>
      %slice3A_444 = vector.extract_strided_slice %min3A_443 {offsets = [0], sizes = [1], strides = [1]} : vector<16xf32> to vector<1xf32>
      %squeeze3A_445 = vector.extract %slice3A_444[0] : f32 from vector<1xf32>
      %mul3A_446 = arith.mulf %squeeze3A_387, %squeeze3A_445 : f32
      %add3A_447 = arith.addf %add3A_385, %mul3A_446 : f32
      %slice3A_448 = vector.extract_strided_slice %mul3A_83 {offsets = [2], sizes = [1], strides = [1]} : vector<16xf32> to vector<1xf32>
      %squeeze3A_449 = vector.extract %slice3A_448[0] : f32 from vector<1xf32>
      %add3A_450 = arith.addf %add3A_447, %squeeze3A_449 : f32
      %slice3A_451 = vector.extract_strided_slice %get3A_77 {offsets = [3], sizes = [1], strides = [1]} : vector<16xf32> to vector<1xf32>
      %squeeze3A_452 = vector.extract %slice3A_451[0] : f32 from vector<1xf32>
      %xor3A_453 = arith.constant 8 : i32
      %xor3A_454 = vector.broadcast %xor3A_453 : i32 to vector<16xi32>
      %xor3A_455 = arith.xori %iota3A, %xor3A_454 : vector<16xi32>
      %lt3A_456 = arith.constant 0 : i32
      %lt3A_457 = vector.broadcast %lt3A_456 : i32 to vector<16xi32>
      %lt3A_458 = arith.cmpi slt, %xor3A_455, %lt3A_457 : vector<16xi32>
      %add3A_459 = arith.constant 16 : i32
      %add3A_460 = vector.broadcast %add3A_459 : i32 to vector<16xi32>
      %add3A_461 = arith.addi %xor3A_455, %add3A_460 : vector<16xi32>
      %select_n3A_462 = arith.select %lt3A_458, %add3A_461, %xor3A_455 : vector<16xi1>, vector<16xi32>
      %broadcast_in_dim3A_463 = vector.shape_cast %select_n3A_462 : vector<16xi32> to vector<16x1xi32>
      %gather3A_464 = vector.shape_cast %broadcast_in_dim3A_463 : vector<16x1xi32> to vector<16xi32>
      %gather3A_465 = tpu.dynamic_gather %scan3A_257#3[%gather3A_464] in [0] : vector<16xf32>, vector<16xi32> -> vector<16xf32>
      %min3A_466 = arith.minimumf %scan3A_257#3, %gather3A_465 : vector<16xf32>
      %xor3A_467 = arith.constant 4 : i32
      %xor3A_468 = vector.broadcast %xor3A_467 : i32 to vector<16xi32>
      %xor3A_469 = arith.xori %iota3A, %xor3A_468 : vector<16xi32>
      %lt3A_470 = arith.constant 0 : i32
      %lt3A_471 = vector.broadcast %lt3A_470 : i32 to vector<16xi32>
      %lt3A_472 = arith.cmpi slt, %xor3A_469, %lt3A_471 : vector<16xi32>
      %add3A_473 = arith.constant 16 : i32
      %add3A_474 = vector.broadcast %add3A_473 : i32 to vector<16xi32>
      %add3A_475 = arith.addi %xor3A_469, %add3A_474 : vector<16xi32>
      %select_n3A_476 = arith.select %lt3A_472, %add3A_475, %xor3A_469 : vector<16xi1>, vector<16xi32>
      %broadcast_in_dim3A_477 = vector.shape_cast %select_n3A_476 : vector<16xi32> to vector<16x1xi32>
      %gather3A_478 = vector.shape_cast %broadcast_in_dim3A_477 : vector<16x1xi32> to vector<16xi32>
      %gather3A_479 = tpu.dynamic_gather %min3A_466[%gather3A_478] in [0] : vector<16xf32>, vector<16xi32> -> vector<16xf32>
      %min3A_480 = arith.minimumf %min3A_466, %gather3A_479 : vector<16xf32>
      %xor3A_481 = arith.constant 2 : i32
      %xor3A_482 = vector.broadcast %xor3A_481 : i32 to vector<16xi32>
      %xor3A_483 = arith.xori %iota3A, %xor3A_482 : vector<16xi32>
      %lt3A_484 = arith.constant 0 : i32
      %lt3A_485 = vector.broadcast %lt3A_484 : i32 to vector<16xi32>
      %lt3A_486 = arith.cmpi slt, %xor3A_483, %lt3A_485 : vector<16xi32>
      %add3A_487 = arith.constant 16 : i32
      %add3A_488 = vector.broadcast %add3A_487 : i32 to vector<16xi32>
      %add3A_489 = arith.addi %xor3A_483, %add3A_488 : vector<16xi32>
      %select_n3A_490 = arith.select %lt3A_486, %add3A_489, %xor3A_483 : vector<16xi1>, vector<16xi32>
      %broadcast_in_dim3A_491 = vector.shape_cast %select_n3A_490 : vector<16xi32> to vector<16x1xi32>
      %gather3A_492 = vector.shape_cast %broadcast_in_dim3A_491 : vector<16x1xi32> to vector<16xi32>
      %gather3A_493 = tpu.dynamic_gather %min3A_480[%gather3A_492] in [0] : vector<16xf32>, vector<16xi32> -> vector<16xf32>
      %min3A_494 = arith.minimumf %min3A_480, %gather3A_493 : vector<16xf32>
      %xor3A_495 = arith.constant 1 : i32
      %xor3A_496 = vector.broadcast %xor3A_495 : i32 to vector<16xi32>
      %xor3A_497 = arith.xori %iota3A, %xor3A_496 : vector<16xi32>
      %lt3A_498 = arith.constant 0 : i32
      %lt3A_499 = vector.broadcast %lt3A_498 : i32 to vector<16xi32>
      %lt3A_500 = arith.cmpi slt, %xor3A_497, %lt3A_499 : vector<16xi32>
      %add3A_501 = arith.constant 16 : i32
      %add3A_502 = vector.broadcast %add3A_501 : i32 to vector<16xi32>
      %add3A_503 = arith.addi %xor3A_497, %add3A_502 : vector<16xi32>
      %select_n3A_504 = arith.select %lt3A_500, %add3A_503, %xor3A_497 : vector<16xi1>, vector<16xi32>
      %broadcast_in_dim3A_505 = vector.shape_cast %select_n3A_504 : vector<16xi32> to vector<16x1xi32>
      %gather3A_506 = vector.shape_cast %broadcast_in_dim3A_505 : vector<16x1xi32> to vector<16xi32>
      %gather3A_507 = tpu.dynamic_gather %min3A_494[%gather3A_506] in [0] : vector<16xf32>, vector<16xi32> -> vector<16xf32>
      %min3A_508 = arith.minimumf %min3A_494, %gather3A_507 : vector<16xf32>
      %slice3A_509 = vector.extract_strided_slice %min3A_508 {offsets = [0], sizes = [1], strides = [1]} : vector<16xf32> to vector<1xf32>
      %squeeze3A_510 = vector.extract %slice3A_509[0] : f32 from vector<1xf32>
      %mul3A_511 = arith.mulf %squeeze3A_452, %squeeze3A_510 : f32
      %add3A_512 = arith.addf %add3A_450, %mul3A_511 : f32
      %slice3A_513 = vector.extract_strided_slice %mul3A_83 {offsets = [3], sizes = [1], strides = [1]} : vector<16xf32> to vector<1xf32>
      %squeeze3A_514 = vector.extract %slice3A_513[0] : f32 from vector<1xf32>
      %add3A_515 = arith.addf %add3A_512, %squeeze3A_514 : f32
      %slice3A_516 = vector.extract_strided_slice %get3A_77 {offsets = [4], sizes = [1], strides = [1]} : vector<16xf32> to vector<1xf32>
      %squeeze3A_517 = vector.extract %slice3A_516[0] : f32 from vector<1xf32>
      %xor3A_518 = arith.constant 8 : i32
      %xor3A_519 = vector.broadcast %xor3A_518 : i32 to vector<16xi32>
      %xor3A_520 = arith.xori %iota3A, %xor3A_519 : vector<16xi32>
      %lt3A_521 = arith.constant 0 : i32
      %lt3A_522 = vector.broadcast %lt3A_521 : i32 to vector<16xi32>
      %lt3A_523 = arith.cmpi slt, %xor3A_520, %lt3A_522 : vector<16xi32>
      %add3A_524 = arith.constant 16 : i32
      %add3A_525 = vector.broadcast %add3A_524 : i32 to vector<16xi32>
      %add3A_526 = arith.addi %xor3A_520, %add3A_525 : vector<16xi32>
      %select_n3A_527 = arith.select %lt3A_523, %add3A_526, %xor3A_520 : vector<16xi1>, vector<16xi32>
      %broadcast_in_dim3A_528 = vector.shape_cast %select_n3A_527 : vector<16xi32> to vector<16x1xi32>
      %gather3A_529 = vector.shape_cast %broadcast_in_dim3A_528 : vector<16x1xi32> to vector<16xi32>
      %gather3A_530 = tpu.dynamic_gather %scan3A_257#4[%gather3A_529] in [0] : vector<16xf32>, vector<16xi32> -> vector<16xf32>
      %min3A_531 = arith.minimumf %scan3A_257#4, %gather3A_530 : vector<16xf32>
      %xor3A_532 = arith.constant 4 : i32
      %xor3A_533 = vector.broadcast %xor3A_532 : i32 to vector<16xi32>
      %xor3A_534 = arith.xori %iota3A, %xor3A_533 : vector<16xi32>
      %lt3A_535 = arith.constant 0 : i32
      %lt3A_536 = vector.broadcast %lt3A_535 : i32 to vector<16xi32>
      %lt3A_537 = arith.cmpi slt, %xor3A_534, %lt3A_536 : vector<16xi32>
      %add3A_538 = arith.constant 16 : i32
      %add3A_539 = vector.broadcast %add3A_538 : i32 to vector<16xi32>
      %add3A_540 = arith.addi %xor3A_534, %add3A_539 : vector<16xi32>
      %select_n3A_541 = arith.select %lt3A_537, %add3A_540, %xor3A_534 : vector<16xi1>, vector<16xi32>
      %broadcast_in_dim3A_542 = vector.shape_cast %select_n3A_541 : vector<16xi32> to vector<16x1xi32>
      %gather3A_543 = vector.shape_cast %broadcast_in_dim3A_542 : vector<16x1xi32> to vector<16xi32>
      %gather3A_544 = tpu.dynamic_gather %min3A_531[%gather3A_543] in [0] : vector<16xf32>, vector<16xi32> -> vector<16xf32>
      %min3A_545 = arith.minimumf %min3A_531, %gather3A_544 : vector<16xf32>
      %xor3A_546 = arith.constant 2 : i32
      %xor3A_547 = vector.broadcast %xor3A_546 : i32 to vector<16xi32>
      %xor3A_548 = arith.xori %iota3A, %xor3A_547 : vector<16xi32>
      %lt3A_549 = arith.constant 0 : i32
      %lt3A_550 = vector.broadcast %lt3A_549 : i32 to vector<16xi32>
      %lt3A_551 = arith.cmpi slt, %xor3A_548, %lt3A_550 : vector<16xi32>
      %add3A_552 = arith.constant 16 : i32
      %add3A_553 = vector.broadcast %add3A_552 : i32 to vector<16xi32>
      %add3A_554 = arith.addi %xor3A_548, %add3A_553 : vector<16xi32>
      %select_n3A_555 = arith.select %lt3A_551, %add3A_554, %xor3A_548 : vector<16xi1>, vector<16xi32>
      %broadcast_in_dim3A_556 = vector.shape_cast %select_n3A_555 : vector<16xi32> to vector<16x1xi32>
      %gather3A_557 = vector.shape_cast %broadcast_in_dim3A_556 : vector<16x1xi32> to vector<16xi32>
      %gather3A_558 = tpu.dynamic_gather %min3A_545[%gather3A_557] in [0] : vector<16xf32>, vector<16xi32> -> vector<16xf32>
      %min3A_559 = arith.minimumf %min3A_545, %gather3A_558 : vector<16xf32>
      %xor3A_560 = arith.constant 1 : i32
      %xor3A_561 = vector.broadcast %xor3A_560 : i32 to vector<16xi32>
      %xor3A_562 = arith.xori %iota3A, %xor3A_561 : vector<16xi32>
      %lt3A_563 = arith.constant 0 : i32
      %lt3A_564 = vector.broadcast %lt3A_563 : i32 to vector<16xi32>
      %lt3A_565 = arith.cmpi slt, %xor3A_562, %lt3A_564 : vector<16xi32>
      %add3A_566 = arith.constant 16 : i32
      %add3A_567 = vector.broadcast %add3A_566 : i32 to vector<16xi32>
      %add3A_568 = arith.addi %xor3A_562, %add3A_567 : vector<16xi32>
      %select_n3A_569 = arith.select %lt3A_565, %add3A_568, %xor3A_562 : vector<16xi1>, vector<16xi32>
      %broadcast_in_dim3A_570 = vector.shape_cast %select_n3A_569 : vector<16xi32> to vector<16x1xi32>
      %gather3A_571 = vector.shape_cast %broadcast_in_dim3A_570 : vector<16x1xi32> to vector<16xi32>
      %gather3A_572 = tpu.dynamic_gather %min3A_559[%gather3A_571] in [0] : vector<16xf32>, vector<16xi32> -> vector<16xf32>
      %min3A_573 = arith.minimumf %min3A_559, %gather3A_572 : vector<16xf32>
      %slice3A_574 = vector.extract_strided_slice %min3A_573 {offsets = [0], sizes = [1], strides = [1]} : vector<16xf32> to vector<1xf32>
      %squeeze3A_575 = vector.extract %slice3A_574[0] : f32 from vector<1xf32>
      %mul3A_576 = arith.mulf %squeeze3A_517, %squeeze3A_575 : f32
      %add3A_577 = arith.addf %add3A_515, %mul3A_576 : f32
      %slice3A_578 = vector.extract_strided_slice %mul3A_83 {offsets = [4], sizes = [1], strides = [1]} : vector<16xf32> to vector<1xf32>
      %squeeze3A_579 = vector.extract %slice3A_578[0] : f32 from vector<1xf32>
      %add3A_580 = arith.addf %add3A_577, %squeeze3A_579 : f32
      %slice3A_581 = vector.extract_strided_slice %get3A_77 {offsets = [5], sizes = [1], strides = [1]} : vector<16xf32> to vector<1xf32>
      %squeeze3A_582 = vector.extract %slice3A_581[0] : f32 from vector<1xf32>
      %xor3A_583 = arith.constant 8 : i32
      %xor3A_584 = vector.broadcast %xor3A_583 : i32 to vector<16xi32>
      %xor3A_585 = arith.xori %iota3A, %xor3A_584 : vector<16xi32>
      %lt3A_586 = arith.constant 0 : i32
      %lt3A_587 = vector.broadcast %lt3A_586 : i32 to vector<16xi32>
      %lt3A_588 = arith.cmpi slt, %xor3A_585, %lt3A_587 : vector<16xi32>
      %add3A_589 = arith.constant 16 : i32
      %add3A_590 = vector.broadcast %add3A_589 : i32 to vector<16xi32>
      %add3A_591 = arith.addi %xor3A_585, %add3A_590 : vector<16xi32>
      %select_n3A_592 = arith.select %lt3A_588, %add3A_591, %xor3A_585 : vector<16xi1>, vector<16xi32>
      %broadcast_in_dim3A_593 = vector.shape_cast %select_n3A_592 : vector<16xi32> to vector<16x1xi32>
      %gather3A_594 = vector.shape_cast %broadcast_in_dim3A_593 : vector<16x1xi32> to vector<16xi32>
      %gather3A_595 = tpu.dynamic_gather %scan3A_257#5[%gather3A_594] in [0] : vector<16xf32>, vector<16xi32> -> vector<16xf32>
      %min3A_596 = arith.minimumf %scan3A_257#5, %gather3A_595 : vector<16xf32>
      %xor3A_597 = arith.constant 4 : i32
      %xor3A_598 = vector.broadcast %xor3A_597 : i32 to vector<16xi32>
      %xor3A_599 = arith.xori %iota3A, %xor3A_598 : vector<16xi32>
      %lt3A_600 = arith.constant 0 : i32
      %lt3A_601 = vector.broadcast %lt3A_600 : i32 to vector<16xi32>
      %lt3A_602 = arith.cmpi slt, %xor3A_599, %lt3A_601 : vector<16xi32>
      %add3A_603 = arith.constant 16 : i32
      %add3A_604 = vector.broadcast %add3A_603 : i32 to vector<16xi32>
      %add3A_605 = arith.addi %xor3A_599, %add3A_604 : vector<16xi32>
      %select_n3A_606 = arith.select %lt3A_602, %add3A_605, %xor3A_599 : vector<16xi1>, vector<16xi32>
      %broadcast_in_dim3A_607 = vector.shape_cast %select_n3A_606 : vector<16xi32> to vector<16x1xi32>
      %gather3A_608 = vector.shape_cast %broadcast_in_dim3A_607 : vector<16x1xi32> to vector<16xi32>
      %gather3A_609 = tpu.dynamic_gather %min3A_596[%gather3A_608] in [0] : vector<16xf32>, vector<16xi32> -> vector<16xf32>
      %min3A_610 = arith.minimumf %min3A_596, %gather3A_609 : vector<16xf32>
      %xor3A_611 = arith.constant 2 : i32
      %xor3A_612 = vector.broadcast %xor3A_611 : i32 to vector<16xi32>
      %xor3A_613 = arith.xori %iota3A, %xor3A_612 : vector<16xi32>
      %lt3A_614 = arith.constant 0 : i32
      %lt3A_615 = vector.broadcast %lt3A_614 : i32 to vector<16xi32>
      %lt3A_616 = arith.cmpi slt, %xor3A_613, %lt3A_615 : vector<16xi32>
      %add3A_617 = arith.constant 16 : i32
      %add3A_618 = vector.broadcast %add3A_617 : i32 to vector<16xi32>
      %add3A_619 = arith.addi %xor3A_613, %add3A_618 : vector<16xi32>
      %select_n3A_620 = arith.select %lt3A_616, %add3A_619, %xor3A_613 : vector<16xi1>, vector<16xi32>
      %broadcast_in_dim3A_621 = vector.shape_cast %select_n3A_620 : vector<16xi32> to vector<16x1xi32>
      %gather3A_622 = vector.shape_cast %broadcast_in_dim3A_621 : vector<16x1xi32> to vector<16xi32>
      %gather3A_623 = tpu.dynamic_gather %min3A_610[%gather3A_622] in [0] : vector<16xf32>, vector<16xi32> -> vector<16xf32>
      %min3A_624 = arith.minimumf %min3A_610, %gather3A_623 : vector<16xf32>
      %xor3A_625 = arith.constant 1 : i32
      %xor3A_626 = vector.broadcast %xor3A_625 : i32 to vector<16xi32>
      %xor3A_627 = arith.xori %iota3A, %xor3A_626 : vector<16xi32>
      %lt3A_628 = arith.constant 0 : i32
      %lt3A_629 = vector.broadcast %lt3A_628 : i32 to vector<16xi32>
      %lt3A_630 = arith.cmpi slt, %xor3A_627, %lt3A_629 : vector<16xi32>
      %add3A_631 = arith.constant 16 : i32
      %add3A_632 = vector.broadcast %add3A_631 : i32 to vector<16xi32>
      %add3A_633 = arith.addi %xor3A_627, %add3A_632 : vector<16xi32>
      %select_n3A_634 = arith.select %lt3A_630, %add3A_633, %xor3A_627 : vector<16xi1>, vector<16xi32>
      %broadcast_in_dim3A_635 = vector.shape_cast %select_n3A_634 : vector<16xi32> to vector<16x1xi32>
      %gather3A_636 = vector.shape_cast %broadcast_in_dim3A_635 : vector<16x1xi32> to vector<16xi32>
      %gather3A_637 = tpu.dynamic_gather %min3A_624[%gather3A_636] in [0] : vector<16xf32>, vector<16xi32> -> vector<16xf32>
      %min3A_638 = arith.minimumf %min3A_624, %gather3A_637 : vector<16xf32>
      %slice3A_639 = vector.extract_strided_slice %min3A_638 {offsets = [0], sizes = [1], strides = [1]} : vector<16xf32> to vector<1xf32>
      %squeeze3A_640 = vector.extract %slice3A_639[0] : f32 from vector<1xf32>
      %mul3A_641 = arith.mulf %squeeze3A_582, %squeeze3A_640 : f32
      %add3A_642 = arith.addf %add3A_580, %mul3A_641 : f32
      %slice3A_643 = vector.extract_strided_slice %mul3A_83 {offsets = [5], sizes = [1], strides = [1]} : vector<16xf32> to vector<1xf32>
      %squeeze3A_644 = vector.extract %slice3A_643[0] : f32 from vector<1xf32>
      %add3A_645 = arith.addf %add3A_642, %squeeze3A_644 : f32
      %slice3A_646 = vector.extract_strided_slice %get3A_77 {offsets = [6], sizes = [1], strides = [1]} : vector<16xf32> to vector<1xf32>
      %squeeze3A_647 = vector.extract %slice3A_646[0] : f32 from vector<1xf32>
      %xor3A_648 = arith.constant 8 : i32
      %xor3A_649 = vector.broadcast %xor3A_648 : i32 to vector<16xi32>
      %xor3A_650 = arith.xori %iota3A, %xor3A_649 : vector<16xi32>
      %lt3A_651 = arith.constant 0 : i32
      %lt3A_652 = vector.broadcast %lt3A_651 : i32 to vector<16xi32>
      %lt3A_653 = arith.cmpi slt, %xor3A_650, %lt3A_652 : vector<16xi32>
      %add3A_654 = arith.constant 16 : i32
      %add3A_655 = vector.broadcast %add3A_654 : i32 to vector<16xi32>
      %add3A_656 = arith.addi %xor3A_650, %add3A_655 : vector<16xi32>
      %select_n3A_657 = arith.select %lt3A_653, %add3A_656, %xor3A_650 : vector<16xi1>, vector<16xi32>
      %broadcast_in_dim3A_658 = vector.shape_cast %select_n3A_657 : vector<16xi32> to vector<16x1xi32>
      %gather3A_659 = vector.shape_cast %broadcast_in_dim3A_658 : vector<16x1xi32> to vector<16xi32>
      %gather3A_660 = tpu.dynamic_gather %scan3A_257#6[%gather3A_659] in [0] : vector<16xf32>, vector<16xi32> -> vector<16xf32>
      %min3A_661 = arith.minimumf %scan3A_257#6, %gather3A_660 : vector<16xf32>
      %xor3A_662 = arith.constant 4 : i32
      %xor3A_663 = vector.broadcast %xor3A_662 : i32 to vector<16xi32>
      %xor3A_664 = arith.xori %iota3A, %xor3A_663 : vector<16xi32>
      %lt3A_665 = arith.constant 0 : i32
      %lt3A_666 = vector.broadcast %lt3A_665 : i32 to vector<16xi32>
      %lt3A_667 = arith.cmpi slt, %xor3A_664, %lt3A_666 : vector<16xi32>
      %add3A_668 = arith.constant 16 : i32
      %add3A_669 = vector.broadcast %add3A_668 : i32 to vector<16xi32>
      %add3A_670 = arith.addi %xor3A_664, %add3A_669 : vector<16xi32>
      %select_n3A_671 = arith.select %lt3A_667, %add3A_670, %xor3A_664 : vector<16xi1>, vector<16xi32>
      %broadcast_in_dim3A_672 = vector.shape_cast %select_n3A_671 : vector<16xi32> to vector<16x1xi32>
      %gather3A_673 = vector.shape_cast %broadcast_in_dim3A_672 : vector<16x1xi32> to vector<16xi32>
      %gather3A_674 = tpu.dynamic_gather %min3A_661[%gather3A_673] in [0] : vector<16xf32>, vector<16xi32> -> vector<16xf32>
      %min3A_675 = arith.minimumf %min3A_661, %gather3A_674 : vector<16xf32>
      %xor3A_676 = arith.constant 2 : i32
      %xor3A_677 = vector.broadcast %xor3A_676 : i32 to vector<16xi32>
      %xor3A_678 = arith.xori %iota3A, %xor3A_677 : vector<16xi32>
      %lt3A_679 = arith.constant 0 : i32
      %lt3A_680 = vector.broadcast %lt3A_679 : i32 to vector<16xi32>
      %lt3A_681 = arith.cmpi slt, %xor3A_678, %lt3A_680 : vector<16xi32>
      %add3A_682 = arith.constant 16 : i32
      %add3A_683 = vector.broadcast %add3A_682 : i32 to vector<16xi32>
      %add3A_684 = arith.addi %xor3A_678, %add3A_683 : vector<16xi32>
      %select_n3A_685 = arith.select %lt3A_681, %add3A_684, %xor3A_678 : vector<16xi1>, vector<16xi32>
      %broadcast_in_dim3A_686 = vector.shape_cast %select_n3A_685 : vector<16xi32> to vector<16x1xi32>
      %gather3A_687 = vector.shape_cast %broadcast_in_dim3A_686 : vector<16x1xi32> to vector<16xi32>
      %gather3A_688 = tpu.dynamic_gather %min3A_675[%gather3A_687] in [0] : vector<16xf32>, vector<16xi32> -> vector<16xf32>
      %min3A_689 = arith.minimumf %min3A_675, %gather3A_688 : vector<16xf32>
      %xor3A_690 = arith.constant 1 : i32
      %xor3A_691 = vector.broadcast %xor3A_690 : i32 to vector<16xi32>
      %xor3A_692 = arith.xori %iota3A, %xor3A_691 : vector<16xi32>
      %lt3A_693 = arith.constant 0 : i32
      %lt3A_694 = vector.broadcast %lt3A_693 : i32 to vector<16xi32>
      %lt3A_695 = arith.cmpi slt, %xor3A_692, %lt3A_694 : vector<16xi32>
      %add3A_696 = arith.constant 16 : i32
      %add3A_697 = vector.broadcast %add3A_696 : i32 to vector<16xi32>
      %add3A_698 = arith.addi %xor3A_692, %add3A_697 : vector<16xi32>
      %select_n3A_699 = arith.select %lt3A_695, %add3A_698, %xor3A_692 : vector<16xi1>, vector<16xi32>
      %broadcast_in_dim3A_700 = vector.shape_cast %select_n3A_699 : vector<16xi32> to vector<16x1xi32>
      %gather3A_701 = vector.shape_cast %broadcast_in_dim3A_700 : vector<16x1xi32> to vector<16xi32>
      %gather3A_702 = tpu.dynamic_gather %min3A_689[%gather3A_701] in [0] : vector<16xf32>, vector<16xi32> -> vector<16xf32>
      %min3A_703 = arith.minimumf %min3A_689, %gather3A_702 : vector<16xf32>
      %slice3A_704 = vector.extract_strided_slice %min3A_703 {offsets = [0], sizes = [1], strides = [1]} : vector<16xf32> to vector<1xf32>
      %squeeze3A_705 = vector.extract %slice3A_704[0] : f32 from vector<1xf32>
      %mul3A_706 = arith.mulf %squeeze3A_647, %squeeze3A_705 : f32
      %add3A_707 = arith.addf %add3A_645, %mul3A_706 : f32
      %slice3A_708 = vector.extract_strided_slice %mul3A_83 {offsets = [6], sizes = [1], strides = [1]} : vector<16xf32> to vector<1xf32>
      %squeeze3A_709 = vector.extract %slice3A_708[0] : f32 from vector<1xf32>
      %add3A_710 = arith.addf %add3A_707, %squeeze3A_709 : f32
      %slice3A_711 = vector.extract_strided_slice %get3A_77 {offsets = [7], sizes = [1], strides = [1]} : vector<16xf32> to vector<1xf32>
      %squeeze3A_712 = vector.extract %slice3A_711[0] : f32 from vector<1xf32>
      %xor3A_713 = arith.constant 8 : i32
      %xor3A_714 = vector.broadcast %xor3A_713 : i32 to vector<16xi32>
      %xor3A_715 = arith.xori %iota3A, %xor3A_714 : vector<16xi32>
      %lt3A_716 = arith.constant 0 : i32
      %lt3A_717 = vector.broadcast %lt3A_716 : i32 to vector<16xi32>
      %lt3A_718 = arith.cmpi slt, %xor3A_715, %lt3A_717 : vector<16xi32>
      %add3A_719 = arith.constant 16 : i32
      %add3A_720 = vector.broadcast %add3A_719 : i32 to vector<16xi32>
      %add3A_721 = arith.addi %xor3A_715, %add3A_720 : vector<16xi32>
      %select_n3A_722 = arith.select %lt3A_718, %add3A_721, %xor3A_715 : vector<16xi1>, vector<16xi32>
      %broadcast_in_dim3A_723 = vector.shape_cast %select_n3A_722 : vector<16xi32> to vector<16x1xi32>
      %gather3A_724 = vector.shape_cast %broadcast_in_dim3A_723 : vector<16x1xi32> to vector<16xi32>
      %gather3A_725 = tpu.dynamic_gather %scan3A_257#7[%gather3A_724] in [0] : vector<16xf32>, vector<16xi32> -> vector<16xf32>
      %min3A_726 = arith.minimumf %scan3A_257#7, %gather3A_725 : vector<16xf32>
      %xor3A_727 = arith.constant 4 : i32
      %xor3A_728 = vector.broadcast %xor3A_727 : i32 to vector<16xi32>
      %xor3A_729 = arith.xori %iota3A, %xor3A_728 : vector<16xi32>
      %lt3A_730 = arith.constant 0 : i32
      %lt3A_731 = vector.broadcast %lt3A_730 : i32 to vector<16xi32>
      %lt3A_732 = arith.cmpi slt, %xor3A_729, %lt3A_731 : vector<16xi32>
      %add3A_733 = arith.constant 16 : i32
      %add3A_734 = vector.broadcast %add3A_733 : i32 to vector<16xi32>
      %add3A_735 = arith.addi %xor3A_729, %add3A_734 : vector<16xi32>
      %select_n3A_736 = arith.select %lt3A_732, %add3A_735, %xor3A_729 : vector<16xi1>, vector<16xi32>
      %broadcast_in_dim3A_737 = vector.shape_cast %select_n3A_736 : vector<16xi32> to vector<16x1xi32>
      %gather3A_738 = vector.shape_cast %broadcast_in_dim3A_737 : vector<16x1xi32> to vector<16xi32>
      %gather3A_739 = tpu.dynamic_gather %min3A_726[%gather3A_738] in [0] : vector<16xf32>, vector<16xi32> -> vector<16xf32>
      %min3A_740 = arith.minimumf %min3A_726, %gather3A_739 : vector<16xf32>
      %xor3A_741 = arith.constant 2 : i32
      %xor3A_742 = vector.broadcast %xor3A_741 : i32 to vector<16xi32>
      %xor3A_743 = arith.xori %iota3A, %xor3A_742 : vector<16xi32>
      %lt3A_744 = arith.constant 0 : i32
      %lt3A_745 = vector.broadcast %lt3A_744 : i32 to vector<16xi32>
      %lt3A_746 = arith.cmpi slt, %xor3A_743, %lt3A_745 : vector<16xi32>
      %add3A_747 = arith.constant 16 : i32
      %add3A_748 = vector.broadcast %add3A_747 : i32 to vector<16xi32>
      %add3A_749 = arith.addi %xor3A_743, %add3A_748 : vector<16xi32>
      %select_n3A_750 = arith.select %lt3A_746, %add3A_749, %xor3A_743 : vector<16xi1>, vector<16xi32>
      %broadcast_in_dim3A_751 = vector.shape_cast %select_n3A_750 : vector<16xi32> to vector<16x1xi32>
      %gather3A_752 = vector.shape_cast %broadcast_in_dim3A_751 : vector<16x1xi32> to vector<16xi32>
      %gather3A_753 = tpu.dynamic_gather %min3A_740[%gather3A_752] in [0] : vector<16xf32>, vector<16xi32> -> vector<16xf32>
      %min3A_754 = arith.minimumf %min3A_740, %gather3A_753 : vector<16xf32>
      %xor3A_755 = arith.constant 1 : i32
      %xor3A_756 = vector.broadcast %xor3A_755 : i32 to vector<16xi32>
      %xor3A_757 = arith.xori %iota3A, %xor3A_756 : vector<16xi32>
      %lt3A_758 = arith.constant 0 : i32
      %lt3A_759 = vector.broadcast %lt3A_758 : i32 to vector<16xi32>
      %lt3A_760 = arith.cmpi slt, %xor3A_757, %lt3A_759 : vector<16xi32>
      %add3A_761 = arith.constant 16 : i32
      %add3A_762 = vector.broadcast %add3A_761 : i32 to vector<16xi32>
      %add3A_763 = arith.addi %xor3A_757, %add3A_762 : vector<16xi32>
      %select_n3A_764 = arith.select %lt3A_760, %add3A_763, %xor3A_757 : vector<16xi1>, vector<16xi32>
      %broadcast_in_dim3A_765 = vector.shape_cast %select_n3A_764 : vector<16xi32> to vector<16x1xi32>
      %gather3A_766 = vector.shape_cast %broadcast_in_dim3A_765 : vector<16x1xi32> to vector<16xi32>
      %gather3A_767 = tpu.dynamic_gather %min3A_754[%gather3A_766] in [0] : vector<16xf32>, vector<16xi32> -> vector<16xf32>
      %min3A_768 = arith.minimumf %min3A_754, %gather3A_767 : vector<16xf32>
      %slice3A_769 = vector.extract_strided_slice %min3A_768 {offsets = [0], sizes = [1], strides = [1]} : vector<16xf32> to vector<1xf32>
      %squeeze3A_770 = vector.extract %slice3A_769[0] : f32 from vector<1xf32>
      %mul3A_771 = arith.mulf %squeeze3A_712, %squeeze3A_770 : f32
      %add3A_772 = arith.addf %add3A_710, %mul3A_771 : f32
      %slice3A_773 = vector.extract_strided_slice %mul3A_83 {offsets = [7], sizes = [1], strides = [1]} : vector<16xf32> to vector<1xf32>
      %squeeze3A_774 = vector.extract %slice3A_773[0] : f32 from vector<1xf32>
      %add3A_775 = arith.addf %add3A_772, %squeeze3A_774 : f32
      %slice3A_776 = vector.extract_strided_slice %bitcast_convert_type3A_96 {offsets = [8], sizes = [1], strides = [1]} : vector<16xf32> to vector<1xf32>
      %squeeze3A_777 = vector.extract %slice3A_776[0] : f32 from vector<1xf32>
      %mul3A_778 = arith.constant -2.000000e+00 : f32
      %mul3A_779 = arith.mulf %mul3A_778, %squeeze3A_777 : f32
      %broadcast_in_dim3A_780 = vector.broadcast %mul3A_779 : f32 to vector<16xf32>
      %slice3A_781 = vector.extract_strided_slice %bitcast_convert_type3A_96 {offsets = [9], sizes = [1], strides = [1]} : vector<16xf32> to vector<1xf32>
      %squeeze3A_782 = vector.extract %slice3A_781[0] : f32 from vector<1xf32>
      %mul3A_783 = arith.constant -2.000000e+00 : f32
      %mul3A_784 = arith.mulf %mul3A_783, %squeeze3A_782 : f32
      %broadcast_in_dim3A_785 = vector.broadcast %mul3A_784 : f32 to vector<16xf32>
      %slice3A_786 = vector.extract_strided_slice %bitcast_convert_type3A_96 {offsets = [10], sizes = [1], strides = [1]} : vector<16xf32> to vector<1xf32>
      %squeeze3A_787 = vector.extract %slice3A_786[0] : f32 from vector<1xf32>
      %mul3A_788 = arith.constant -2.000000e+00 : f32
      %mul3A_789 = arith.mulf %mul3A_788, %squeeze3A_787 : f32
      %broadcast_in_dim3A_790 = vector.broadcast %mul3A_789 : f32 to vector<16xf32>
      %slice3A_791 = vector.extract_strided_slice %bitcast_convert_type3A_96 {offsets = [11], sizes = [1], strides = [1]} : vector<16xf32> to vector<1xf32>
      %squeeze3A_792 = vector.extract %slice3A_791[0] : f32 from vector<1xf32>
      %mul3A_793 = arith.constant -2.000000e+00 : f32
      %mul3A_794 = arith.mulf %mul3A_793, %squeeze3A_792 : f32
      %broadcast_in_dim3A_795 = vector.broadcast %mul3A_794 : f32 to vector<16xf32>
      %slice3A_796 = vector.extract_strided_slice %bitcast_convert_type3A_96 {offsets = [12], sizes = [1], strides = [1]} : vector<16xf32> to vector<1xf32>
      %squeeze3A_797 = vector.extract %slice3A_796[0] : f32 from vector<1xf32>
      %mul3A_798 = arith.constant -2.000000e+00 : f32
      %mul3A_799 = arith.mulf %mul3A_798, %squeeze3A_797 : f32
      %broadcast_in_dim3A_800 = vector.broadcast %mul3A_799 : f32 to vector<16xf32>
      %slice3A_801 = vector.extract_strided_slice %bitcast_convert_type3A_96 {offsets = [13], sizes = [1], strides = [1]} : vector<16xf32> to vector<1xf32>
      %squeeze3A_802 = vector.extract %slice3A_801[0] : f32 from vector<1xf32>
      %mul3A_803 = arith.constant -2.000000e+00 : f32
      %mul3A_804 = arith.mulf %mul3A_803, %squeeze3A_802 : f32
      %broadcast_in_dim3A_805 = vector.broadcast %mul3A_804 : f32 to vector<16xf32>
      %slice3A_806 = vector.extract_strided_slice %bitcast_convert_type3A_96 {offsets = [14], sizes = [1], strides = [1]} : vector<16xf32> to vector<1xf32>
      %squeeze3A_807 = vector.extract %slice3A_806[0] : f32 from vector<1xf32>
      %mul3A_808 = arith.constant -2.000000e+00 : f32
      %mul3A_809 = arith.mulf %mul3A_808, %squeeze3A_807 : f32
      %broadcast_in_dim3A_810 = vector.broadcast %mul3A_809 : f32 to vector<16xf32>
      %slice3A_811 = vector.extract_strided_slice %bitcast_convert_type3A_96 {offsets = [15], sizes = [1], strides = [1]} : vector<16xf32> to vector<1xf32>
      %squeeze3A_812 = vector.extract %slice3A_811[0] : f32 from vector<1xf32>
      %mul3A_813 = arith.constant -2.000000e+00 : f32
      %mul3A_814 = arith.mulf %mul3A_813, %squeeze3A_812 : f32
      %broadcast_in_dim3A_815 = vector.broadcast %mul3A_814 : f32 to vector<16xf32>
      %slice3A_816 = vector.extract_strided_slice %bitcast_convert_type3A_111 {offsets = [8], sizes = [1], strides = [1]} : vector<16xf32> to vector<1xf32>
      %squeeze3A_817 = vector.extract %slice3A_816[0] : f32 from vector<1xf32>
      %mul3A_818 = arith.constant -2.000000e+00 : f32
      %mul3A_819 = arith.mulf %mul3A_818, %squeeze3A_817 : f32
      %broadcast_in_dim3A_820 = vector.broadcast %mul3A_819 : f32 to vector<16xf32>
      %slice3A_821 = vector.extract_strided_slice %bitcast_convert_type3A_111 {offsets = [9], sizes = [1], strides = [1]} : vector<16xf32> to vector<1xf32>
      %squeeze3A_822 = vector.extract %slice3A_821[0] : f32 from vector<1xf32>
      %mul3A_823 = arith.constant -2.000000e+00 : f32
      %mul3A_824 = arith.mulf %mul3A_823, %squeeze3A_822 : f32
      %broadcast_in_dim3A_825 = vector.broadcast %mul3A_824 : f32 to vector<16xf32>
      %slice3A_826 = vector.extract_strided_slice %bitcast_convert_type3A_111 {offsets = [10], sizes = [1], strides = [1]} : vector<16xf32> to vector<1xf32>
      %squeeze3A_827 = vector.extract %slice3A_826[0] : f32 from vector<1xf32>
      %mul3A_828 = arith.constant -2.000000e+00 : f32
      %mul3A_829 = arith.mulf %mul3A_828, %squeeze3A_827 : f32
      %broadcast_in_dim3A_830 = vector.broadcast %mul3A_829 : f32 to vector<16xf32>
      %slice3A_831 = vector.extract_strided_slice %bitcast_convert_type3A_111 {offsets = [11], sizes = [1], strides = [1]} : vector<16xf32> to vector<1xf32>
      %squeeze3A_832 = vector.extract %slice3A_831[0] : f32 from vector<1xf32>
      %mul3A_833 = arith.constant -2.000000e+00 : f32
      %mul3A_834 = arith.mulf %mul3A_833, %squeeze3A_832 : f32
      %broadcast_in_dim3A_835 = vector.broadcast %mul3A_834 : f32 to vector<16xf32>
      %slice3A_836 = vector.extract_strided_slice %bitcast_convert_type3A_111 {offsets = [12], sizes = [1], strides = [1]} : vector<16xf32> to vector<1xf32>
      %squeeze3A_837 = vector.extract %slice3A_836[0] : f32 from vector<1xf32>
      %mul3A_838 = arith.constant -2.000000e+00 : f32
      %mul3A_839 = arith.mulf %mul3A_838, %squeeze3A_837 : f32
      %broadcast_in_dim3A_840 = vector.broadcast %mul3A_839 : f32 to vector<16xf32>
      %slice3A_841 = vector.extract_strided_slice %bitcast_convert_type3A_111 {offsets = [13], sizes = [1], strides = [1]} : vector<16xf32> to vector<1xf32>
      %squeeze3A_842 = vector.extract %slice3A_841[0] : f32 from vector<1xf32>
      %mul3A_843 = arith.constant -2.000000e+00 : f32
      %mul3A_844 = arith.mulf %mul3A_843, %squeeze3A_842 : f32
      %broadcast_in_dim3A_845 = vector.broadcast %mul3A_844 : f32 to vector<16xf32>
      %slice3A_846 = vector.extract_strided_slice %bitcast_convert_type3A_111 {offsets = [14], sizes = [1], strides = [1]} : vector<16xf32> to vector<1xf32>
      %squeeze3A_847 = vector.extract %slice3A_846[0] : f32 from vector<1xf32>
      %mul3A_848 = arith.constant -2.000000e+00 : f32
      %mul3A_849 = arith.mulf %mul3A_848, %squeeze3A_847 : f32
      %broadcast_in_dim3A_850 = vector.broadcast %mul3A_849 : f32 to vector<16xf32>
      %slice3A_851 = vector.extract_strided_slice %bitcast_convert_type3A_111 {offsets = [15], sizes = [1], strides = [1]} : vector<16xf32> to vector<1xf32>
      %squeeze3A_852 = vector.extract %slice3A_851[0] : f32 from vector<1xf32>
      %mul3A_853 = arith.constant -2.000000e+00 : f32
      %mul3A_854 = arith.mulf %mul3A_853, %squeeze3A_852 : f32
      %broadcast_in_dim3A_855 = vector.broadcast %mul3A_854 : f32 to vector<16xf32>
      %slice3A_856 = vector.extract_strided_slice %bitcast_convert_type3A_126 {offsets = [8], sizes = [1], strides = [1]} : vector<16xf32> to vector<1xf32>
      %squeeze3A_857 = vector.extract %slice3A_856[0] : f32 from vector<1xf32>
      %mul3A_858 = arith.constant -2.000000e+00 : f32
      %mul3A_859 = arith.mulf %mul3A_858, %squeeze3A_857 : f32
      %broadcast_in_dim3A_860 = vector.broadcast %mul3A_859 : f32 to vector<16xf32>
      %slice3A_861 = vector.extract_strided_slice %bitcast_convert_type3A_126 {offsets = [9], sizes = [1], strides = [1]} : vector<16xf32> to vector<1xf32>
      %squeeze3A_862 = vector.extract %slice3A_861[0] : f32 from vector<1xf32>
      %mul3A_863 = arith.constant -2.000000e+00 : f32
      %mul3A_864 = arith.mulf %mul3A_863, %squeeze3A_862 : f32
      %broadcast_in_dim3A_865 = vector.broadcast %mul3A_864 : f32 to vector<16xf32>
      %slice3A_866 = vector.extract_strided_slice %bitcast_convert_type3A_126 {offsets = [10], sizes = [1], strides = [1]} : vector<16xf32> to vector<1xf32>
      %squeeze3A_867 = vector.extract %slice3A_866[0] : f32 from vector<1xf32>
      %mul3A_868 = arith.constant -2.000000e+00 : f32
      %mul3A_869 = arith.mulf %mul3A_868, %squeeze3A_867 : f32
      %broadcast_in_dim3A_870 = vector.broadcast %mul3A_869 : f32 to vector<16xf32>
      %slice3A_871 = vector.extract_strided_slice %bitcast_convert_type3A_126 {offsets = [11], sizes = [1], strides = [1]} : vector<16xf32> to vector<1xf32>
      %squeeze3A_872 = vector.extract %slice3A_871[0] : f32 from vector<1xf32>
      %mul3A_873 = arith.constant -2.000000e+00 : f32
      %mul3A_874 = arith.mulf %mul3A_873, %squeeze3A_872 : f32
      %broadcast_in_dim3A_875 = vector.broadcast %mul3A_874 : f32 to vector<16xf32>
      %slice3A_876 = vector.extract_strided_slice %bitcast_convert_type3A_126 {offsets = [12], sizes = [1], strides = [1]} : vector<16xf32> to vector<1xf32>
      %squeeze3A_877 = vector.extract %slice3A_876[0] : f32 from vector<1xf32>
      %mul3A_878 = arith.constant -2.000000e+00 : f32
      %mul3A_879 = arith.mulf %mul3A_878, %squeeze3A_877 : f32
      %broadcast_in_dim3A_880 = vector.broadcast %mul3A_879 : f32 to vector<16xf32>
      %slice3A_881 = vector.extract_strided_slice %bitcast_convert_type3A_126 {offsets = [13], sizes = [1], strides = [1]} : vector<16xf32> to vector<1xf32>
      %squeeze3A_882 = vector.extract %slice3A_881[0] : f32 from vector<1xf32>
      %mul3A_883 = arith.constant -2.000000e+00 : f32
      %mul3A_884 = arith.mulf %mul3A_883, %squeeze3A_882 : f32
      %broadcast_in_dim3A_885 = vector.broadcast %mul3A_884 : f32 to vector<16xf32>
      %slice3A_886 = vector.extract_strided_slice %bitcast_convert_type3A_126 {offsets = [14], sizes = [1], strides = [1]} : vector<16xf32> to vector<1xf32>
      %squeeze3A_887 = vector.extract %slice3A_886[0] : f32 from vector<1xf32>
      %mul3A_888 = arith.constant -2.000000e+00 : f32
      %mul3A_889 = arith.mulf %mul3A_888, %squeeze3A_887 : f32
      %broadcast_in_dim3A_890 = vector.broadcast %mul3A_889 : f32 to vector<16xf32>
      %slice3A_891 = vector.extract_strided_slice %bitcast_convert_type3A_126 {offsets = [15], sizes = [1], strides = [1]} : vector<16xf32> to vector<1xf32>
      %squeeze3A_892 = vector.extract %slice3A_891[0] : f32 from vector<1xf32>
      %mul3A_893 = arith.constant -2.000000e+00 : f32
      %mul3A_894 = arith.mulf %mul3A_893, %squeeze3A_892 : f32
      %broadcast_in_dim3A_895 = vector.broadcast %mul3A_894 : f32 to vector<16xf32>
      %broadcast_in_dim3A_896 = vector.broadcast %scan3A_46 : f32 to vector<16xf32>
      %broadcast_in_dim3A_897 = vector.broadcast %scan3A_46 : f32 to vector<16xf32>
      %broadcast_in_dim3A_898 = vector.broadcast %scan3A_46 : f32 to vector<16xf32>
      %broadcast_in_dim3A_899 = vector.broadcast %scan3A_46 : f32 to vector<16xf32>
      %broadcast_in_dim3A_900 = vector.broadcast %scan3A_46 : f32 to vector<16xf32>
      %broadcast_in_dim3A_901 = vector.broadcast %scan3A_46 : f32 to vector<16xf32>
      %broadcast_in_dim3A_902 = vector.broadcast %scan3A_46 : f32 to vector<16xf32>
      %broadcast_in_dim3A_903 = vector.broadcast %scan3A_46 : f32 to vector<16xf32>
      %scan3A_904 = arith.constant 0 : i32
      %scan3A_905 = arith.constant 256 : i32
      %scan3A_906 = arith.addi %scan3A_904, %scan3A_905 : i32
      %scan3A_907 = arith.constant 1 : i32
      %scan3A_908:8 = scf.for %scan3A_1430 = %scan3A_904 to %scan3A_906 step %scan3A_907 iter_args(%scan3A_1431 = %broadcast_in_dim3A_896, %scan3A_1432 = %broadcast_in_dim3A_897, %scan3A_1433 = %broadcast_in_dim3A_898, %scan3A_1434 = %broadcast_in_dim3A_899, %scan3A_1435 = %broadcast_in_dim3A_900, %scan3A_1436 = %broadcast_in_dim3A_901, %scan3A_1437 = %broadcast_in_dim3A_902, %scan3A_1438 = %broadcast_in_dim3A_903) -> (vector<16xf32>, vector<16xf32>, vector<16xf32>, vector<16xf32>, vector<16xf32>, vector<16xf32>, vector<16xf32>, vector<16xf32>)  : i32 {
        %mul3A_1439 = arith.constant 16 : i32
        %mul3A_1440 = arith.muli %scan3A_1430, %mul3A_1439 : i32
        %get3A_1441 = arith.index_cast %mul3A_1440 : i32 to index
        %get3A_1442 = tpu.vector_load %arg14[%get3A_1441] {strides = array<i32>} : memref<4096xf32, #tpu.memory_space<vmem>>, vector<16xf32>,
        %get3A_1443 = vector.shape_cast %get3A_1442 : vector<16xf32> to vector<16xf32>
        %get3A_1444 = arith.index_cast %mul3A_1440 : i32 to index
        %get3A_1445 = tpu.vector_load %arg15[%get3A_1444] {strides = array<i32>} : memref<4096xf32, #tpu.memory_space<vmem>>, vector<16xf32>,
        %get3A_1446 = vector.shape_cast %get3A_1445 : vector<16xf32> to vector<16xf32>
        %get3A_1447 = arith.index_cast %mul3A_1440 : i32 to index
        %get3A_1448 = tpu.vector_load %arg16[%get3A_1447] {strides = array<i32>} : memref<4096xf32, #tpu.memory_space<vmem>>, vector<16xf32>,
        %get3A_1449 = vector.shape_cast %get3A_1448 : vector<16xf32> to vector<16xf32>
        %get3A_1450 = arith.index_cast %mul3A_1440 : i32 to index
        %get3A_1451 = tpu.vector_load %arg17[%get3A_1450] {strides = array<i32>} : memref<4096xf32, #tpu.memory_space<vmem>>, vector<16xf32>,
        %get3A_1452 = vector.shape_cast %get3A_1451 : vector<16xf32> to vector<16xf32>
        %mul3A_1453 = arith.mulf %broadcast_in_dim3A_780, %get3A_1443 : vector<16xf32>
        %add3A_1454 = arith.addf %get3A_1452, %mul3A_1453 : vector<16xf32>
        %mul3A_1455 = arith.mulf %broadcast_in_dim3A_820, %get3A_1446 : vector<16xf32>
        %mul3A_1456 = arith.mulf %broadcast_in_dim3A_860, %get3A_1449 : vector<16xf32>
        %add3A_1457 = arith.addf %mul3A_1455, %mul3A_1456 : vector<16xf32>
        %add3A_1458 = arith.addf %add3A_1454, %add3A_1457 : vector<16xf32>
        %min3A_1459 = arith.minimumf %scan3A_1431, %add3A_1458 : vector<16xf32>
        %mul3A_1460 = arith.mulf %broadcast_in_dim3A_785, %get3A_1443 : vector<16xf32>
        %add3A_1461 = arith.addf %get3A_1452, %mul3A_1460 : vector<16xf32>
        %mul3A_1462 = arith.mulf %broadcast_in_dim3A_825, %get3A_1446 : vector<16xf32>
        %mul3A_1463 = arith.mulf %broadcast_in_dim3A_865, %get3A_1449 : vector<16xf32>
        %add3A_1464 = arith.addf %mul3A_1462, %mul3A_1463 : vector<16xf32>
        %add3A_1465 = arith.addf %add3A_1461, %add3A_1464 : vector<16xf32>
        %min3A_1466 = arith.minimumf %scan3A_1432, %add3A_1465 : vector<16xf32>
        %mul3A_1467 = arith.mulf %broadcast_in_dim3A_790, %get3A_1443 : vector<16xf32>
        %add3A_1468 = arith.addf %get3A_1452, %mul3A_1467 : vector<16xf32>
        %mul3A_1469 = arith.mulf %broadcast_in_dim3A_830, %get3A_1446 : vector<16xf32>
        %mul3A_1470 = arith.mulf %broadcast_in_dim3A_870, %get3A_1449 : vector<16xf32>
        %add3A_1471 = arith.addf %mul3A_1469, %mul3A_1470 : vector<16xf32>
        %add3A_1472 = arith.addf %add3A_1468, %add3A_1471 : vector<16xf32>
        %min3A_1473 = arith.minimumf %scan3A_1433, %add3A_1472 : vector<16xf32>
        %mul3A_1474 = arith.mulf %broadcast_in_dim3A_795, %get3A_1443 : vector<16xf32>
        %add3A_1475 = arith.addf %get3A_1452, %mul3A_1474 : vector<16xf32>
        %mul3A_1476 = arith.mulf %broadcast_in_dim3A_835, %get3A_1446 : vector<16xf32>
        %mul3A_1477 = arith.mulf %broadcast_in_dim3A_875, %get3A_1449 : vector<16xf32>
        %add3A_1478 = arith.addf %mul3A_1476, %mul3A_1477 : vector<16xf32>
        %add3A_1479 = arith.addf %add3A_1475, %add3A_1478 : vector<16xf32>
        %min3A_1480 = arith.minimumf %scan3A_1434, %add3A_1479 : vector<16xf32>
        %mul3A_1481 = arith.mulf %broadcast_in_dim3A_800, %get3A_1443 : vector<16xf32>
        %add3A_1482 = arith.addf %get3A_1452, %mul3A_1481 : vector<16xf32>
        %mul3A_1483 = arith.mulf %broadcast_in_dim3A_840, %get3A_1446 : vector<16xf32>
        %mul3A_1484 = arith.mulf %broadcast_in_dim3A_880, %get3A_1449 : vector<16xf32>
        %add3A_1485 = arith.addf %mul3A_1483, %mul3A_1484 : vector<16xf32>
        %add3A_1486 = arith.addf %add3A_1482, %add3A_1485 : vector<16xf32>
        %min3A_1487 = arith.minimumf %scan3A_1435, %add3A_1486 : vector<16xf32>
        %mul3A_1488 = arith.mulf %broadcast_in_dim3A_805, %get3A_1443 : vector<16xf32>
        %add3A_1489 = arith.addf %get3A_1452, %mul3A_1488 : vector<16xf32>
        %mul3A_1490 = arith.mulf %broadcast_in_dim3A_845, %get3A_1446 : vector<16xf32>
        %mul3A_1491 = arith.mulf %broadcast_in_dim3A_885, %get3A_1449 : vector<16xf32>
        %add3A_1492 = arith.addf %mul3A_1490, %mul3A_1491 : vector<16xf32>
        %add3A_1493 = arith.addf %add3A_1489, %add3A_1492 : vector<16xf32>
        %min3A_1494 = arith.minimumf %scan3A_1436, %add3A_1493 : vector<16xf32>
        %mul3A_1495 = arith.mulf %broadcast_in_dim3A_810, %get3A_1443 : vector<16xf32>
        %add3A_1496 = arith.addf %get3A_1452, %mul3A_1495 : vector<16xf32>
        %mul3A_1497 = arith.mulf %broadcast_in_dim3A_850, %get3A_1446 : vector<16xf32>
        %mul3A_1498 = arith.mulf %broadcast_in_dim3A_890, %get3A_1449 : vector<16xf32>
        %add3A_1499 = arith.addf %mul3A_1497, %mul3A_1498 : vector<16xf32>
        %add3A_1500 = arith.addf %add3A_1496, %add3A_1499 : vector<16xf32>
        %min3A_1501 = arith.minimumf %scan3A_1437, %add3A_1500 : vector<16xf32>
        %mul3A_1502 = arith.mulf %broadcast_in_dim3A_815, %get3A_1443 : vector<16xf32>
        %add3A_1503 = arith.addf %get3A_1452, %mul3A_1502 : vector<16xf32>
        %mul3A_1504 = arith.mulf %broadcast_in_dim3A_855, %get3A_1446 : vector<16xf32>
        %mul3A_1505 = arith.mulf %broadcast_in_dim3A_895, %get3A_1449 : vector<16xf32>
        %add3A_1506 = arith.addf %mul3A_1504, %mul3A_1505 : vector<16xf32>
        %add3A_1507 = arith.addf %add3A_1503, %add3A_1506 : vector<16xf32>
        %min3A_1508 = arith.minimumf %scan3A_1438, %add3A_1507 : vector<16xf32>
        scf.yield %min3A_1459, %min3A_1466, %min3A_1473, %min3A_1480, %min3A_1487, %min3A_1494, %min3A_1501, %min3A_1508 : vector<16xf32>, vector<16xf32>, vector<16xf32>, vector<16xf32>, vector<16xf32>, vector<16xf32>, vector<16xf32>, vector<16xf32>
      }
      %scan3A_909 = arith.constant 256 : i32
      %slice3A_910 = vector.extract_strided_slice %get3A_77 {offsets = [8], sizes = [1], strides = [1]} : vector<16xf32> to vector<1xf32>
      %squeeze3A_911 = vector.extract %slice3A_910[0] : f32 from vector<1xf32>
      %xor3A_912 = arith.constant 8 : i32
      %xor3A_913 = vector.broadcast %xor3A_912 : i32 to vector<16xi32>
      %xor3A_914 = arith.xori %iota3A, %xor3A_913 : vector<16xi32>
      %lt3A_915 = arith.constant 0 : i32
      %lt3A_916 = vector.broadcast %lt3A_915 : i32 to vector<16xi32>
      %lt3A_917 = arith.cmpi slt, %xor3A_914, %lt3A_916 : vector<16xi32>
      %add3A_918 = arith.constant 16 : i32
      %add3A_919 = vector.broadcast %add3A_918 : i32 to vector<16xi32>
      %add3A_920 = arith.addi %xor3A_914, %add3A_919 : vector<16xi32>
      %select_n3A_921 = arith.select %lt3A_917, %add3A_920, %xor3A_914 : vector<16xi1>, vector<16xi32>
      %broadcast_in_dim3A_922 = vector.shape_cast %select_n3A_921 : vector<16xi32> to vector<16x1xi32>
      %gather3A_923 = vector.shape_cast %broadcast_in_dim3A_922 : vector<16x1xi32> to vector<16xi32>
      %gather3A_924 = tpu.dynamic_gather %scan3A_908#0[%gather3A_923] in [0] : vector<16xf32>, vector<16xi32> -> vector<16xf32>
      %min3A_925 = arith.minimumf %scan3A_908#0, %gather3A_924 : vector<16xf32>
      %xor3A_926 = arith.constant 4 : i32
      %xor3A_927 = vector.broadcast %xor3A_926 : i32 to vector<16xi32>
      %xor3A_928 = arith.xori %iota3A, %xor3A_927 : vector<16xi32>
      %lt3A_929 = arith.constant 0 : i32
      %lt3A_930 = vector.broadcast %lt3A_929 : i32 to vector<16xi32>
      %lt3A_931 = arith.cmpi slt, %xor3A_928, %lt3A_930 : vector<16xi32>
      %add3A_932 = arith.constant 16 : i32
      %add3A_933 = vector.broadcast %add3A_932 : i32 to vector<16xi32>
      %add3A_934 = arith.addi %xor3A_928, %add3A_933 : vector<16xi32>
      %select_n3A_935 = arith.select %lt3A_931, %add3A_934, %xor3A_928 : vector<16xi1>, vector<16xi32>
      %broadcast_in_dim3A_936 = vector.shape_cast %select_n3A_935 : vector<16xi32> to vector<16x1xi32>
      %gather3A_937 = vector.shape_cast %broadcast_in_dim3A_936 : vector<16x1xi32> to vector<16xi32>
      %gather3A_938 = tpu.dynamic_gather %min3A_925[%gather3A_937] in [0] : vector<16xf32>, vector<16xi32> -> vector<16xf32>
      %min3A_939 = arith.minimumf %min3A_925, %gather3A_938 : vector<16xf32>
      %xor3A_940 = arith.constant 2 : i32
      %xor3A_941 = vector.broadcast %xor3A_940 : i32 to vector<16xi32>
      %xor3A_942 = arith.xori %iota3A, %xor3A_941 : vector<16xi32>
      %lt3A_943 = arith.constant 0 : i32
      %lt3A_944 = vector.broadcast %lt3A_943 : i32 to vector<16xi32>
      %lt3A_945 = arith.cmpi slt, %xor3A_942, %lt3A_944 : vector<16xi32>
      %add3A_946 = arith.constant 16 : i32
      %add3A_947 = vector.broadcast %add3A_946 : i32 to vector<16xi32>
      %add3A_948 = arith.addi %xor3A_942, %add3A_947 : vector<16xi32>
      %select_n3A_949 = arith.select %lt3A_945, %add3A_948, %xor3A_942 : vector<16xi1>, vector<16xi32>
      %broadcast_in_dim3A_950 = vector.shape_cast %select_n3A_949 : vector<16xi32> to vector<16x1xi32>
      %gather3A_951 = vector.shape_cast %broadcast_in_dim3A_950 : vector<16x1xi32> to vector<16xi32>
      %gather3A_952 = tpu.dynamic_gather %min3A_939[%gather3A_951] in [0] : vector<16xf32>, vector<16xi32> -> vector<16xf32>
      %min3A_953 = arith.minimumf %min3A_939, %gather3A_952 : vector<16xf32>
      %xor3A_954 = arith.constant 1 : i32
      %xor3A_955 = vector.broadcast %xor3A_954 : i32 to vector<16xi32>
      %xor3A_956 = arith.xori %iota3A, %xor3A_955 : vector<16xi32>
      %lt3A_957 = arith.constant 0 : i32
      %lt3A_958 = vector.broadcast %lt3A_957 : i32 to vector<16xi32>
      %lt3A_959 = arith.cmpi slt, %xor3A_956, %lt3A_958 : vector<16xi32>
      %add3A_960 = arith.constant 16 : i32
      %add3A_961 = vector.broadcast %add3A_960 : i32 to vector<16xi32>
      %add3A_962 = arith.addi %xor3A_956, %add3A_961 : vector<16xi32>
      %select_n3A_963 = arith.select %lt3A_959, %add3A_962, %xor3A_956 : vector<16xi1>, vector<16xi32>
      %broadcast_in_dim3A_964 = vector.shape_cast %select_n3A_963 : vector<16xi32> to vector<16x1xi32>
      %gather3A_965 = vector.shape_cast %broadcast_in_dim3A_964 : vector<16x1xi32> to vector<16xi32>
      %gather3A_966 = tpu.dynamic_gather %min3A_953[%gather3A_965] in [0] : vector<16xf32>, vector<16xi32> -> vector<16xf32>
      %min3A_967 = arith.minimumf %min3A_953, %gather3A_966 : vector<16xf32>
      %slice3A_968 = vector.extract_strided_slice %min3A_967 {offsets = [0], sizes = [1], strides = [1]} : vector<16xf32> to vector<1xf32>
      %squeeze3A_969 = vector.extract %slice3A_968[0] : f32 from vector<1xf32>
      %mul3A_970 = arith.mulf %squeeze3A_911, %squeeze3A_969 : f32
      %add3A_971 = arith.addf %add3A_775, %mul3A_970 : f32
      %slice3A_972 = vector.extract_strided_slice %mul3A_83 {offsets = [8], sizes = [1], strides = [1]} : vector<16xf32> to vector<1xf32>
      %squeeze3A_973 = vector.extract %slice3A_972[0] : f32 from vector<1xf32>
      %add3A_974 = arith.addf %add3A_971, %squeeze3A_973 : f32
      %slice3A_975 = vector.extract_strided_slice %get3A_77 {offsets = [9], sizes = [1], strides = [1]} : vector<16xf32> to vector<1xf32>
      %squeeze3A_976 = vector.extract %slice3A_975[0] : f32 from vector<1xf32>
      %xor3A_977 = arith.constant 8 : i32
      %xor3A_978 = vector.broadcast %xor3A_977 : i32 to vector<16xi32>
      %xor3A_979 = arith.xori %iota3A, %xor3A_978 : vector<16xi32>
      %lt3A_980 = arith.constant 0 : i32
      %lt3A_981 = vector.broadcast %lt3A_980 : i32 to vector<16xi32>
      %lt3A_982 = arith.cmpi slt, %xor3A_979, %lt3A_981 : vector<16xi32>
      %add3A_983 = arith.constant 16 : i32
      %add3A_984 = vector.broadcast %add3A_983 : i32 to vector<16xi32>
      %add3A_985 = arith.addi %xor3A_979, %add3A_984 : vector<16xi32>
      %select_n3A_986 = arith.select %lt3A_982, %add3A_985, %xor3A_979 : vector<16xi1>, vector<16xi32>
      %broadcast_in_dim3A_987 = vector.shape_cast %select_n3A_986 : vector<16xi32> to vector<16x1xi32>
      %gather3A_988 = vector.shape_cast %broadcast_in_dim3A_987 : vector<16x1xi32> to vector<16xi32>
      %gather3A_989 = tpu.dynamic_gather %scan3A_908#1[%gather3A_988] in [0] : vector<16xf32>, vector<16xi32> -> vector<16xf32>
      %min3A_990 = arith.minimumf %scan3A_908#1, %gather3A_989 : vector<16xf32>
      %xor3A_991 = arith.constant 4 : i32
      %xor3A_992 = vector.broadcast %xor3A_991 : i32 to vector<16xi32>
      %xor3A_993 = arith.xori %iota3A, %xor3A_992 : vector<16xi32>
      %lt3A_994 = arith.constant 0 : i32
      %lt3A_995 = vector.broadcast %lt3A_994 : i32 to vector<16xi32>
      %lt3A_996 = arith.cmpi slt, %xor3A_993, %lt3A_995 : vector<16xi32>
      %add3A_997 = arith.constant 16 : i32
      %add3A_998 = vector.broadcast %add3A_997 : i32 to vector<16xi32>
      %add3A_999 = arith.addi %xor3A_993, %add3A_998 : vector<16xi32>
      %select_n3A_1000 = arith.select %lt3A_996, %add3A_999, %xor3A_993 : vector<16xi1>, vector<16xi32>
      %broadcast_in_dim3A_1001 = vector.shape_cast %select_n3A_1000 : vector<16xi32> to vector<16x1xi32>
      %gather3A_1002 = vector.shape_cast %broadcast_in_dim3A_1001 : vector<16x1xi32> to vector<16xi32>
      %gather3A_1003 = tpu.dynamic_gather %min3A_990[%gather3A_1002] in [0] : vector<16xf32>, vector<16xi32> -> vector<16xf32>
      %min3A_1004 = arith.minimumf %min3A_990, %gather3A_1003 : vector<16xf32>
      %xor3A_1005 = arith.constant 2 : i32
      %xor3A_1006 = vector.broadcast %xor3A_1005 : i32 to vector<16xi32>
      %xor3A_1007 = arith.xori %iota3A, %xor3A_1006 : vector<16xi32>
      %lt3A_1008 = arith.constant 0 : i32
      %lt3A_1009 = vector.broadcast %lt3A_1008 : i32 to vector<16xi32>
      %lt3A_1010 = arith.cmpi slt, %xor3A_1007, %lt3A_1009 : vector<16xi32>
      %add3A_1011 = arith.constant 16 : i32
      %add3A_1012 = vector.broadcast %add3A_1011 : i32 to vector<16xi32>
      %add3A_1013 = arith.addi %xor3A_1007, %add3A_1012 : vector<16xi32>
      %select_n3A_1014 = arith.select %lt3A_1010, %add3A_1013, %xor3A_1007 : vector<16xi1>, vector<16xi32>
      %broadcast_in_dim3A_1015 = vector.shape_cast %select_n3A_1014 : vector<16xi32> to vector<16x1xi32>
      %gather3A_1016 = vector.shape_cast %broadcast_in_dim3A_1015 : vector<16x1xi32> to vector<16xi32>
      %gather3A_1017 = tpu.dynamic_gather %min3A_1004[%gather3A_1016] in [0] : vector<16xf32>, vector<16xi32> -> vector<16xf32>
      %min3A_1018 = arith.minimumf %min3A_1004, %gather3A_1017 : vector<16xf32>
      %xor3A_1019 = arith.constant 1 : i32
      %xor3A_1020 = vector.broadcast %xor3A_1019 : i32 to vector<16xi32>
      %xor3A_1021 = arith.xori %iota3A, %xor3A_1020 : vector<16xi32>
      %lt3A_1022 = arith.constant 0 : i32
      %lt3A_1023 = vector.broadcast %lt3A_1022 : i32 to vector<16xi32>
      %lt3A_1024 = arith.cmpi slt, %xor3A_1021, %lt3A_1023 : vector<16xi32>
      %add3A_1025 = arith.constant 16 : i32
      %add3A_1026 = vector.broadcast %add3A_1025 : i32 to vector<16xi32>
      %add3A_1027 = arith.addi %xor3A_1021, %add3A_1026 : vector<16xi32>
      %select_n3A_1028 = arith.select %lt3A_1024, %add3A_1027, %xor3A_1021 : vector<16xi1>, vector<16xi32>
      %broadcast_in_dim3A_1029 = vector.shape_cast %select_n3A_1028 : vector<16xi32> to vector<16x1xi32>
      %gather3A_1030 = vector.shape_cast %broadcast_in_dim3A_1029 : vector<16x1xi32> to vector<16xi32>
      %gather3A_1031 = tpu.dynamic_gather %min3A_1018[%gather3A_1030] in [0] : vector<16xf32>, vector<16xi32> -> vector<16xf32>
      %min3A_1032 = arith.minimumf %min3A_1018, %gather3A_1031 : vector<16xf32>
      %slice3A_1033 = vector.extract_strided_slice %min3A_1032 {offsets = [0], sizes = [1], strides = [1]} : vector<16xf32> to vector<1xf32>
      %squeeze3A_1034 = vector.extract %slice3A_1033[0] : f32 from vector<1xf32>
      %mul3A_1035 = arith.mulf %squeeze3A_976, %squeeze3A_1034 : f32
      %add3A_1036 = arith.addf %add3A_974, %mul3A_1035 : f32
      %slice3A_1037 = vector.extract_strided_slice %mul3A_83 {offsets = [9], sizes = [1], strides = [1]} : vector<16xf32> to vector<1xf32>
      %squeeze3A_1038 = vector.extract %slice3A_1037[0] : f32 from vector<1xf32>
      %add3A_1039 = arith.addf %add3A_1036, %squeeze3A_1038 : f32
      %slice3A_1040 = vector.extract_strided_slice %get3A_77 {offsets = [10], sizes = [1], strides = [1]} : vector<16xf32> to vector<1xf32>
      %squeeze3A_1041 = vector.extract %slice3A_1040[0] : f32 from vector<1xf32>
      %xor3A_1042 = arith.constant 8 : i32
      %xor3A_1043 = vector.broadcast %xor3A_1042 : i32 to vector<16xi32>
      %xor3A_1044 = arith.xori %iota3A, %xor3A_1043 : vector<16xi32>
      %lt3A_1045 = arith.constant 0 : i32
      %lt3A_1046 = vector.broadcast %lt3A_1045 : i32 to vector<16xi32>
      %lt3A_1047 = arith.cmpi slt, %xor3A_1044, %lt3A_1046 : vector<16xi32>
      %add3A_1048 = arith.constant 16 : i32
      %add3A_1049 = vector.broadcast %add3A_1048 : i32 to vector<16xi32>
      %add3A_1050 = arith.addi %xor3A_1044, %add3A_1049 : vector<16xi32>
      %select_n3A_1051 = arith.select %lt3A_1047, %add3A_1050, %xor3A_1044 : vector<16xi1>, vector<16xi32>
      %broadcast_in_dim3A_1052 = vector.shape_cast %select_n3A_1051 : vector<16xi32> to vector<16x1xi32>
      %gather3A_1053 = vector.shape_cast %broadcast_in_dim3A_1052 : vector<16x1xi32> to vector<16xi32>
      %gather3A_1054 = tpu.dynamic_gather %scan3A_908#2[%gather3A_1053] in [0] : vector<16xf32>, vector<16xi32> -> vector<16xf32>
      %min3A_1055 = arith.minimumf %scan3A_908#2, %gather3A_1054 : vector<16xf32>
      %xor3A_1056 = arith.constant 4 : i32
      %xor3A_1057 = vector.broadcast %xor3A_1056 : i32 to vector<16xi32>
      %xor3A_1058 = arith.xori %iota3A, %xor3A_1057 : vector<16xi32>
      %lt3A_1059 = arith.constant 0 : i32
      %lt3A_1060 = vector.broadcast %lt3A_1059 : i32 to vector<16xi32>
      %lt3A_1061 = arith.cmpi slt, %xor3A_1058, %lt3A_1060 : vector<16xi32>
      %add3A_1062 = arith.constant 16 : i32
      %add3A_1063 = vector.broadcast %add3A_1062 : i32 to vector<16xi32>
      %add3A_1064 = arith.addi %xor3A_1058, %add3A_1063 : vector<16xi32>
      %select_n3A_1065 = arith.select %lt3A_1061, %add3A_1064, %xor3A_1058 : vector<16xi1>, vector<16xi32>
      %broadcast_in_dim3A_1066 = vector.shape_cast %select_n3A_1065 : vector<16xi32> to vector<16x1xi32>
      %gather3A_1067 = vector.shape_cast %broadcast_in_dim3A_1066 : vector<16x1xi32> to vector<16xi32>
      %gather3A_1068 = tpu.dynamic_gather %min3A_1055[%gather3A_1067] in [0] : vector<16xf32>, vector<16xi32> -> vector<16xf32>
      %min3A_1069 = arith.minimumf %min3A_1055, %gather3A_1068 : vector<16xf32>
      %xor3A_1070 = arith.constant 2 : i32
      %xor3A_1071 = vector.broadcast %xor3A_1070 : i32 to vector<16xi32>
      %xor3A_1072 = arith.xori %iota3A, %xor3A_1071 : vector<16xi32>
      %lt3A_1073 = arith.constant 0 : i32
      %lt3A_1074 = vector.broadcast %lt3A_1073 : i32 to vector<16xi32>
      %lt3A_1075 = arith.cmpi slt, %xor3A_1072, %lt3A_1074 : vector<16xi32>
      %add3A_1076 = arith.constant 16 : i32
      %add3A_1077 = vector.broadcast %add3A_1076 : i32 to vector<16xi32>
      %add3A_1078 = arith.addi %xor3A_1072, %add3A_1077 : vector<16xi32>
      %select_n3A_1079 = arith.select %lt3A_1075, %add3A_1078, %xor3A_1072 : vector<16xi1>, vector<16xi32>
      %broadcast_in_dim3A_1080 = vector.shape_cast %select_n3A_1079 : vector<16xi32> to vector<16x1xi32>
      %gather3A_1081 = vector.shape_cast %broadcast_in_dim3A_1080 : vector<16x1xi32> to vector<16xi32>
      %gather3A_1082 = tpu.dynamic_gather %min3A_1069[%gather3A_1081] in [0] : vector<16xf32>, vector<16xi32> -> vector<16xf32>
      %min3A_1083 = arith.minimumf %min3A_1069, %gather3A_1082 : vector<16xf32>
      %xor3A_1084 = arith.constant 1 : i32
      %xor3A_1085 = vector.broadcast %xor3A_1084 : i32 to vector<16xi32>
      %xor3A_1086 = arith.xori %iota3A, %xor3A_1085 : vector<16xi32>
      %lt3A_1087 = arith.constant 0 : i32
      %lt3A_1088 = vector.broadcast %lt3A_1087 : i32 to vector<16xi32>
      %lt3A_1089 = arith.cmpi slt, %xor3A_1086, %lt3A_1088 : vector<16xi32>
      %add3A_1090 = arith.constant 16 : i32
      %add3A_1091 = vector.broadcast %add3A_1090 : i32 to vector<16xi32>
      %add3A_1092 = arith.addi %xor3A_1086, %add3A_1091 : vector<16xi32>
      %select_n3A_1093 = arith.select %lt3A_1089, %add3A_1092, %xor3A_1086 : vector<16xi1>, vector<16xi32>
      %broadcast_in_dim3A_1094 = vector.shape_cast %select_n3A_1093 : vector<16xi32> to vector<16x1xi32>
      %gather3A_1095 = vector.shape_cast %broadcast_in_dim3A_1094 : vector<16x1xi32> to vector<16xi32>
      %gather3A_1096 = tpu.dynamic_gather %min3A_1083[%gather3A_1095] in [0] : vector<16xf32>, vector<16xi32> -> vector<16xf32>
      %min3A_1097 = arith.minimumf %min3A_1083, %gather3A_1096 : vector<16xf32>
      %slice3A_1098 = vector.extract_strided_slice %min3A_1097 {offsets = [0], sizes = [1], strides = [1]} : vector<16xf32> to vector<1xf32>
      %squeeze3A_1099 = vector.extract %slice3A_1098[0] : f32 from vector<1xf32>
      %mul3A_1100 = arith.mulf %squeeze3A_1041, %squeeze3A_1099 : f32
      %add3A_1101 = arith.addf %add3A_1039, %mul3A_1100 : f32
      %slice3A_1102 = vector.extract_strided_slice %mul3A_83 {offsets = [10], sizes = [1], strides = [1]} : vector<16xf32> to vector<1xf32>
      %squeeze3A_1103 = vector.extract %slice3A_1102[0] : f32 from vector<1xf32>
      %add3A_1104 = arith.addf %add3A_1101, %squeeze3A_1103 : f32
      %slice3A_1105 = vector.extract_strided_slice %get3A_77 {offsets = [11], sizes = [1], strides = [1]} : vector<16xf32> to vector<1xf32>
      %squeeze3A_1106 = vector.extract %slice3A_1105[0] : f32 from vector<1xf32>
      %xor3A_1107 = arith.constant 8 : i32
      %xor3A_1108 = vector.broadcast %xor3A_1107 : i32 to vector<16xi32>
      %xor3A_1109 = arith.xori %iota3A, %xor3A_1108 : vector<16xi32>
      %lt3A_1110 = arith.constant 0 : i32
      %lt3A_1111 = vector.broadcast %lt3A_1110 : i32 to vector<16xi32>
      %lt3A_1112 = arith.cmpi slt, %xor3A_1109, %lt3A_1111 : vector<16xi32>
      %add3A_1113 = arith.constant 16 : i32
      %add3A_1114 = vector.broadcast %add3A_1113 : i32 to vector<16xi32>
      %add3A_1115 = arith.addi %xor3A_1109, %add3A_1114 : vector<16xi32>
      %select_n3A_1116 = arith.select %lt3A_1112, %add3A_1115, %xor3A_1109 : vector<16xi1>, vector<16xi32>
      %broadcast_in_dim3A_1117 = vector.shape_cast %select_n3A_1116 : vector<16xi32> to vector<16x1xi32>
      %gather3A_1118 = vector.shape_cast %broadcast_in_dim3A_1117 : vector<16x1xi32> to vector<16xi32>
      %gather3A_1119 = tpu.dynamic_gather %scan3A_908#3[%gather3A_1118] in [0] : vector<16xf32>, vector<16xi32> -> vector<16xf32>
      %min3A_1120 = arith.minimumf %scan3A_908#3, %gather3A_1119 : vector<16xf32>
      %xor3A_1121 = arith.constant 4 : i32
      %xor3A_1122 = vector.broadcast %xor3A_1121 : i32 to vector<16xi32>
      %xor3A_1123 = arith.xori %iota3A, %xor3A_1122 : vector<16xi32>
      %lt3A_1124 = arith.constant 0 : i32
      %lt3A_1125 = vector.broadcast %lt3A_1124 : i32 to vector<16xi32>
      %lt3A_1126 = arith.cmpi slt, %xor3A_1123, %lt3A_1125 : vector<16xi32>
      %add3A_1127 = arith.constant 16 : i32
      %add3A_1128 = vector.broadcast %add3A_1127 : i32 to vector<16xi32>
      %add3A_1129 = arith.addi %xor3A_1123, %add3A_1128 : vector<16xi32>
      %select_n3A_1130 = arith.select %lt3A_1126, %add3A_1129, %xor3A_1123 : vector<16xi1>, vector<16xi32>
      %broadcast_in_dim3A_1131 = vector.shape_cast %select_n3A_1130 : vector<16xi32> to vector<16x1xi32>
      %gather3A_1132 = vector.shape_cast %broadcast_in_dim3A_1131 : vector<16x1xi32> to vector<16xi32>
      %gather3A_1133 = tpu.dynamic_gather %min3A_1120[%gather3A_1132] in [0] : vector<16xf32>, vector<16xi32> -> vector<16xf32>
      %min3A_1134 = arith.minimumf %min3A_1120, %gather3A_1133 : vector<16xf32>
      %xor3A_1135 = arith.constant 2 : i32
      %xor3A_1136 = vector.broadcast %xor3A_1135 : i32 to vector<16xi32>
      %xor3A_1137 = arith.xori %iota3A, %xor3A_1136 : vector<16xi32>
      %lt3A_1138 = arith.constant 0 : i32
      %lt3A_1139 = vector.broadcast %lt3A_1138 : i32 to vector<16xi32>
      %lt3A_1140 = arith.cmpi slt, %xor3A_1137, %lt3A_1139 : vector<16xi32>
      %add3A_1141 = arith.constant 16 : i32
      %add3A_1142 = vector.broadcast %add3A_1141 : i32 to vector<16xi32>
      %add3A_1143 = arith.addi %xor3A_1137, %add3A_1142 : vector<16xi32>
      %select_n3A_1144 = arith.select %lt3A_1140, %add3A_1143, %xor3A_1137 : vector<16xi1>, vector<16xi32>
      %broadcast_in_dim3A_1145 = vector.shape_cast %select_n3A_1144 : vector<16xi32> to vector<16x1xi32>
      %gather3A_1146 = vector.shape_cast %broadcast_in_dim3A_1145 : vector<16x1xi32> to vector<16xi32>
      %gather3A_1147 = tpu.dynamic_gather %min3A_1134[%gather3A_1146] in [0] : vector<16xf32>, vector<16xi32> -> vector<16xf32>
      %min3A_1148 = arith.minimumf %min3A_1134, %gather3A_1147 : vector<16xf32>
      %xor3A_1149 = arith.constant 1 : i32
      %xor3A_1150 = vector.broadcast %xor3A_1149 : i32 to vector<16xi32>
      %xor3A_1151 = arith.xori %iota3A, %xor3A_1150 : vector<16xi32>
      %lt3A_1152 = arith.constant 0 : i32
      %lt3A_1153 = vector.broadcast %lt3A_1152 : i32 to vector<16xi32>
      %lt3A_1154 = arith.cmpi slt, %xor3A_1151, %lt3A_1153 : vector<16xi32>
      %add3A_1155 = arith.constant 16 : i32
      %add3A_1156 = vector.broadcast %add3A_1155 : i32 to vector<16xi32>
      %add3A_1157 = arith.addi %xor3A_1151, %add3A_1156 : vector<16xi32>
      %select_n3A_1158 = arith.select %lt3A_1154, %add3A_1157, %xor3A_1151 : vector<16xi1>, vector<16xi32>
      %broadcast_in_dim3A_1159 = vector.shape_cast %select_n3A_1158 : vector<16xi32> to vector<16x1xi32>
      %gather3A_1160 = vector.shape_cast %broadcast_in_dim3A_1159 : vector<16x1xi32> to vector<16xi32>
      %gather3A_1161 = tpu.dynamic_gather %min3A_1148[%gather3A_1160] in [0] : vector<16xf32>, vector<16xi32> -> vector<16xf32>
      %min3A_1162 = arith.minimumf %min3A_1148, %gather3A_1161 : vector<16xf32>
      %slice3A_1163 = vector.extract_strided_slice %min3A_1162 {offsets = [0], sizes = [1], strides = [1]} : vector<16xf32> to vector<1xf32>
      %squeeze3A_1164 = vector.extract %slice3A_1163[0] : f32 from vector<1xf32>
      %mul3A_1165 = arith.mulf %squeeze3A_1106, %squeeze3A_1164 : f32
      %add3A_1166 = arith.addf %add3A_1104, %mul3A_1165 : f32
      %slice3A_1167 = vector.extract_strided_slice %mul3A_83 {offsets = [11], sizes = [1], strides = [1]} : vector<16xf32> to vector<1xf32>
      %squeeze3A_1168 = vector.extract %slice3A_1167[0] : f32 from vector<1xf32>
      %add3A_1169 = arith.addf %add3A_1166, %squeeze3A_1168 : f32
      %slice3A_1170 = vector.extract_strided_slice %get3A_77 {offsets = [12], sizes = [1], strides = [1]} : vector<16xf32> to vector<1xf32>
      %squeeze3A_1171 = vector.extract %slice3A_1170[0] : f32 from vector<1xf32>
      %xor3A_1172 = arith.constant 8 : i32
      %xor3A_1173 = vector.broadcast %xor3A_1172 : i32 to vector<16xi32>
      %xor3A_1174 = arith.xori %iota3A, %xor3A_1173 : vector<16xi32>
      %lt3A_1175 = arith.constant 0 : i32
      %lt3A_1176 = vector.broadcast %lt3A_1175 : i32 to vector<16xi32>
      %lt3A_1177 = arith.cmpi slt, %xor3A_1174, %lt3A_1176 : vector<16xi32>
      %add3A_1178 = arith.constant 16 : i32
      %add3A_1179 = vector.broadcast %add3A_1178 : i32 to vector<16xi32>
      %add3A_1180 = arith.addi %xor3A_1174, %add3A_1179 : vector<16xi32>
      %select_n3A_1181 = arith.select %lt3A_1177, %add3A_1180, %xor3A_1174 : vector<16xi1>, vector<16xi32>
      %broadcast_in_dim3A_1182 = vector.shape_cast %select_n3A_1181 : vector<16xi32> to vector<16x1xi32>
      %gather3A_1183 = vector.shape_cast %broadcast_in_dim3A_1182 : vector<16x1xi32> to vector<16xi32>
      %gather3A_1184 = tpu.dynamic_gather %scan3A_908#4[%gather3A_1183] in [0] : vector<16xf32>, vector<16xi32> -> vector<16xf32>
      %min3A_1185 = arith.minimumf %scan3A_908#4, %gather3A_1184 : vector<16xf32>
      %xor3A_1186 = arith.constant 4 : i32
      %xor3A_1187 = vector.broadcast %xor3A_1186 : i32 to vector<16xi32>
      %xor3A_1188 = arith.xori %iota3A, %xor3A_1187 : vector<16xi32>
      %lt3A_1189 = arith.constant 0 : i32
      %lt3A_1190 = vector.broadcast %lt3A_1189 : i32 to vector<16xi32>
      %lt3A_1191 = arith.cmpi slt, %xor3A_1188, %lt3A_1190 : vector<16xi32>
      %add3A_1192 = arith.constant 16 : i32
      %add3A_1193 = vector.broadcast %add3A_1192 : i32 to vector<16xi32>
      %add3A_1194 = arith.addi %xor3A_1188, %add3A_1193 : vector<16xi32>
      %select_n3A_1195 = arith.select %lt3A_1191, %add3A_1194, %xor3A_1188 : vector<16xi1>, vector<16xi32>
      %broadcast_in_dim3A_1196 = vector.shape_cast %select_n3A_1195 : vector<16xi32> to vector<16x1xi32>
      %gather3A_1197 = vector.shape_cast %broadcast_in_dim3A_1196 : vector<16x1xi32> to vector<16xi32>
      %gather3A_1198 = tpu.dynamic_gather %min3A_1185[%gather3A_1197] in [0] : vector<16xf32>, vector<16xi32> -> vector<16xf32>
      %min3A_1199 = arith.minimumf %min3A_1185, %gather3A_1198 : vector<16xf32>
      %xor3A_1200 = arith.constant 2 : i32
      %xor3A_1201 = vector.broadcast %xor3A_1200 : i32 to vector<16xi32>
      %xor3A_1202 = arith.xori %iota3A, %xor3A_1201 : vector<16xi32>
      %lt3A_1203 = arith.constant 0 : i32
      %lt3A_1204 = vector.broadcast %lt3A_1203 : i32 to vector<16xi32>
      %lt3A_1205 = arith.cmpi slt, %xor3A_1202, %lt3A_1204 : vector<16xi32>
      %add3A_1206 = arith.constant 16 : i32
      %add3A_1207 = vector.broadcast %add3A_1206 : i32 to vector<16xi32>
      %add3A_1208 = arith.addi %xor3A_1202, %add3A_1207 : vector<16xi32>
      %select_n3A_1209 = arith.select %lt3A_1205, %add3A_1208, %xor3A_1202 : vector<16xi1>, vector<16xi32>
      %broadcast_in_dim3A_1210 = vector.shape_cast %select_n3A_1209 : vector<16xi32> to vector<16x1xi32>
      %gather3A_1211 = vector.shape_cast %broadcast_in_dim3A_1210 : vector<16x1xi32> to vector<16xi32>
      %gather3A_1212 = tpu.dynamic_gather %min3A_1199[%gather3A_1211] in [0] : vector<16xf32>, vector<16xi32> -> vector<16xf32>
      %min3A_1213 = arith.minimumf %min3A_1199, %gather3A_1212 : vector<16xf32>
      %xor3A_1214 = arith.constant 1 : i32
      %xor3A_1215 = vector.broadcast %xor3A_1214 : i32 to vector<16xi32>
      %xor3A_1216 = arith.xori %iota3A, %xor3A_1215 : vector<16xi32>
      %lt3A_1217 = arith.constant 0 : i32
      %lt3A_1218 = vector.broadcast %lt3A_1217 : i32 to vector<16xi32>
      %lt3A_1219 = arith.cmpi slt, %xor3A_1216, %lt3A_1218 : vector<16xi32>
      %add3A_1220 = arith.constant 16 : i32
      %add3A_1221 = vector.broadcast %add3A_1220 : i32 to vector<16xi32>
      %add3A_1222 = arith.addi %xor3A_1216, %add3A_1221 : vector<16xi32>
      %select_n3A_1223 = arith.select %lt3A_1219, %add3A_1222, %xor3A_1216 : vector<16xi1>, vector<16xi32>
      %broadcast_in_dim3A_1224 = vector.shape_cast %select_n3A_1223 : vector<16xi32> to vector<16x1xi32>
      %gather3A_1225 = vector.shape_cast %broadcast_in_dim3A_1224 : vector<16x1xi32> to vector<16xi32>
      %gather3A_1226 = tpu.dynamic_gather %min3A_1213[%gather3A_1225] in [0] : vector<16xf32>, vector<16xi32> -> vector<16xf32>
      %min3A_1227 = arith.minimumf %min3A_1213, %gather3A_1226 : vector<16xf32>
      %slice3A_1228 = vector.extract_strided_slice %min3A_1227 {offsets = [0], sizes = [1], strides = [1]} : vector<16xf32> to vector<1xf32>
      %squeeze3A_1229 = vector.extract %slice3A_1228[0] : f32 from vector<1xf32>
      %mul3A_1230 = arith.mulf %squeeze3A_1171, %squeeze3A_1229 : f32
      %add3A_1231 = arith.addf %add3A_1169, %mul3A_1230 : f32
      %slice3A_1232 = vector.extract_strided_slice %mul3A_83 {offsets = [12], sizes = [1], strides = [1]} : vector<16xf32> to vector<1xf32>
      %squeeze3A_1233 = vector.extract %slice3A_1232[0] : f32 from vector<1xf32>
      %add3A_1234 = arith.addf %add3A_1231, %squeeze3A_1233 : f32
      %slice3A_1235 = vector.extract_strided_slice %get3A_77 {offsets = [13], sizes = [1], strides = [1]} : vector<16xf32> to vector<1xf32>
      %squeeze3A_1236 = vector.extract %slice3A_1235[0] : f32 from vector<1xf32>
      %xor3A_1237 = arith.constant 8 : i32
      %xor3A_1238 = vector.broadcast %xor3A_1237 : i32 to vector<16xi32>
      %xor3A_1239 = arith.xori %iota3A, %xor3A_1238 : vector<16xi32>
      %lt3A_1240 = arith.constant 0 : i32
      %lt3A_1241 = vector.broadcast %lt3A_1240 : i32 to vector<16xi32>
      %lt3A_1242 = arith.cmpi slt, %xor3A_1239, %lt3A_1241 : vector<16xi32>
      %add3A_1243 = arith.constant 16 : i32
      %add3A_1244 = vector.broadcast %add3A_1243 : i32 to vector<16xi32>
      %add3A_1245 = arith.addi %xor3A_1239, %add3A_1244 : vector<16xi32>
      %select_n3A_1246 = arith.select %lt3A_1242, %add3A_1245, %xor3A_1239 : vector<16xi1>, vector<16xi32>
      %broadcast_in_dim3A_1247 = vector.shape_cast %select_n3A_1246 : vector<16xi32> to vector<16x1xi32>
      %gather3A_1248 = vector.shape_cast %broadcast_in_dim3A_1247 : vector<16x1xi32> to vector<16xi32>
      %gather3A_1249 = tpu.dynamic_gather %scan3A_908#5[%gather3A_1248] in [0] : vector<16xf32>, vector<16xi32> -> vector<16xf32>
      %min3A_1250 = arith.minimumf %scan3A_908#5, %gather3A_1249 : vector<16xf32>
      %xor3A_1251 = arith.constant 4 : i32
      %xor3A_1252 = vector.broadcast %xor3A_1251 : i32 to vector<16xi32>
      %xor3A_1253 = arith.xori %iota3A, %xor3A_1252 : vector<16xi32>
      %lt3A_1254 = arith.constant 0 : i32
      %lt3A_1255 = vector.broadcast %lt3A_1254 : i32 to vector<16xi32>
      %lt3A_1256 = arith.cmpi slt, %xor3A_1253, %lt3A_1255 : vector<16xi32>
      %add3A_1257 = arith.constant 16 : i32
      %add3A_1258 = vector.broadcast %add3A_1257 : i32 to vector<16xi32>
      %add3A_1259 = arith.addi %xor3A_1253, %add3A_1258 : vector<16xi32>
      %select_n3A_1260 = arith.select %lt3A_1256, %add3A_1259, %xor3A_1253 : vector<16xi1>, vector<16xi32>
      %broadcast_in_dim3A_1261 = vector.shape_cast %select_n3A_1260 : vector<16xi32> to vector<16x1xi32>
      %gather3A_1262 = vector.shape_cast %broadcast_in_dim3A_1261 : vector<16x1xi32> to vector<16xi32>
      %gather3A_1263 = tpu.dynamic_gather %min3A_1250[%gather3A_1262] in [0] : vector<16xf32>, vector<16xi32> -> vector<16xf32>
      %min3A_1264 = arith.minimumf %min3A_1250, %gather3A_1263 : vector<16xf32>
      %xor3A_1265 = arith.constant 2 : i32
      %xor3A_1266 = vector.broadcast %xor3A_1265 : i32 to vector<16xi32>
      %xor3A_1267 = arith.xori %iota3A, %xor3A_1266 : vector<16xi32>
      %lt3A_1268 = arith.constant 0 : i32
      %lt3A_1269 = vector.broadcast %lt3A_1268 : i32 to vector<16xi32>
      %lt3A_1270 = arith.cmpi slt, %xor3A_1267, %lt3A_1269 : vector<16xi32>
      %add3A_1271 = arith.constant 16 : i32
      %add3A_1272 = vector.broadcast %add3A_1271 : i32 to vector<16xi32>
      %add3A_1273 = arith.addi %xor3A_1267, %add3A_1272 : vector<16xi32>
      %select_n3A_1274 = arith.select %lt3A_1270, %add3A_1273, %xor3A_1267 : vector<16xi1>, vector<16xi32>
      %broadcast_in_dim3A_1275 = vector.shape_cast %select_n3A_1274 : vector<16xi32> to vector<16x1xi32>
      %gather3A_1276 = vector.shape_cast %broadcast_in_dim3A_1275 : vector<16x1xi32> to vector<16xi32>
      %gather3A_1277 = tpu.dynamic_gather %min3A_1264[%gather3A_1276] in [0] : vector<16xf32>, vector<16xi32> -> vector<16xf32>
      %min3A_1278 = arith.minimumf %min3A_1264, %gather3A_1277 : vector<16xf32>
      %xor3A_1279 = arith.constant 1 : i32
      %xor3A_1280 = vector.broadcast %xor3A_1279 : i32 to vector<16xi32>
      %xor3A_1281 = arith.xori %iota3A, %xor3A_1280 : vector<16xi32>
      %lt3A_1282 = arith.constant 0 : i32
      %lt3A_1283 = vector.broadcast %lt3A_1282 : i32 to vector<16xi32>
      %lt3A_1284 = arith.cmpi slt, %xor3A_1281, %lt3A_1283 : vector<16xi32>
      %add3A_1285 = arith.constant 16 : i32
      %add3A_1286 = vector.broadcast %add3A_1285 : i32 to vector<16xi32>
      %add3A_1287 = arith.addi %xor3A_1281, %add3A_1286 : vector<16xi32>
      %select_n3A_1288 = arith.select %lt3A_1284, %add3A_1287, %xor3A_1281 : vector<16xi1>, vector<16xi32>
      %broadcast_in_dim3A_1289 = vector.shape_cast %select_n3A_1288 : vector<16xi32> to vector<16x1xi32>
      %gather3A_1290 = vector.shape_cast %broadcast_in_dim3A_1289 : vector<16x1xi32> to vector<16xi32>
      %gather3A_1291 = tpu.dynamic_gather %min3A_1278[%gather3A_1290] in [0] : vector<16xf32>, vector<16xi32> -> vector<16xf32>
      %min3A_1292 = arith.minimumf %min3A_1278, %gather3A_1291 : vector<16xf32>
      %slice3A_1293 = vector.extract_strided_slice %min3A_1292 {offsets = [0], sizes = [1], strides = [1]} : vector<16xf32> to vector<1xf32>
      %squeeze3A_1294 = vector.extract %slice3A_1293[0] : f32 from vector<1xf32>
      %mul3A_1295 = arith.mulf %squeeze3A_1236, %squeeze3A_1294 : f32
      %add3A_1296 = arith.addf %add3A_1234, %mul3A_1295 : f32
      %slice3A_1297 = vector.extract_strided_slice %mul3A_83 {offsets = [13], sizes = [1], strides = [1]} : vector<16xf32> to vector<1xf32>
      %squeeze3A_1298 = vector.extract %slice3A_1297[0] : f32 from vector<1xf32>
      %add3A_1299 = arith.addf %add3A_1296, %squeeze3A_1298 : f32
      %slice3A_1300 = vector.extract_strided_slice %get3A_77 {offsets = [14], sizes = [1], strides = [1]} : vector<16xf32> to vector<1xf32>
      %squeeze3A_1301 = vector.extract %slice3A_1300[0] : f32 from vector<1xf32>
      %xor3A_1302 = arith.constant 8 : i32
      %xor3A_1303 = vector.broadcast %xor3A_1302 : i32 to vector<16xi32>
      %xor3A_1304 = arith.xori %iota3A, %xor3A_1303 : vector<16xi32>
      %lt3A_1305 = arith.constant 0 : i32
      %lt3A_1306 = vector.broadcast %lt3A_1305 : i32 to vector<16xi32>
      %lt3A_1307 = arith.cmpi slt, %xor3A_1304, %lt3A_1306 : vector<16xi32>
      %add3A_1308 = arith.constant 16 : i32
      %add3A_1309 = vector.broadcast %add3A_1308 : i32 to vector<16xi32>
      %add3A_1310 = arith.addi %xor3A_1304, %add3A_1309 : vector<16xi32>
      %select_n3A_1311 = arith.select %lt3A_1307, %add3A_1310, %xor3A_1304 : vector<16xi1>, vector<16xi32>
      %broadcast_in_dim3A_1312 = vector.shape_cast %select_n3A_1311 : vector<16xi32> to vector<16x1xi32>
      %gather3A_1313 = vector.shape_cast %broadcast_in_dim3A_1312 : vector<16x1xi32> to vector<16xi32>
      %gather3A_1314 = tpu.dynamic_gather %scan3A_908#6[%gather3A_1313] in [0] : vector<16xf32>, vector<16xi32> -> vector<16xf32>
      %min3A_1315 = arith.minimumf %scan3A_908#6, %gather3A_1314 : vector<16xf32>
      %xor3A_1316 = arith.constant 4 : i32
      %xor3A_1317 = vector.broadcast %xor3A_1316 : i32 to vector<16xi32>
      %xor3A_1318 = arith.xori %iota3A, %xor3A_1317 : vector<16xi32>
      %lt3A_1319 = arith.constant 0 : i32
      %lt3A_1320 = vector.broadcast %lt3A_1319 : i32 to vector<16xi32>
      %lt3A_1321 = arith.cmpi slt, %xor3A_1318, %lt3A_1320 : vector<16xi32>
      %add3A_1322 = arith.constant 16 : i32
      %add3A_1323 = vector.broadcast %add3A_1322 : i32 to vector<16xi32>
      %add3A_1324 = arith.addi %xor3A_1318, %add3A_1323 : vector<16xi32>
      %select_n3A_1325 = arith.select %lt3A_1321, %add3A_1324, %xor3A_1318 : vector<16xi1>, vector<16xi32>
      %broadcast_in_dim3A_1326 = vector.shape_cast %select_n3A_1325 : vector<16xi32> to vector<16x1xi32>
      %gather3A_1327 = vector.shape_cast %broadcast_in_dim3A_1326 : vector<16x1xi32> to vector<16xi32>
      %gather3A_1328 = tpu.dynamic_gather %min3A_1315[%gather3A_1327] in [0] : vector<16xf32>, vector<16xi32> -> vector<16xf32>
      %min3A_1329 = arith.minimumf %min3A_1315, %gather3A_1328 : vector<16xf32>
      %xor3A_1330 = arith.constant 2 : i32
      %xor3A_1331 = vector.broadcast %xor3A_1330 : i32 to vector<16xi32>
      %xor3A_1332 = arith.xori %iota3A, %xor3A_1331 : vector<16xi32>
      %lt3A_1333 = arith.constant 0 : i32
      %lt3A_1334 = vector.broadcast %lt3A_1333 : i32 to vector<16xi32>
      %lt3A_1335 = arith.cmpi slt, %xor3A_1332, %lt3A_1334 : vector<16xi32>
      %add3A_1336 = arith.constant 16 : i32
      %add3A_1337 = vector.broadcast %add3A_1336 : i32 to vector<16xi32>
      %add3A_1338 = arith.addi %xor3A_1332, %add3A_1337 : vector<16xi32>
      %select_n3A_1339 = arith.select %lt3A_1335, %add3A_1338, %xor3A_1332 : vector<16xi1>, vector<16xi32>
      %broadcast_in_dim3A_1340 = vector.shape_cast %select_n3A_1339 : vector<16xi32> to vector<16x1xi32>
      %gather3A_1341 = vector.shape_cast %broadcast_in_dim3A_1340 : vector<16x1xi32> to vector<16xi32>
      %gather3A_1342 = tpu.dynamic_gather %min3A_1329[%gather3A_1341] in [0] : vector<16xf32>, vector<16xi32> -> vector<16xf32>
      %min3A_1343 = arith.minimumf %min3A_1329, %gather3A_1342 : vector<16xf32>
      %xor3A_1344 = arith.constant 1 : i32
      %xor3A_1345 = vector.broadcast %xor3A_1344 : i32 to vector<16xi32>
      %xor3A_1346 = arith.xori %iota3A, %xor3A_1345 : vector<16xi32>
      %lt3A_1347 = arith.constant 0 : i32
      %lt3A_1348 = vector.broadcast %lt3A_1347 : i32 to vector<16xi32>
      %lt3A_1349 = arith.cmpi slt, %xor3A_1346, %lt3A_1348 : vector<16xi32>
      %add3A_1350 = arith.constant 16 : i32
      %add3A_1351 = vector.broadcast %add3A_1350 : i32 to vector<16xi32>
      %add3A_1352 = arith.addi %xor3A_1346, %add3A_1351 : vector<16xi32>
      %select_n3A_1353 = arith.select %lt3A_1349, %add3A_1352, %xor3A_1346 : vector<16xi1>, vector<16xi32>
      %broadcast_in_dim3A_1354 = vector.shape_cast %select_n3A_1353 : vector<16xi32> to vector<16x1xi32>
      %gather3A_1355 = vector.shape_cast %broadcast_in_dim3A_1354 : vector<16x1xi32> to vector<16xi32>
      %gather3A_1356 = tpu.dynamic_gather %min3A_1343[%gather3A_1355] in [0] : vector<16xf32>, vector<16xi32> -> vector<16xf32>
      %min3A_1357 = arith.minimumf %min3A_1343, %gather3A_1356 : vector<16xf32>
      %slice3A_1358 = vector.extract_strided_slice %min3A_1357 {offsets = [0], sizes = [1], strides = [1]} : vector<16xf32> to vector<1xf32>
      %squeeze3A_1359 = vector.extract %slice3A_1358[0] : f32 from vector<1xf32>
      %mul3A_1360 = arith.mulf %squeeze3A_1301, %squeeze3A_1359 : f32
      %add3A_1361 = arith.addf %add3A_1299, %mul3A_1360 : f32
      %slice3A_1362 = vector.extract_strided_slice %mul3A_83 {offsets = [14], sizes = [1], strides = [1]} : vector<16xf32> to vector<1xf32>
      %squeeze3A_1363 = vector.extract %slice3A_1362[0] : f32 from vector<1xf32>
      %add3A_1364 = arith.addf %add3A_1361, %squeeze3A_1363 : f32
      %slice3A_1365 = vector.extract_strided_slice %get3A_77 {offsets = [15], sizes = [1], strides = [1]} : vector<16xf32> to vector<1xf32>
      %squeeze3A_1366 = vector.extract %slice3A_1365[0] : f32 from vector<1xf32>
      %xor3A_1367 = arith.constant 8 : i32
      %xor3A_1368 = vector.broadcast %xor3A_1367 : i32 to vector<16xi32>
      %xor3A_1369 = arith.xori %iota3A, %xor3A_1368 : vector<16xi32>
      %lt3A_1370 = arith.constant 0 : i32
      %lt3A_1371 = vector.broadcast %lt3A_1370 : i32 to vector<16xi32>
      %lt3A_1372 = arith.cmpi slt, %xor3A_1369, %lt3A_1371 : vector<16xi32>
      %add3A_1373 = arith.constant 16 : i32
      %add3A_1374 = vector.broadcast %add3A_1373 : i32 to vector<16xi32>
      %add3A_1375 = arith.addi %xor3A_1369, %add3A_1374 : vector<16xi32>
      %select_n3A_1376 = arith.select %lt3A_1372, %add3A_1375, %xor3A_1369 : vector<16xi1>, vector<16xi32>
      %broadcast_in_dim3A_1377 = vector.shape_cast %select_n3A_1376 : vector<16xi32> to vector<16x1xi32>
      %gather3A_1378 = vector.shape_cast %broadcast_in_dim3A_1377 : vector<16x1xi32> to vector<16xi32>
      %gather3A_1379 = tpu.dynamic_gather %scan3A_908#7[%gather3A_1378] in [0] : vector<16xf32>, vector<16xi32> -> vector<16xf32>
      %min3A_1380 = arith.minimumf %scan3A_908#7, %gather3A_1379 : vector<16xf32>
      %xor3A_1381 = arith.constant 4 : i32
      %xor3A_1382 = vector.broadcast %xor3A_1381 : i32 to vector<16xi32>
      %xor3A_1383 = arith.xori %iota3A, %xor3A_1382 : vector<16xi32>
      %lt3A_1384 = arith.constant 0 : i32
      %lt3A_1385 = vector.broadcast %lt3A_1384 : i32 to vector<16xi32>
      %lt3A_1386 = arith.cmpi slt, %xor3A_1383, %lt3A_1385 : vector<16xi32>
      %add3A_1387 = arith.constant 16 : i32
      %add3A_1388 = vector.broadcast %add3A_1387 : i32 to vector<16xi32>
      %add3A_1389 = arith.addi %xor3A_1383, %add3A_1388 : vector<16xi32>
      %select_n3A_1390 = arith.select %lt3A_1386, %add3A_1389, %xor3A_1383 : vector<16xi1>, vector<16xi32>
      %broadcast_in_dim3A_1391 = vector.shape_cast %select_n3A_1390 : vector<16xi32> to vector<16x1xi32>
      %gather3A_1392 = vector.shape_cast %broadcast_in_dim3A_1391 : vector<16x1xi32> to vector<16xi32>
      %gather3A_1393 = tpu.dynamic_gather %min3A_1380[%gather3A_1392] in [0] : vector<16xf32>, vector<16xi32> -> vector<16xf32>
      %min3A_1394 = arith.minimumf %min3A_1380, %gather3A_1393 : vector<16xf32>
      %xor3A_1395 = arith.constant 2 : i32
      %xor3A_1396 = vector.broadcast %xor3A_1395 : i32 to vector<16xi32>
      %xor3A_1397 = arith.xori %iota3A, %xor3A_1396 : vector<16xi32>
      %lt3A_1398 = arith.constant 0 : i32
      %lt3A_1399 = vector.broadcast %lt3A_1398 : i32 to vector<16xi32>
      %lt3A_1400 = arith.cmpi slt, %xor3A_1397, %lt3A_1399 : vector<16xi32>
      %add3A_1401 = arith.constant 16 : i32
      %add3A_1402 = vector.broadcast %add3A_1401 : i32 to vector<16xi32>
      %add3A_1403 = arith.addi %xor3A_1397, %add3A_1402 : vector<16xi32>
      %select_n3A_1404 = arith.select %lt3A_1400, %add3A_1403, %xor3A_1397 : vector<16xi1>, vector<16xi32>
      %broadcast_in_dim3A_1405 = vector.shape_cast %select_n3A_1404 : vector<16xi32> to vector<16x1xi32>
      %gather3A_1406 = vector.shape_cast %broadcast_in_dim3A_1405 : vector<16x1xi32> to vector<16xi32>
      %gather3A_1407 = tpu.dynamic_gather %min3A_1394[%gather3A_1406] in [0] : vector<16xf32>, vector<16xi32> -> vector<16xf32>
      %min3A_1408 = arith.minimumf %min3A_1394, %gather3A_1407 : vector<16xf32>
      %xor3A_1409 = arith.constant 1 : i32
      %xor3A_1410 = vector.broadcast %xor3A_1409 : i32 to vector<16xi32>
      %xor3A_1411 = arith.xori %iota3A, %xor3A_1410 : vector<16xi32>
      %lt3A_1412 = arith.constant 0 : i32
      %lt3A_1413 = vector.broadcast %lt3A_1412 : i32 to vector<16xi32>
      %lt3A_1414 = arith.cmpi slt, %xor3A_1411, %lt3A_1413 : vector<16xi32>
      %add3A_1415 = arith.constant 16 : i32
      %add3A_1416 = vector.broadcast %add3A_1415 : i32 to vector<16xi32>
      %add3A_1417 = arith.addi %xor3A_1411, %add3A_1416 : vector<16xi32>
      %select_n3A_1418 = arith.select %lt3A_1414, %add3A_1417, %xor3A_1411 : vector<16xi1>, vector<16xi32>
      %broadcast_in_dim3A_1419 = vector.shape_cast %select_n3A_1418 : vector<16xi32> to vector<16x1xi32>
      %gather3A_1420 = vector.shape_cast %broadcast_in_dim3A_1419 : vector<16x1xi32> to vector<16xi32>
      %gather3A_1421 = tpu.dynamic_gather %min3A_1408[%gather3A_1420] in [0] : vector<16xf32>, vector<16xi32> -> vector<16xf32>
      %min3A_1422 = arith.minimumf %min3A_1408, %gather3A_1421 : vector<16xf32>
      %slice3A_1423 = vector.extract_strided_slice %min3A_1422 {offsets = [0], sizes = [1], strides = [1]} : vector<16xf32> to vector<1xf32>
      %squeeze3A_1424 = vector.extract %slice3A_1423[0] : f32 from vector<1xf32>
      %mul3A_1425 = arith.mulf %squeeze3A_1366, %squeeze3A_1424 : f32
      %add3A_1426 = arith.addf %add3A_1364, %mul3A_1425 : f32
      %slice3A_1427 = vector.extract_strided_slice %mul3A_83 {offsets = [15], sizes = [1], strides = [1]} : vector<16xf32> to vector<1xf32>
      %squeeze3A_1428 = vector.extract %slice3A_1427[0] : f32 from vector<1xf32>
      %add3A_1429 = arith.addf %add3A_1426, %squeeze3A_1428 : f32
      scf.yield %add3A_1429 : f32
    }
    %scan3A_53 = arith.constant 4 : i32
    %eq3A_54 = arith.constant 0 : i32
    %eq3A_55 = vector.broadcast %eq3A_54 : i32 to vector<16xi32>
    %eq3A_56 = arith.cmpi eq, %iota3A, %eq3A_55 : vector<16xi32>
    %jit3A_57 = arith.constant 0.000000e+00 : f32
    %broadcast_in_dim3A = vector.broadcast %scan3A_52 : f32 to vector<16xf32>
    %broadcast_in_dim3A_58 = vector.broadcast %jit3A_57 : f32 to vector<16xf32>
    %select_n3A_59 = arith.select %eq3A_56, %broadcast_in_dim3A, %broadcast_in_dim3A_58 : vector<16xi1>, vector<16xf32>
    %swap3A = arith.constant 0 : index
    %swap3A_60 = tpu.vector_load %arg18[%swap3A] {strides = array<i32>} : memref<16xf32, #tpu.memory_space<vmem>>, vector<16xf32>,
    %swap3A_61 = vector.shape_cast %swap3A_60 : vector<16xf32> to vector<16xf32>
    %swap3A_62 = vector.shape_cast %select_n3A_59 : vector<16xf32> to vector<16xf32>
    tpu.vector_store %arg18[%swap3A], %swap3A_62 {strides = array<i32>} : memref<16xf32, #tpu.memory_space<vmem>>, vector<16xf32>,
    "tpu.region"() ({
      %run_scoped3A = tpu.sem_alloc : memref<!tpu.dma_semaphore, #tpu.memory_space<semaphore_mem>>
      %dma_start3A = arith.constant 0 : i32
      %dma_start3A_63 = tpu.memref_slice %arg9[%add3A, %dma_start3A] : memref<32x16xf32, #tpu.memory_space<hbm>> -> memref<1x16xf32, #tpu.memory_space<hbm>>
      %dma_start3A_64 = tpu.memref_squeeze %dma_start3A_63 : memref<1x16xf32, #tpu.memory_space<hbm>> -> memref<16xf32, #tpu.memory_space<hbm>>
      %dma_start3A_65 = arith.constant 0 : i32
      %dma_start3A_66 = tpu.memref_slice %arg9[%add3A, %dma_start3A_65] : memref<32x16xf32, #tpu.memory_space<hbm>> -> memref<1x16xf32, #tpu.memory_space<hbm>>
      %dma_start3A_67 = tpu.memref_squeeze %dma_start3A_66 : memref<1x16xf32, #tpu.memory_space<hbm>> -> memref<16xf32, #tpu.memory_space<hbm>>
      tpu.enqueue_dma source(%arg18 : memref<16xf32, #tpu.memory_space<vmem>>) target(%dma_start3A_67 : memref<16xf32, #tpu.memory_space<hbm>>) target_semaphore(%run_scoped3A : memref<!tpu.dma_semaphore, #tpu.memory_space<semaphore_mem>>)
      %dma_wait3A = arith.constant 0 : i32
      %dma_wait3A_68 = tpu.memref_slice %arg9[%add3A, %dma_wait3A] : memref<32x16xf32, #tpu.memory_space<hbm>> -> memref<1x16xf32, #tpu.memory_space<hbm>>
      %dma_wait3A_69 = tpu.memref_squeeze %dma_wait3A_68 : memref<1x16xf32, #tpu.memory_space<hbm>> -> memref<16xf32, #tpu.memory_space<hbm>>
      %dma_wait3A_70 = arith.constant 0 : i32
      %dma_wait3A_71 = tpu.memref_slice %arg9[%add3A, %dma_wait3A_70] : memref<32x16xf32, #tpu.memory_space<hbm>> -> memref<1x16xf32, #tpu.memory_space<hbm>>
      %dma_wait3A_72 = tpu.memref_squeeze %dma_wait3A_71 : memref<1x16xf32, #tpu.memory_space<hbm>> -> memref<16xf32, #tpu.memory_space<hbm>>
      tpu.wait_dma2 semaphore(%run_scoped3A : memref<!tpu.dma_semaphore, #tpu.memory_space<semaphore_mem>>) src(%arg18 : memref<16xf32, #tpu.memory_space<vmem>>) dst(%dma_wait3A_72 : memref<16xf32, #tpu.memory_space<hbm>>)
      tpu.yield
    }) : () -> ()
    return
  }
}

module attributes {stable_mosaic.version = 14 : i64} {
  func.func @_tc_block(%arg0: i32, %arg1: i32, %arg2: memref<1x3x512xbf16, #tpu.memory_space<vmem>>, %arg3: memref<1x3x4096xbf16, #tpu.memory_space<vmem>>, %arg4: memref<1x1x4096xf32, #tpu.memory_space<vmem>>, %arg5: memref<1x1x512xf32, #tpu.memory_space<vmem>>, %arg6: memref<1x1x512xf32, #tpu.memory_space<vmem>>, %arg7: memref<1x1x8x128xf32, #tpu.memory_space<vmem>>) attributes {dimension_semantics = [#tpu.dimension_semantics<arbitrary>, #tpu.dimension_semantics<arbitrary>], iteration_bounds = array<i64: 4, 7>, scalar_prefetch = 0 : i64, scratch_operands = 0 : i64, tpu.core_type = #tpu.core_type<tc>, window_params = [{transform_indices = @transform_0, window_bounds = array<i64: 1, 3, 512>}, {transform_indices = @transform_1, window_bounds = array<i64: 1, 3, 4096>}, {transform_indices = @transform_2, window_bounds = array<i64: 1, 1, 4096>}, {transform_indices = @transform_3, window_bounds = array<i64: 1, 1, 512>}, {transform_indices = @transform_4, window_bounds = array<i64: 1, 1, 512>}, {transform_indices = @transform_5, window_bounds = array<i64: 1, 1, 8, 128>}]} {
    %get3A = arith.constant 0 : index
    %get3A_0 = arith.constant 0 : index
    %get3A_1 = arith.constant 0 : index
    %get3A_2 = vector.load %arg2[%get3A, %get3A_0, %get3A_1] : memref<1x3x512xbf16, #tpu.memory_space<vmem>>, vector<1x3x512xbf16>
    %get3A_3 = vector.shape_cast %get3A_2 : vector<1x3x512xbf16> to vector<3x512xbf16>
    %get3A_4 = arith.constant 0 : index
    %get3A_5 = arith.constant 0 : index
    %get3A_6 = arith.constant 0 : index
    %get3A_7 = vector.load %arg3[%get3A_4, %get3A_5, %get3A_6] : memref<1x3x4096xbf16, #tpu.memory_space<vmem>>, vector<1x3x4096xbf16>
    %get3A_8 = vector.shape_cast %get3A_7 : vector<1x3x4096xbf16> to vector<3x4096xbf16>
    %get3A_9 = arith.constant 0 : index
    %get3A_10 = arith.constant 0 : index
    %get3A_11 = arith.constant 0 : index
    %get3A_12 = vector.load %arg4[%get3A_9, %get3A_10, %get3A_11] : memref<1x1x4096xf32, #tpu.memory_space<vmem>>, vector<1x1x4096xf32>
    %get3A_13 = vector.shape_cast %get3A_12 : vector<1x1x4096xf32> to vector<1x4096xf32>
    %slice3A = vector.extract_strided_slice %get3A_8 {offsets = [0, 0], sizes = [3, 512], strides = [1, 1]} : vector<3x4096xbf16> to vector<3x512xbf16>
    %dot_general3A = arith.constant dense<0.000000e+00> : vector<512x512xf32>
    %dot_general3A_14 = tpu.matmul %get3A_3, %slice3A, %dot_general3A {dimension_numbers = #tpu.dot_dimension_numbers<[0], [0], [1], [1], [0, 1, 1, 1], [], []>, transpose_lhs_hint = false} : vector<3x512xbf16>, vector<3x512xbf16>, vector<512x512xf32> -> vector<512x512xf32>
    %slice3A_15 = vector.extract_strided_slice %get3A_13 {offsets = [0, 0], sizes = [1, 512], strides = [1, 1]} : vector<1x4096xf32> to vector<1x512xf32>
    %add3A = vector.broadcast %slice3A_15 : vector<1x512xf32> to vector<512x512xf32>
    %add3A_16 = arith.addf %add3A, %dot_general3A_14 : vector<512x512xf32>
    %reduce_min3A = arith.constant dense<0x7F800000> : vector<512xf32>
    %reduce_min3A_17 = vector.multi_reduction <minimumf>, %add3A_16, %reduce_min3A [1] : vector<512x512xf32> to vector<512xf32>
    %broadcast_in_dim3A = vector.shape_cast %reduce_min3A_17 : vector<512xf32> to vector<512x1xf32>
    %slice3A_18 = vector.extract_strided_slice %get3A_8 {offsets = [0, 512], sizes = [3, 512], strides = [1, 1]} : vector<3x4096xbf16> to vector<3x512xbf16>
    %dot_general3A_19 = arith.constant dense<0.000000e+00> : vector<512x512xf32>
    %dot_general3A_20 = tpu.matmul %get3A_3, %slice3A_18, %dot_general3A_19 {dimension_numbers = #tpu.dot_dimension_numbers<[0], [0], [1], [1], [0, 1, 1, 1], [], []>, transpose_lhs_hint = false} : vector<3x512xbf16>, vector<3x512xbf16>, vector<512x512xf32> -> vector<512x512xf32>
    %slice3A_21 = vector.extract_strided_slice %get3A_13 {offsets = [0, 512], sizes = [1, 512], strides = [1, 1]} : vector<1x4096xf32> to vector<1x512xf32>
    %add3A_22 = vector.broadcast %slice3A_21 : vector<1x512xf32> to vector<512x512xf32>
    %add3A_23 = arith.addf %add3A_22, %dot_general3A_20 : vector<512x512xf32>
    %reduce_min3A_24 = arith.constant dense<0x7F800000> : vector<512xf32>
    %reduce_min3A_25 = vector.multi_reduction <minimumf>, %add3A_23, %reduce_min3A_24 [1] : vector<512x512xf32> to vector<512xf32>
    %broadcast_in_dim3A_26 = vector.shape_cast %reduce_min3A_25 : vector<512xf32> to vector<512x1xf32>
    %min3A = arith.minimumf %broadcast_in_dim3A, %broadcast_in_dim3A_26 : vector<512x1xf32>
    %slice3A_27 = vector.extract_strided_slice %get3A_8 {offsets = [0, 1024], sizes = [3, 512], strides = [1, 1]} : vector<3x4096xbf16> to vector<3x512xbf16>
    %dot_general3A_28 = arith.constant dense<0.000000e+00> : vector<512x512xf32>
    %dot_general3A_29 = tpu.matmul %get3A_3, %slice3A_27, %dot_general3A_28 {dimension_numbers = #tpu.dot_dimension_numbers<[0], [0], [1], [1], [0, 1, 1, 1], [], []>, transpose_lhs_hint = false} : vector<3x512xbf16>, vector<3x512xbf16>, vector<512x512xf32> -> vector<512x512xf32>
    %slice3A_30 = vector.extract_strided_slice %get3A_13 {offsets = [0, 1024], sizes = [1, 512], strides = [1, 1]} : vector<1x4096xf32> to vector<1x512xf32>
    %add3A_31 = vector.broadcast %slice3A_30 : vector<1x512xf32> to vector<512x512xf32>
    %add3A_32 = arith.addf %add3A_31, %dot_general3A_29 : vector<512x512xf32>
    %reduce_min3A_33 = arith.constant dense<0x7F800000> : vector<512xf32>
    %reduce_min3A_34 = vector.multi_reduction <minimumf>, %add3A_32, %reduce_min3A_33 [1] : vector<512x512xf32> to vector<512xf32>
    %broadcast_in_dim3A_35 = vector.shape_cast %reduce_min3A_34 : vector<512xf32> to vector<512x1xf32>
    %min3A_36 = arith.minimumf %min3A, %broadcast_in_dim3A_35 : vector<512x1xf32>
    %slice3A_37 = vector.extract_strided_slice %get3A_8 {offsets = [0, 1536], sizes = [3, 512], strides = [1, 1]} : vector<3x4096xbf16> to vector<3x512xbf16>
    %dot_general3A_38 = arith.constant dense<0.000000e+00> : vector<512x512xf32>
    %dot_general3A_39 = tpu.matmul %get3A_3, %slice3A_37, %dot_general3A_38 {dimension_numbers = #tpu.dot_dimension_numbers<[0], [0], [1], [1], [0, 1, 1, 1], [], []>, transpose_lhs_hint = false} : vector<3x512xbf16>, vector<3x512xbf16>, vector<512x512xf32> -> vector<512x512xf32>
    %slice3A_40 = vector.extract_strided_slice %get3A_13 {offsets = [0, 1536], sizes = [1, 512], strides = [1, 1]} : vector<1x4096xf32> to vector<1x512xf32>
    %add3A_41 = vector.broadcast %slice3A_40 : vector<1x512xf32> to vector<512x512xf32>
    %add3A_42 = arith.addf %add3A_41, %dot_general3A_39 : vector<512x512xf32>
    %reduce_min3A_43 = arith.constant dense<0x7F800000> : vector<512xf32>
    %reduce_min3A_44 = vector.multi_reduction <minimumf>, %add3A_42, %reduce_min3A_43 [1] : vector<512x512xf32> to vector<512xf32>
    %broadcast_in_dim3A_45 = vector.shape_cast %reduce_min3A_44 : vector<512xf32> to vector<512x1xf32>
    %min3A_46 = arith.minimumf %min3A_36, %broadcast_in_dim3A_45 : vector<512x1xf32>
    %slice3A_47 = vector.extract_strided_slice %get3A_8 {offsets = [0, 2048], sizes = [3, 512], strides = [1, 1]} : vector<3x4096xbf16> to vector<3x512xbf16>
    %dot_general3A_48 = arith.constant dense<0.000000e+00> : vector<512x512xf32>
    %dot_general3A_49 = tpu.matmul %get3A_3, %slice3A_47, %dot_general3A_48 {dimension_numbers = #tpu.dot_dimension_numbers<[0], [0], [1], [1], [0, 1, 1, 1], [], []>, transpose_lhs_hint = false} : vector<3x512xbf16>, vector<3x512xbf16>, vector<512x512xf32> -> vector<512x512xf32>
    %slice3A_50 = vector.extract_strided_slice %get3A_13 {offsets = [0, 2048], sizes = [1, 512], strides = [1, 1]} : vector<1x4096xf32> to vector<1x512xf32>
    %add3A_51 = vector.broadcast %slice3A_50 : vector<1x512xf32> to vector<512x512xf32>
    %add3A_52 = arith.addf %add3A_51, %dot_general3A_49 : vector<512x512xf32>
    %reduce_min3A_53 = arith.constant dense<0x7F800000> : vector<512xf32>
    %reduce_min3A_54 = vector.multi_reduction <minimumf>, %add3A_52, %reduce_min3A_53 [1] : vector<512x512xf32> to vector<512xf32>
    %broadcast_in_dim3A_55 = vector.shape_cast %reduce_min3A_54 : vector<512xf32> to vector<512x1xf32>
    %min3A_56 = arith.minimumf %min3A_46, %broadcast_in_dim3A_55 : vector<512x1xf32>
    %slice3A_57 = vector.extract_strided_slice %get3A_8 {offsets = [0, 2560], sizes = [3, 512], strides = [1, 1]} : vector<3x4096xbf16> to vector<3x512xbf16>
    %dot_general3A_58 = arith.constant dense<0.000000e+00> : vector<512x512xf32>
    %dot_general3A_59 = tpu.matmul %get3A_3, %slice3A_57, %dot_general3A_58 {dimension_numbers = #tpu.dot_dimension_numbers<[0], [0], [1], [1], [0, 1, 1, 1], [], []>, transpose_lhs_hint = false} : vector<3x512xbf16>, vector<3x512xbf16>, vector<512x512xf32> -> vector<512x512xf32>
    %slice3A_60 = vector.extract_strided_slice %get3A_13 {offsets = [0, 2560], sizes = [1, 512], strides = [1, 1]} : vector<1x4096xf32> to vector<1x512xf32>
    %add3A_61 = vector.broadcast %slice3A_60 : vector<1x512xf32> to vector<512x512xf32>
    %add3A_62 = arith.addf %add3A_61, %dot_general3A_59 : vector<512x512xf32>
    %reduce_min3A_63 = arith.constant dense<0x7F800000> : vector<512xf32>
    %reduce_min3A_64 = vector.multi_reduction <minimumf>, %add3A_62, %reduce_min3A_63 [1] : vector<512x512xf32> to vector<512xf32>
    %broadcast_in_dim3A_65 = vector.shape_cast %reduce_min3A_64 : vector<512xf32> to vector<512x1xf32>
    %min3A_66 = arith.minimumf %min3A_56, %broadcast_in_dim3A_65 : vector<512x1xf32>
    %slice3A_67 = vector.extract_strided_slice %get3A_8 {offsets = [0, 3072], sizes = [3, 512], strides = [1, 1]} : vector<3x4096xbf16> to vector<3x512xbf16>
    %dot_general3A_68 = arith.constant dense<0.000000e+00> : vector<512x512xf32>
    %dot_general3A_69 = tpu.matmul %get3A_3, %slice3A_67, %dot_general3A_68 {dimension_numbers = #tpu.dot_dimension_numbers<[0], [0], [1], [1], [0, 1, 1, 1], [], []>, transpose_lhs_hint = false} : vector<3x512xbf16>, vector<3x512xbf16>, vector<512x512xf32> -> vector<512x512xf32>
    %slice3A_70 = vector.extract_strided_slice %get3A_13 {offsets = [0, 3072], sizes = [1, 512], strides = [1, 1]} : vector<1x4096xf32> to vector<1x512xf32>
    %add3A_71 = vector.broadcast %slice3A_70 : vector<1x512xf32> to vector<512x512xf32>
    %add3A_72 = arith.addf %add3A_71, %dot_general3A_69 : vector<512x512xf32>
    %reduce_min3A_73 = arith.constant dense<0x7F800000> : vector<512xf32>
    %reduce_min3A_74 = vector.multi_reduction <minimumf>, %add3A_72, %reduce_min3A_73 [1] : vector<512x512xf32> to vector<512xf32>
    %broadcast_in_dim3A_75 = vector.shape_cast %reduce_min3A_74 : vector<512xf32> to vector<512x1xf32>
    %min3A_76 = arith.minimumf %min3A_66, %broadcast_in_dim3A_75 : vector<512x1xf32>
    %slice3A_77 = vector.extract_strided_slice %get3A_8 {offsets = [0, 3584], sizes = [3, 512], strides = [1, 1]} : vector<3x4096xbf16> to vector<3x512xbf16>
    %dot_general3A_78 = arith.constant dense<0.000000e+00> : vector<512x512xf32>
    %dot_general3A_79 = tpu.matmul %get3A_3, %slice3A_77, %dot_general3A_78 {dimension_numbers = #tpu.dot_dimension_numbers<[0], [0], [1], [1], [0, 1, 1, 1], [], []>, transpose_lhs_hint = false} : vector<3x512xbf16>, vector<3x512xbf16>, vector<512x512xf32> -> vector<512x512xf32>
    %slice3A_80 = vector.extract_strided_slice %get3A_13 {offsets = [0, 3584], sizes = [1, 512], strides = [1, 1]} : vector<1x4096xf32> to vector<1x512xf32>
    %add3A_81 = vector.broadcast %slice3A_80 : vector<1x512xf32> to vector<512x512xf32>
    %add3A_82 = arith.addf %add3A_81, %dot_general3A_79 : vector<512x512xf32>
    %reduce_min3A_83 = arith.constant dense<0x7F800000> : vector<512xf32>
    %reduce_min3A_84 = vector.multi_reduction <minimumf>, %add3A_82, %reduce_min3A_83 [1] : vector<512x512xf32> to vector<512xf32>
    %broadcast_in_dim3A_85 = vector.shape_cast %reduce_min3A_84 : vector<512xf32> to vector<512x1xf32>
    %min3A_86 = arith.minimumf %min3A_76, %broadcast_in_dim3A_85 : vector<512x1xf32>
    %transpose3A = tpu.transpose %min3A_86, [1, 0] : vector<512x1xf32> -> vector<1x512xf32>
    %get3A_87 = arith.constant 0 : index
    %get3A_88 = arith.constant 0 : index
    %get3A_89 = arith.constant 0 : index
    %get3A_90 = vector.load %arg5[%get3A_87, %get3A_88, %get3A_89] : memref<1x1x512xf32, #tpu.memory_space<vmem>>, vector<1x1x512xf32>
    %get3A_91 = vector.shape_cast %get3A_90 : vector<1x1x512xf32> to vector<1x512xf32>
    %mul3A = arith.mulf %get3A_91, %transpose3A : vector<1x512xf32>
    %reduce_sum3A = vector.shape_cast %mul3A : vector<1x512xf32> to vector<1x1x512xf32>
    %reduce_sum3A_92 = arith.constant dense<0.000000e+00> : vector<1xf32>
    %reduce_sum3A_93 = vector.multi_reduction <add>, %reduce_sum3A, %reduce_sum3A_92 [1, 2] : vector<1x1x512xf32> to vector<1xf32>
    %reduce_sum3A_94 = vector.shape_cast %reduce_sum3A_93 : vector<1xf32> to vector<1x1x1xf32>
    %reduce_sum3A_95 = vector.extract %reduce_sum3A_94[0, 0, 0] : f32 from vector<1x1x1xf32>
    %get3A_96 = arith.constant 0 : index
    %get3A_97 = arith.constant 0 : index
    %get3A_98 = arith.constant 0 : index
    %get3A_99 = vector.load %arg6[%get3A_96, %get3A_97, %get3A_98] : memref<1x1x512xf32, #tpu.memory_space<vmem>>, vector<1x1x512xf32>
    %get3A_100 = vector.shape_cast %get3A_99 : vector<1x1x512xf32> to vector<1x512xf32>
    %reduce_sum3A_101 = vector.shape_cast %get3A_100 : vector<1x512xf32> to vector<1x1x512xf32>
    %reduce_sum3A_102 = arith.constant dense<0.000000e+00> : vector<1xf32>
    %reduce_sum3A_103 = vector.multi_reduction <add>, %reduce_sum3A_101, %reduce_sum3A_102 [1, 2] : vector<1x1x512xf32> to vector<1xf32>
    %reduce_sum3A_104 = vector.shape_cast %reduce_sum3A_103 : vector<1xf32> to vector<1x1x1xf32>
    %reduce_sum3A_105 = vector.extract %reduce_sum3A_104[0, 0, 0] : f32 from vector<1x1x1xf32>
    %add3A_106 = arith.addf %reduce_sum3A_95, %reduce_sum3A_105 : f32
    %iota3A = tpu.iota {dimensions = array<i32: 0>} : vector<8x128xi32>
    %iota3A_107 = tpu.iota {dimensions = array<i32: 1>} : vector<8x128xi32>
    %eq3A = arith.constant 0 : i32
    %eq3A_108 = vector.broadcast %eq3A : i32 to vector<8x128xi32>
    %eq3A_109 = arith.cmpi eq, %iota3A, %eq3A_108 : vector<8x128xi32>
    %eq3A_110 = arith.constant 0 : i32
    %eq3A_111 = vector.broadcast %eq3A_110 : i32 to vector<8x128xi32>
    %eq3A_112 = arith.cmpi eq, %iota3A_107, %eq3A_111 : vector<8x128xi32>
    %and3A = arith.andi %eq3A_109, %eq3A_112 : vector<8x128xi1>
    %jit3A = arith.constant 0.000000e+00 : f32
    %broadcast_in_dim3A_113 = vector.broadcast %add3A_106 : f32 to vector<8x128xf32>
    %broadcast_in_dim3A_114 = vector.broadcast %jit3A : f32 to vector<8x128xf32>
    %select_n3A = arith.select %and3A, %broadcast_in_dim3A_113, %broadcast_in_dim3A_114 : vector<8x128xi1>, vector<8x128xf32>
    %swap3A = arith.constant 0 : index
    %swap3A_115 = arith.constant 0 : index
    %swap3A_116 = arith.constant 0 : index
    %swap3A_117 = arith.constant 0 : index
    %swap3A_118 = vector.load %arg7[%swap3A, %swap3A_115, %swap3A_116, %swap3A_117] : memref<1x1x8x128xf32, #tpu.memory_space<vmem>>, vector<1x1x8x128xf32>
    %swap3A_119 = vector.shape_cast %swap3A_118 : vector<1x1x8x128xf32> to vector<8x128xf32>
    %swap3A_120 = vector.shape_cast %select_n3A : vector<8x128xf32> to vector<1x1x8x128xf32>
    tpu.vector_store %arg7[%swap3A, %swap3A_115, %swap3A_116, %swap3A_117], %swap3A_120 {strides = array<i32>} : memref<1x1x8x128xf32, #tpu.memory_space<vmem>>, vector<1x1x8x128xf32>,
    return
  }
  func.func @transform_0(%arg0: i32, %arg1: i32) -> (i32, i32, i32) {
    %c0_i32 = arith.constant 0 : i32
    %c0_i32_0 = arith.constant 0 : i32
    return %arg0, %c0_i32, %arg1 : i32, i32, i32
  }
  func.func @transform_1(%arg0: i32, %arg1: i32) -> (i32, i32, i32) {
    %c0_i32 = arith.constant 0 : i32
    %c0_i32_0 = arith.constant 0 : i32
    %c0_i32_1 = arith.constant 0 : i32
    return %arg0, %c0_i32, %c0_i32_0 : i32, i32, i32
  }
  func.func @transform_2(%arg0: i32, %arg1: i32) -> (i32, i32, i32) {
    %c0_i32 = arith.constant 0 : i32
    %c0_i32_0 = arith.constant 0 : i32
    %c0_i32_1 = arith.constant 0 : i32
    return %arg0, %c0_i32, %c0_i32_0 : i32, i32, i32
  }
  func.func @transform_3(%arg0: i32, %arg1: i32) -> (i32, i32, i32) {
    %c0_i32 = arith.constant 0 : i32
    %c0_i32_0 = arith.constant 0 : i32
    return %arg0, %c0_i32, %arg1 : i32, i32, i32
  }
  func.func @transform_4(%arg0: i32, %arg1: i32) -> (i32, i32, i32) {
    %c0_i32 = arith.constant 0 : i32
    %c0_i32_0 = arith.constant 0 : i32
    return %arg0, %c0_i32, %arg1 : i32, i32, i32
  }
  func.func @transform_5(%arg0: i32, %arg1: i32) -> (i32, i32, i32, i32) {
    %c0_i32 = arith.constant 0 : i32
    %c0_i32_0 = arith.constant 0 : i32
    %c0_i32_1 = arith.constant 0 : i32
    return %arg0, %arg1, %c0_i32, %c0_i32_0 : i32, i32, i32, i32
  }
}

</mosaic_0001>

<sc_bundles>
// kernel: kernel.4.cloned.1.call-start
scs
__scs_entry_jumppad:
0x0: {  	(pc) =	sbr.rel $0x88, $3  }
0x1: {  	(tag) =	ssettag $0x0;
	lr =	simm.s32 $0x1  }
0x2: {  	[smem:$0x3F9E] =	sst lr;
	_ =	strace $0xD0000000  }
0x3: {  	_ = 	snop  }
0x4: {  	_ = 	snop  }
0x5: {  	_ = 	snop  }
0x6: {  	_ = 	snop  }
0x7: {  	_ = 	snop  }
__scs_overlays_trampoline_lowered:
0x8: {  	[smem:$0x3FAD] =	sst s0  }
0x9: {  	[smem:$0x3FAE] =	sst s1  }
0xa: {  	[smem:$0x3FAF] =	sst s2  }
0xb: {  	[smem:$0x3FB0] =	sst s3  }
0xc: {  	[smem:$0x3FB1] =	sst s4  }
0xd: {  	[smem:$0x3FB2] =	sst s5  }
0xe: {  	[smem:$0x3FB3] =	sst s6  }
0xf: {  	[smem:$0x3FB4] =	sst s7  }
0x10: {  	[smem:$0x3FB5] =	sst s8  }
0x11: {  	[smem:$0x3FB6] =	sst s9;
	s0 =	simm.s32 @!p0 $0x0  }
0x12: {  	s1 =	sld [smem:$0x3F9C];
	s0 =	simm.s32 @p0 $0x1  }
0x13: {  	[smem:$0x3FB7] =	sst s0;
	s0 =	simm.s32 @!p1 $0x0  }
0x14: {  	s2 =	sld [smem:$0x3F9B];
	s0 =	simm.s32 @p1 $0x1  }
0x15: {  	[smem:$0x3FB8] =	sst s0;
	s0 =	simm.s32 @!p2 $0x0  }
0x16: {  	s3 =	sld [smem:$0x3FDB];
	s0 =	simm.s32 @p2 $0x1  }
0x17: {  	s4 =	simm.s32 $0x1BF5;
	[smem:$0x3FBA] =	sst s0  }
0x18: {  	s0 =	sld [smem:$0x3F9D];
	_ =	swait.ge [sflag:s4], $0x0  }
0x19: {  	s7 =	sld [smem:$0x3F9E]  }
0x1a: {  	s8 =	sadd.s32 $0xFFFFE003, lr  }
0x1b: {  	s9 =	sadd.s32 $0xFFFFFEF7, lr;
	s5 =	simm.s32 $0xFFFFFFFF;
	p2 =	slt.u32 s8, $0xFFFFF086  }
0x1c: {  	p1 =	slt.u32 s9, $0xF7A;
	s5 =	simm.s32 @!p2 $0x0  }
0x1d: {  	s5 =	simm.s32 @p1 $0x1;
	p0 =	seq.s32 s7, s2  }
0x1e: {  	s7 =	smul.u32 @!p0 $0xF7A, s2;
	p2 =	seq.s32 @!p0 s5, $0x0  }
0x1f: {  	s9 =	smul.u32 $0xF7A, s1;
	s8 =	simm.s32 @!p0 $0x1BF5;
	p2 =	por !p2, p0  }
0x20: {  	[sflag:s8] =	ssyncset.s32 @!p0 $0xFFFFF086;
	s6 =	sadd.s32 @!p0 s3, s7;
	s7 =	simm.s32 @!p0 $0x108  }
0x21: {  	s3 =	sadd.s32 s3, s9;
	s6 =	sadd.s32 @!p0 $0x88, s6;
	s7 =	simm.s32 @p2 $0x1082  }
0x22: {  	[simem:s7], [sflag:s8] =	dma.local @!p0 [hbm:s6], $0xF7A  }
0x23: {  	s9 =	sor.u32 $0xD0000000, s2;
	s6 =	simm.s32 $0x108;
	_ =	swait.ge @!p0 [sflag:s8], $0x0  }
0x24: {  	s3 =	sadd.s32 $0x88, s3;
	s6 =	simm.s32 @!p1 $0x1082;
	[sflag:s4] =	ssyncset.s32 $0xFFFFF086  }
0x25: {  	[simem:s6], [sflag:s4] =	dma.local [hbm:s3], $0xF7A  }
0x26: {  	[smem:$0x3F9E] =	sst s1;
	(tag) =	ssettag s2;
	_ =	strace s9  }
0x27: {  	s1 =	sld [smem:$0x3FAE]  }
0x28: {  	s2 =	sld [smem:$0x3FAF]  }
0x29: {  	s4 =	sld [smem:$0x3FB1]  }
0x2a: {  	p0 =	seq.s32 s5, $0x0;
	s5 =	sld [smem:$0x3FB2]  }
0x2b: {  	s6 =	sld [smem:$0x3FB3]  }
0x2c: {  	s7 =	sld [smem:$0x3FB4]  }
0x2d: {  	s3 =	simm.s32 $0x108;
	s8 =	sld [smem:$0x3FB5]  }
0x2e: {  	s3 =	simm.s32 @!p0 $0x1082;
	s9 =	sld [smem:$0x3FB6]  }
0x2f: {  	lr =	sadd.s32 s0, s3;
	s0 =	sld [smem:$0x3FAD]  }
0x30: {  	s3 =	sld [smem:$0x3FB0]  }
0x31: {  	[smem:$0x3FB9] =	sst s10  }
0x32: {  	s10 =	sld [smem:$0x3FB7];
	_ =	sdelay $0x3  }
0x33: {  	p0 =	seq.s32 s10, $0x1;
	s10 =	sld [smem:$0x3FB9];
	_ =	sdelay $0x3  }
0x34: {  	[smem:$0x3FB9] =	sst s10  }
0x35: {  	s10 =	sld [smem:$0x3FB8];
	_ =	sdelay $0x3  }
0x36: {  	p1 =	seq.s32 s10, $0x1;
	s10 =	sld [smem:$0x3FB9];
	_ =	sdelay $0x3  }
0x37: {  	[smem:$0x3FB9] =	sst s10  }
0x38: {  	s10 =	sld [smem:$0x3FBA]  }
0x39: {  	_ = 	snop;
	(pc) =	sbr.ind lr, $3  }
0x3a: {  	_ = 	snop  }
0x3b: {  	_ = 	snop  }
0x3c: {  	p2 =	seq.s32 s10, $0x1;
	s10 =	sld [smem:$0x3FB9]  }
0x3d: {  	_ =	shalt  }
0x3e: {  	_ =	shalt  }
0x3f: {  	_ =	shalt  }
0x40: {  	_ =	shalt  }
0x41: {  	_ =	shalt  }
0x42: {  	_ =	shalt  }
0x43: {  	_ =	shalt  }
0x44: {  	_ =	shalt  }
0x45: {  	_ =	shalt  }
0x46: {  	_ =	shalt  }
0x47: {  	_ =	shalt  }
0x48: {  	_ =	shalt  }
0x49: {  	_ =	shalt  }
0x4a: {  	_ =	shalt  }
0x4b: {  	_ =	shalt  }
0x4c: {  	_ =	shalt  }
0x4d: {  	_ =	shalt  }
0x4e: {  	_ =	shalt  }
0x4f: {  	_ =	shalt  }
0x50: {  	_ =	shalt  }
0x51: {  	_ =	shalt  }
0x52: {  	_ =	shalt  }
0x53: {  	_ =	shalt  }
0x54: {  	_ =	shalt  }
0x55: {  	_ =	shalt  }
0x56: {  	_ =	shalt  }
0x57: {  	_ =	shalt  }
0x58: {  	_ =	shalt  }
0x59: {  	_ =	shalt  }
0x5a: {  	_ =	shalt  }
0x5b: {  	_ =	shalt  }
0x5c: {  	_ =	shalt  }
0x5d: {  	_ =	shalt  }
0x5e: {  	_ =	shalt  }
0x5f: {  	_ =	shalt  }
0x60: {  	_ =	shalt  }
0x61: {  	_ =	shalt  }
0x62: {  	_ =	shalt  }
0x63: {  	_ =	shalt  }
0x64: {  	_ =	shalt  }
0x65: {  	_ =	shalt  }
0x66: {  	_ =	shalt  }
0x67: {  	_ =	shalt  }
0x68: {  	_ =	shalt  }
0x69: {  	_ =	shalt  }
0x6a: {  	_ =	shalt  }
0x6b: {  	_ =	shalt  }
0x6c: {  	_ =	shalt  }
0x6d: {  	_ =	shalt  }
0x6e: {  	_ =	shalt  }
0x6f: {  	_ =	shalt  }
0x70: {  	_ =	shalt  }
0x71: {  	_ =	shalt  }
0x72: {  	_ =	shalt  }
0x73: {  	_ =	shalt  }
0x74: {  	_ =	shalt  }
0x75: {  	_ =	shalt  }
0x76: {  	_ =	shalt  }
0x77: {  	_ =	shalt  }
0x78: {  	_ =	shalt  }
0x79: {  	_ =	shalt  }
0x7a: {  	_ =	shalt  }
0x7b: {  	_ =	shalt  }
0x7c: {  	_ =	shalt  }
0x7d: {  	_ =	shalt  }
0x7e: {  	_ =	shalt  }
0x7f: {  	_ =	shalt  }
0x80: {  	_ =	shalt  }
0x81: {  	_ =	shalt  }
0x82: {  	_ =	shalt  }
0x83: {  	_ =	shalt  }
0x84: {  	_ =	shalt  }
0x85: {  	_ =	shalt  }
0x86: {  	_ =	shalt  }
0x87: {  	_ =	shalt  }
.Lfunc_end0:
.L_simem_size_0:
called_computation_lowered:
.L_overlay_start_0:
0x88: {  	s2 =	sld [smem:$0x3FD9]  }
0x89: {  	s3 =	sld [smem:$0x3FFE];
	_ =	sdelay $0x1  }
0x8a: {  	s1 =	srdreg.scid  }
0x8b: {  	s0 =	sand.u32 $0x1, s1  }
0x8c: {  	s16 =	sshll.u32 s0, $0xA;
	s2 =	sadd.s32 s3, s2  }
0x8d: {  	s2 =	sadd.s32 s2, s16  }
0x8e: {  	[smem:$0x3FC5] =	sst s2  }
0x8f: {  	_ = 	snop  }
0x90: {  	(tm) =	ssettm $0x1  }
0x91: {  	s17 =	sld [smem:$0x3FFB];
	_ =	sdelay $0x3  }
0x92: {  	_ =	strace s17  }
0x93: {  	s2 =	sld [smem:$0x3FFC];
	_ =	sdelay $0x3  }
0x94: {  	_ =	strace s2  }
0x95: {  	s2 =	sld [smem:$0x3FFD];
	_ =	sdelay $0x3  }
0x96: {  	_ =	strace s2  }
0x97: {  	_ =	strace $0x8FFFFFFF  }
0x98: {  	s18 =	sld [smem:$0x3FDB];
	_ =	sdelay $0x1  }
0x99: {  	s19 =	simm.s32 $_scs_section_size  }
0x9a: {  	s4 =	simm.s32 $_size__tile_overlayer_lowered;
	s5 =	simm.s32 $_tile_overlayer_lowered  }
0x9b: {  	s22 =	simm.s32 $0x1BFF;
	s21 =	sshll.u32 s5, $0x1;
	s2 =	sadd.s32 s19, s18  }
0x9c: {  	s6 =	simm.s32 $0x0;
	s20 =	sshll.u32 s4, $0x1;
	s4 =	sadd.s32 s21, s2  }
0x9d: {  	[timem:s6], [sflag:s22] =	dma.local [hbm:s4], s20  }
0x9e: {  	_ =	swait.ge [sflag:s22], s20  }
0x9f: {  	s3 =	ssub.s32 $0x0, s20;
	[sflag:s22] =	ssyncset.done $0x0  }
0xa0: {  	[sflag:s22] =	ssyncadd.s32 s3;
	_ =	sdelay $0x1  }
0xa1: {  	s23 =	simm.s32 $0x1B8B  }
0xa2: {  	_ =	swait.ge [sflag:s23], $0x1  }
0xa3: {  	[sflag:s23] =	ssyncset.done $0x0  }
0xa4: {  	s25 =	simm.s32 $0x1B8E;
	s24 =	sld [smem:$0x3FFE];
	[sflag:s23] =	ssyncadd.s32 $0xFFFFFFFF  }
0xa5: {  	s26 =	simm.s32 $execute0_lowered;
	[smem:$0x3FD2] =	sst s25  }
0xa6: {  	s4 =	sshll.u32 s26, $0x1;
	_ =	strace $0x80000046;
	[dreg:$0x1] =	wrdreg $0xFFFFFFFF  }
0xa7: {  	s28 =	simm.s32 $_size_execute0_lowered;
	s2 =	sadd.s32 s2, s4;
	[dreg:$0x0] =	wrdreg $0x0  }
0xa8: {  	s4 =	sshll.u32 s28, $0x1;
	[dreg:$0x2] =	wrdreg s2  }
0xa9: {  	[dreg:$0x3] =	wrdreg s4  }
0xaa: {  	[dreg:$0x4] =	wrdreg $0xC0  }
0xab: {  	_ =	task [dreg:s6], $0x5FFFF  }
0xac: {  	[dreg:$0x1] =	wrdreg $0xFFFFFFFF  }
0xad: {  	[dreg:$0x0] =	wrdreg $0x60  }
0xae: {  	[dreg:$0x2] =	wrdreg s24  }
0xaf: {  	[dreg:$0x3] =	wrdreg $0x9  }
0xb0: {  	_ =	task.clear_ibuf [dreg:s6], $0x4FFFF;
	_ =	strace $0x90000046  }
0xb1: {  	s29 =	simm.s32 $0x9;
	_ =	strace $0x80000048  }
0xb2: {  	_ =	swait.ge [sflag:s29], $0x1  }
0xb3: {  	[sflag:s29] =	ssyncadd.s32 $0xFFFFFFFF  }
0xb4: {  	_ =	strace $0x90000048  }
0xb5: {  	_ =	sfence  }
0xb6: {  	s30 =	sld [smem:$0x0];
	_ =	sdelay $0x2  }
0xb7: {  	s31 =	sshll.u32 s1, $0xD;
	s1 =	sshrl.u32 s1, $0x2  }
0xb8: {  	s3 =	sand.u32 $0x4000, s31;
	s1 =	sadd.s32 s1, s30  }
0xb9: {  	s0 =	sor.u32 s3, s0;
	s1 =	sshll.u32 s1, $0x11  }
0xba: {  	s0 =	sor.u32 s1, s0  }
0xbb: {  	s0 =	sadd.s32 $0x8F2B, s0  }
0xbc: {  	[sflag:s0] =	ssyncadd.remote.s32 $0x1  }
0xbd: {  	_ =	sfence.sel $0xFFFF  }
0xbe: {  	[dreg:$0x0] =	wrdreg $0xFFFFFFFF;
	(pc) =	sbr.abs _section_cstart, $3  }
0xbf: {  	[dreg:$0x1] =	wrdreg $0xFFFFFFFF  }
0xc0: {  	_ =	task.clear_ibuf [dreg:s6], $0x2FFFF;
	_ =	strace $0x9FFFFFFF  }
0xc1: {  	(tm) =	ssettm $0x7FFFFFFF  }
tec
execute0_lowered:
.L_overlay_start_1:
0x0: {  	(tag) =	ssettag $0x1  }
0x1: {  	v0 =	vimm.s32 $0xFEDCBA98;
	v1 =	vimm.s32 $0x76543210;
	v2 =	vimm.s32 $0xBA98FEDC  }
0x2: {  	v3 =	vimm.s32 $0x32107654;
	v4 =	vimm.s32 $0xDCFE98BA;
	v5 =	vimm.s32 $0x54761032  }
0x3: {  	s3 =	rddreg [dreg:$0x0];
	v6 =	vimm.s32 $0xEFCDAB89;
	v7 =	vimm.s32 $0x67452301;
	v0 =	vunpack.c.l.s4.s8 v0  }
0x4: {  	s0 =	stileid.u32;
	s4 =	srdreg.scid;
	s2 =	simm.s32 $0x0;
	v1 =	vunpack.c.l.s4.s8 v1;
	v2 =	vunpack.c.l.s4.s8 v2;
	v3 =	vunpack.c.l.s4.s8 v3  }
0x5: {  	s12 =	simm.s32 $0x1;
	s20 =	simm.s32 $0x0;
	s4 =	sand.u32 $0x1, s4;
	v4 =	vunpack.c.l.s4.s8 v4;
	v5 =	vunpack.c.l.s4.s8 v5;
	v6 =	vunpack.c.l.s4.s8 v6  }
0x6: {  	s5 =	sshll.u32 s0, $0x1;
	[smem:$0x7FF] =	sst s2;
	s6 =	sshll.u32 s0, $0x7;
	v7 =	vunpack.c.l.s4.s8 v7;
	v0 =	vunpack.c.0.s8.s32 v0;
	v2 =	vunpack.c.0.s8.s32 v2  }
0x7: {  	s5 =	sor.u32 s4, s5;
	_ =	strace $0x80000047;
	s4 =	ssub.s32 $0x2, s4;
	v3 =	vunpack.c.0.s8.s32 v3;
	v4 =	vunpack.c.0.s8.s32 v4;
	v1 =	vunpack.c.0.s8.s32 v1  }
0x8: {  	s7 =	sshll.u32 s5, $0x3;
	s5 =	sshll.u32 s5, $0x4;
	s29 =	sshrl.u32 s4, $0x1;
	v5 =	vunpack.c.0.s8.s32 v5;
	v6 =	vunpack.c.0.s8.s32 v6;
	v0 =	vand.u32 $0xF, v0  }
0x9: {  	v7 =	vunpack.c.0.s8.s32 v7;
	s7 =	sor.u32 s6, s7;
	s6 =	sand.u32 $0x600, s6;
	s10 =	sadd.s32 s5, s3;
	v2 =	vcombine.low v3, v2;
	v0 =	vcombine.low v0, v1  }
0xa: {  	s11 =	ssub.s32 s4, s29;
	s7 =	sor.u32 $0x1C0, s7;
	s9 =	sadd.s32 s6, s3;
	v59 =	vcombine.low v5, v4  }
0xb: {  	s10 =	sadd.s32 $0x4000, s10;
	s11 =	smax.u32 s11, $0x1;
	v60 =	vcombine.low v7, v6;
	s7 =	sadd.s32 s7, s3;
	v61 =	vand.u32 $0xF, v2;
	[tilespmem:$0x1FFC0] =	vst v0  }
0xc: {  	s8 =	sadd.s32 $0x1000, s9;
	s30 =	sadd.s32 $0x1800, s7;
	s31 =	sadd.s32 $0x2000, s7;
	v62 =	vand.u32 $0xF, v59;
	[tilespmem:$0x1FFD0] =	vst v61  }
0xd: {  	s5 =	sadd.s32 $0x2800, s7;
	s6 =	sadd.s32 $0x3000, s7;
	v63 =	vand.u32 $0xF, v60;
	[dreg:$0x2] =	wrdreg s30;
	[tilespmem:$0x1FFE0] =	vst v62  }
0xe: {  	vm0 =	vcmask $0x300;
	s7 =	sadd.s32 $0x800, s9;
	s9 =	sadd.s32 $0x3800, s9;
	[dreg:$0x3] =	wrdreg s31;
	[tilespmem:$0x1FFF0] =	vst v63  }
.LBB2_1:
0xf: {  	s0 =	rddreg [dreg:$0x2]  }
0x10: {  	[tilespmem:s2], [sflag:$0x1] =	stream.linear.gather [hbm4b:s0+s2], $0x40, $0x38;
	[tilespmem:$0x4280] =	vst v63  }
0x11: {  	_ =	swait.ge [sflag:s12], $0x40  }
0x12: {  	[sflag:s12] =	ssyncset.done $0x0  }
0x13: {  	s1 =	simm.s32 $0x80;
	s25 =	rddreg [dreg:$0x3];
	[sflag:s12] =	ssyncadd.s32 $0xFFFFFFC0  }
0x14: {  	[tilespmem:s1], [sflag:$0x1] =	stream.linear.gather [hbm4b:s25+s2], $0x40, $0x38;
	[tilespmem:$0x4280] =	vst v63  }
0x15: {  	_ =	swait.ge [sflag:s12], $0x40  }
0x16: {  	[sflag:s12] =	ssyncset.done $0x0  }
0x17: {  	s26 =	simm.s32 $0x100;
	[sflag:s12] =	ssyncadd.s32 $0xFFFFFFC0  }
0x18: {  	[tilespmem:s26], [sflag:$0x1] =	stream.linear.gather [hbm4b:s5+s2], $0x40, $0x38;
	[tilespmem:$0x4280] =	vst v63  }
0x19: {  	_ =	swait.ge [sflag:s12], $0x40  }
0x1a: {  	[sflag:s12] =	ssyncset.done $0x0  }
0x1b: {  	s28 =	simm.s32 $0x180;
	[sflag:s12] =	ssyncadd.s32 $0xFFFFFFC0  }
0x1c: {  	[tilespmem:s28], [sflag:$0x1] =	stream.linear.gather [hbm4b:s6+s2], $0x40, $0x38;
	[tilespmem:$0x4280] =	vst v63  }
0x1d: {  	_ =	swait.ge [sflag:s12], $0x40  }
0x1e: {  	[sflag:s12] =	ssyncset.done $0x0  }
0x1f: {  	s29 =	simm.s32 $0x200;
	[sflag:s12] =	ssyncadd.s32 $0xFFFFFFC0  }
0x20: {  	[tilespmem:s29], [sflag:$0x1] =	stream.linear.gather [hbm4b:s7+s2], $0x1000, $0x38;
	[tilespmem:$0x4280] =	vst v63  }
0x21: {  	_ =	swait.ge [sflag:s12], $0x1000  }
0x22: {  	[sflag:s12] =	ssyncset.done $0x0  }
0x23: {  	s30 =	simm.s32 $0x1200;
	[sflag:s12] =	ssyncadd.s32 $0xFFFFF000  }
0x24: {  	[tilespmem:s30], [sflag:$0x1] =	stream.linear.gather [hbm4b:s8+s2], $0x1000, $0x38;
	[tilespmem:$0x4280] =	vst v63  }
0x25: {  	_ =	swait.ge [sflag:s12], $0x1000  }
0x26: {  	[sflag:s12] =	ssyncset.done $0x0  }
0x27: {  	s31 =	simm.s32 $0x2200;
	[sflag:s12] =	ssyncadd.s32 $0xFFFFF000  }
0x28: {  	[tilespmem:s31], [sflag:$0x1] =	stream.linear.gather [hbm4b:s9+s2], $0x1000, $0x38;
	[tilespmem:$0x4280] =	vst v63  }
0x29: {  	_ =	swait.ge [sflag:s12], $0x1000  }
0x2a: {  	[sflag:s12] =	ssyncset.done $0x0  }
0x2b: {  	s21 =	simm.s32 $0x0;
	[sflag:s12] =	ssyncadd.s32 $0xFFFFF000  }
0x2c: {  	v4 =	vld [tilespmem:s21+$0x200]  }
0x2d: {  	v5 =	vld [tilespmem:s21+$0x1200]  }
0x2e: {  	v6 =	vld [tilespmem:s21+$0x2200];
	_ =	sdelay $0x3  }
0x2f: {  	v7 =	vshrl.u32 v4, $0x10;
	v8 =	vmul.f32 v4, v4  }
0x30: {  	v9 =	vshrl.u32 v5, $0x10;
	v63 =	vshrl.u32 v6, $0x10;
	v7 =	vand.u32 $0x1, v7  }
0x31: {  	v4 =	vadd.s32 v7, v4;
	v7 =	vand.u32 $0x1, v9;
	v9 =	vand.u32 $0x1, v63  }
0x32: {  	v4 =	vadd.s32 $0x7FFF, v4;
	v7 =	vadd.s32 v7, v5;
	v5 =	vmul.f32 v5, v5  }
0x33: {  	v9 =	vadd.s32 v9, v6;
	v4 =	vand.u32 $0xFFFF0000, v4;
	v7 =	vadd.s32 $0x7FFF, v7  }
0x34: {  	s22 =	simm.s32 $0x10;
	v9 =	vadd.s32 $0x7FFF, v9;
	[tilespmem:s21+$0x200] =	vst v4;
	v7 =	vand.u32 $0xFFFF0000, v7  }
0x35: {  	s23 =	simm.s32 $0x80;
	v6 =	vmul.f32 v6, v6;
	v5 =	vadd.f32 v5, v8;
	v4 =	vld [tilespmem:s22+$0x200];
	[tilespmem:s21+$0x1200] =	vst v7;
	v7 =	vand.u32 $0xFFFF0000, v9  }
.LBB2_2:
0x36: {  	p0 =	sne.s32 s23, $0x3FC0;
	v8 =	vld [tilespmem:s22+$0x1200];
	[tilespmem:s21+$0x2200] =	vst v7  }
0x37: {  	v7 =	vld [tilespmem:s22+$0x2200];
	v5 =	vadd.f32 v6, v5;
	_ =	sdelay $0x1  }
0x38: {  	[tilespmem:s21+$0x3200] =	vst v5;
	s21 =	smov.u32 s22  }
0x39: {  	v5 =	vmul.f32 v4, v4;
	v6 =	vshrl.u32 v4, $0x10  }
0x3a: {  	v9 =	vmul.f32 v8, v8;
	v6 =	vand.u32 $0x1, v6;
	v10 =	vshrl.u32 v8, $0x10  }
.Ltmp0:
0x3b: {  	v4 =	vadd.s32 v6, v4;
	v6 =	vand.u32 $0x1, v10;
	v10 =	vshrl.u32 v7, $0x10;
	(pc) =	sbr.rel @p0 .LBB2_2-.Ltmp0, $4  }
0x3c: {  	v4 =	vadd.s32 $0x7FFF, v4;
	v6 =	vadd.s32 v6, v8;
	v8 =	vand.u32 $0x1, v10  }
0x3d: {  	v4 =	vand.u32 $0xFFFF0000, v4;
	v6 =	vadd.s32 $0x7FFF, v6;
	v8 =	vadd.s32 v8, v7  }
0x3e: {  	s22 =	sshra.s32 s23, $0x2;
	v5 =	vadd.f32 v9, v5;
	[tilespmem:s21+$0x200] =	vst v4;
	v9 =	vand.u32 $0xFFFF0000, v6;
	v8 =	vadd.s32 $0x7FFF, v8  }
0x3f: {  	s23 =	sadd.s32 $0x40, s23;
	v6 =	vmul.f32 v7, v7;
	v4 =	vld [tilespmem:s22+$0x200];
	[tilespmem:s21+$0x1200] =	vst v9;
	v7 =	vand.u32 $0xFFFF0000, v8  }
0x40: {  	v8 =	vld [tilespmem:s22+$0x1200]  }
0x41: {  	[tilespmem:s21+$0x2200] =	vst v7  }
0x42: {  	v7 =	vld [tilespmem:s22+$0x2200];
	_ =	sdelay $0x1  }
0x43: {  	v5 =	vadd.f32 v6, v5;
	v56 =	vshrl.u32 v4, $0x10  }
0x44: {  	v9 =	vmul.f32 v4, v4;
	v6 =	vand.u32 $0x1, v56;
	v10 =	vshrl.u32 v8, $0x10  }
0x45: {  	v58 =	vmul.f32 v8, v8;
	v57 =	vadd.s32 v6, v4;
	v10 =	vand.u32 $0x1, v10  }
0x46: {  	v59 =	vshrl.u32 v7, $0x10;
	v8 =	vadd.s32 v10, v8;
	v4 =	vadd.s32 $0x7FFF, v57  }
0x47: {  	v10 =	vand.u32 $0x1, v59;
	v6 =	vadd.f32 v58, v9;
	v4 =	vand.u32 $0xFFFF0000, v4  }
0x48: {  	[tilespmem:s21+$0x3200] =	vst v5;
	v8 =	vadd.s32 $0x7FFF, v8;
	v60 =	vadd.s32 v10, v7;
	v7 =	vmul.f32 v7, v7  }
0x49: {  	[tilespmem:s22+$0x200] =	vst v4;
	v61 =	vand.u32 $0xFFFF0000, v8;
	v5 =	vadd.s32 $0x7FFF, v60  }
0x4a: {  	[tilespmem:s22+$0x1200] =	vst v61;
	v62 =	vand.u32 $0xFFFF0000, v5;
	v63 =	vadd.f32 v7, v6  }
0x4b: {  	[tilespmem:s22+$0x2200] =	vst v62  }
0x4c: {  	s21 =	simm.s32 $0x0;
	[tilespmem:s22+$0x3200] =	vst v63;
	s22 =	simm.f32 $0.0e+00  }
.LBB2_4:
0x4d: {  	s23 =	sshll.u32 s21, $0x4  }
0x4e: {  	v0 =	vld [tilespmem:s23+$0x0];
	_ =	sdelay $0x4  }
0x4f: {  	v4 =	vshrl.u32 v0, $0x10  }
0x50: {  	v4 =	vand.u32 $0x1, v4  }
0x51: {  	v4 =	vadd.s32 v4, v0  }
0x52: {  	v4 =	vadd.s32 $0x7FFF, v4  }
0x53: {  	v10 =	vand.u32 $0xFFFF0000, v4  }
0x54: {  	v60 =	vld [tilespmem:s23+$0x80];
	(v2sf) =	vpush v10, $0x0  }
0x55: {  	(v2sf) =	vpush v10, $0x1  }
0x56: {  	(v2sf) =	vpush v10, $0x2  }
0x57: {  	(v2sf) =	vpush v10, $0x3  }
0x58: {  	(v2sf) =	vpush v10, $0x4  }
0x59: {  	v4 =	vshrl.u32 v60, $0x10  }
0x5a: {  	v4 =	vand.u32 $0x1, v4  }
0x5b: {  	v4 =	vadd.s32 v4, v60;
	(v2sf) =	vpush v10, $0x5  }
0x5c: {  	v4 =	vadd.s32 $0x7FFF, v4;
	(v2sf) =	vpush v10, $0x6  }
0x5d: {  	v61 =	vld [tilespmem:s23+$0x100];
	v1 =	vand.u32 $0xFFFF0000, v4;
	(v2sf) =	vpush v10, $0x7  }
0x5e: {  	(v2sf) =	vpush v1, $0x0  }
0x5f: {  	(v2sf) =	vpush v1, $0x1;
	_ =	sdelay $0x1  }
0x60: {  	(v2sf) =	vpush v1, $0x2  }
0x61: {  	v4 =	vshrl.u32 v61, $0x10;
	(v2sf) =	vpush v1, $0x3  }
0x62: {  	v4 =	vand.u32 $0x1, v4;
	(v2sf) =	vpush v1, $0x4;
	s24 =	spop (v2sf)  }
0x63: {  	v4 =	vadd.s32 v4, v61;
	(v2sf) =	vpush v1, $0x5;
	s25 =	spop (v2sf)  }
0x64: {  	v4 =	vadd.s32 $0x7FFF, v4;
	(v2sf) =	vpush v1, $0x6;
	s26 =	spop (v2sf)  }
0x65: {  	v62 =	vand.u32 $0xFFFF0000, v4;
	(v2sf) =	vpush v1, $0x7;
	s28 =	spop (v2sf)  }
0x66: {  	(v2sf) =	vpush v62, $0x0;
	s24 =	smul.f32 $-2.000000000e+00, s24;
	s29 =	spop (v2sf)  }
0x67: {  	(v2sf) =	vpush v62, $0x1;
	s29 =	smul.f32 $-2.000000000e+00, s29  }
0x68: {  	s25 =	smul.f32 $-2.000000000e+00, s25;
	(v2sf) =	vpush v62, $0x2  }
0x69: {  	s26 =	smul.f32 $-2.000000000e+00, s26;
	(v2sf) =	vpush v62, $0x3;
	s30 =	spop (v2sf);
	v13 =	vmov s29;
	s29 =	simm.s32 $0x0  }
0x6a: {  	s28 =	smul.f32 $-2.000000000e+00, s28;
	(v2sf) =	vpush v62, $0x4;
	s31 =	spop (v2sf);
	v4 =	vld [tilespmem:s29+$0x200]  }
0x6b: {  	(v2sf) =	vpush v62, $0x5;
	s30 =	smul.f32 $-2.000000000e+00, s30;
	s0 =	spop (v2sf);
	v5 =	vld [tilespmem:s29+$0x1200]  }
0x6c: {  	v19 =	vmov s24;
	(v2sf) =	vpush v62, $0x6;
	s1 =	spop (v2sf);
	s0 =	smul.f32 $-2.000000000e+00, s0  }
0x6d: {  	v20 =	vmov s25;
	v15 =	vmov s26;
	(v2sf) =	vpush v62, $0x7;
	s13 =	spop (v2sf);
	s1 =	smul.f32 $-2.000000000e+00, s1  }
0x6e: {  	v14 =	vmov s28;
	v12 =	vmov s30;
	s13 =	smul.f32 $-2.000000000e+00, s13;
	v24 =	vmov s0  }
0x6f: {  	s31 =	smul.f32 $-2.000000000e+00, s31;
	v7 =	vld [tilespmem:s29+$0x3200];
	s14 =	spop (v2sf);
	v27 =	vmov s1;
	v35 =	vmul.f32 v4, v19;
	v36 =	vmul.f32 v4, v20  }
0x70: {  	s15 =	spop (v2sf);
	s14 =	smul.f32 $-2.000000000e+00, s14;
	v23 =	vmov s13;
	v37 =	vmul.f32 v5, v27;
	v38 =	vmul.f32 v4, v24  }
0x71: {  	v11 =	vmov s31;
	s16 =	spop (v2sf);
	s15 =	smul.f32 $-2.000000000e+00, s15;
	v42 =	vmul.f32 v5, v23;
	v63 =	vmul.f32 v4, v15  }
0x72: {  	s17 =	spop (v2sf);
	s16 =	smul.f32 $-2.000000000e+00, s16;
	v22 =	vmov s14;
	v46 =	vmul.f32 v4, v14;
	v47 =	vmul.f32 v4, v13  }
0x73: {  	v50 =	vmul.f32 v4, v12;
	v4 =	vmul.f32 v4, v11;
	s18 =	spop (v2sf);
	s17 =	smul.f32 $-2.000000000e+00, s17;
	v21 =	vmov s15  }
0x74: {  	v44 =	vmul.f32 v5, v22;
	s19 =	spop (v2sf);
	s18 =	smul.f32 $-2.000000000e+00, s18;
	v38 =	vadd.f32 v7, v38;
	v35 =	vadd.f32 v7, v35  }
0x75: {  	v6 =	vld [tilespmem:s29+$0x2200];
	v18 =	vmov s16;
	v36 =	vadd.f32 v7, v36;
	v56 =	vadd.f32 v7, v46;
	s3 =	spop (v2sf);
	s19 =	smul.f32 $-2.000000000e+00, s19  }
0x76: {  	[tilespmem:$0x1FF60] =	vst v0;
	v0 =	vmul.f32 v5, v21;
	v57 =	vadd.f32 v7, v47;
	v59 =	vadd.f32 v7, v50;
	s4 =	spop (v2sf);
	s3 =	smul.f32 $-2.000000000e+00, s3  }
0x77: {  	v4 =	vadd.f32 v7, v4;
	v17 =	vmov s17;
	v48 =	vmul.f32 v5, v18;
	s25 =	spop (v2sf);
	s4 =	smul.f32 $-2.000000000e+00, s4  }
0x78: {  	v16 =	vmov s18;
	v2 =	vmul.f32 v5, v17;
	v33 =	vmov s19;
	s28 =	spop (v2sf);
	s14 =	smul.f32 $-2.000000000e+00, s25  }
0x79: {  	v31 =	vmov s3;
	v39 =	vmul.f32 v5, v33;
	v5 =	vmul.f32 v5, v16;
	s30 =	spop (v2sf);
	s25 =	smul.f32 $-2.000000000e+00, s28  }
0x7a: {  	v32 =	vmov s4;
	v41 =	vmul.f32 v6, v31;
	s31 =	spop (v2sf);
	s0 =	smul.f32 $-2.000000000e+00, s30;
	v30 =	vmov s14  }
0x7b: {  	v43 =	vmul.f32 v6, v32;
	s24 =	spop (v2sf);
	v28 =	vmov s25;
	s29 =	smul.f32 $-2.000000000e+00, s31;
	v45 =	vmul.f32 v6, v30  }
0x7c: {  	v37 =	vadd.f32 v41, v37;
	s31 =	simm.s32 $0x10;
	v41 =	vimm.f32 $+Inf;
	s28 =	spop (v2sf);
	v26 =	vmov s0;
	s30 =	smul.f32 $-2.000000000e+00, s24  }
0x7d: {  	[tilespmem:$0x1FF90] =	vst v1;
	v1 =	vmul.f32 v6, v28;
	v42 =	vadd.f32 v43, v42;
	v52 =	vld [tilespmem:s31+$0x200];
	s3 =	smul.f32 $-2.000000000e+00, s28;
	v29 =	vmov s29  }
0x7e: {  	v53 =	vld [tilespmem:s31+$0x1200];
	v49 =	vmul.f32 v6, v26;
	v44 =	vadd.f32 v45, v44;
	v35 =	vadd.f32 v37, v35  }
0x7f: {  	v25 =	vmov s30;
	v51 =	vmul.f32 v6, v29;
	v34 =	vmov s3  }
0x80: {  	v36 =	vadd.f32 v42, v36;
	v58 =	vadd.f32 v49, v48;
	v40 =	vmul.f32 v6, v34  }
0x81: {  	v42 =	vmin.f32 v41, v35;
	v6 =	vmul.f32 v6, v25;
	v43 =	vadd.f32 v51, v2  }
0x82: {  	[tilespmem:$0x1FF80] =	vst v61;
	v35 =	vmin.f32 v41, v36;
	v61 =	vmul.f32 v52, v19;
	v39 =	vadd.f32 v40, v39  }
0x83: {  	[tilespmem:$0x1FFA0] =	vst v62;
	v49 =	vmul.f32 v52, v20;
	v62 =	vmul.f32 v53, v27;
	v40 =	vadd.f32 v7, v63  }
0x84: {  	v55 =	vmul.f32 v52, v14;
	v5 =	vadd.f32 v6, v5;
	v38 =	vadd.f32 v39, v38  }
0x85: {  	[tilespmem:$0x1FF70] =	vst v60;
	v7 =	vld [tilespmem:s31+$0x2200];
	v63 =	vmul.f32 v52, v24;
	v39 =	vadd.f32 v1, v0;
	v60 =	vadd.f32 v44, v40  }
0x86: {  	v45 =	vadd.f32 v5, v4;
	v4 =	vmul.f32 v53, v33;
	v1 =	vmul.f32 v53, v23  }
0x87: {  	v44 =	vmul.f32 v53, v22;
	v6 =	vmin.f32 v41, v38;
	v38 =	vadd.f32 v39, v56  }
0x88: {  	v40 =	vld [tilespmem:s31+$0x3200];
	v39 =	vadd.f32 v58, v57;
	v58 =	vadd.f32 v43, v59;
	v43 =	vmul.f32 v53, v21  }
0x89: {  	v36 =	vmin.f32 v41, v60;
	v59 =	vmul.f32 v52, v13;
	v60 =	vmul.f32 v53, v18  }
0x8a: {  	v5 =	vmul.f32 v7, v34;
	v0 =	vmul.f32 v7, v31  }
0x8b: {  	v2 =	vmul.f32 v7, v32;
	v54 =	vmul.f32 v7, v30  }
0x8c: {  	v57 =	vmul.f32 v7, v28;
	v56 =	vmul.f32 v7, v25  }
0x8d: {  	v38 =	vmin.f32 v41, v38;
	v39 =	vmin.f32 v41, v39;
	v63 =	vadd.f32 v40, v63  }
0x8e: {  	v4 =	vadd.f32 v5, v4;
	v46 =	vadd.f32 v40, v61;
	v5 =	vmul.f32 v52, v15  }
0x8f: {  	v47 =	vadd.f32 v0, v62;
	v48 =	vadd.f32 v40, v49;
	v61 =	vmul.f32 v7, v26  }
0x90: {  	v62 =	vmul.f32 v52, v12;
	v49 =	vadd.f32 v2, v1;
	v0 =	vmul.f32 v7, v29;
	v2 =	vld [tilespmem:s23+$0x180]  }
0x91: {  	v1 =	vmul.f32 v52, v11;
	v51 =	vadd.f32 v57, v43;
	v7 =	vadd.f32 v40, v59  }
0x92: {  	v4 =	vadd.f32 v4, v63;
	v63 =	vmul.f32 v53, v17;
	v50 =	vadd.f32 v40, v5  }
0x93: {  	s24 =	simm.s32 $0x20;
	v53 =	vmul.f32 v53, v16;
	v5 =	vadd.f32 v40, v55;
	v55 =	vadd.f32 v61, v60  }
0x94: {  	v43 =	vld [tilespmem:s24+$0x200];
	v52 =	vadd.f32 v40, v62;
	v37 =	vmin.f32 v6, v4;
	v6 =	vadd.f32 v54, v44  }
0x95: {  	s23 =	simm.s32 $0xC0;
	v44 =	vld [tilespmem:s24+$0x1200];
	v57 =	vadd.f32 v0, v63;
	v54 =	vadd.f32 v40, v1;
	v40 =	vmin.f32 v41, v58;
	[tilespmem:$0x1FFB0] =	vst v2  }
.LBB2_5:
0x96: {  	p0 =	sne.s32 s23, $0x3FC0;
	v0 =	vld [tilespmem:s24+$0x2200];
	v1 =	vadd.f32 v47, v46;
	v46 =	vadd.f32 v56, v53;
	v41 =	vmin.f32 v41, v45  }
0x97: {  	v47 =	vadd.f32 v49, v48;
	v6 =	vadd.f32 v6, v50  }
0x98: {  	v59 =	vadd.f32 v55, v7;
	v58 =	vld [tilespmem:s24+$0x3200];
	v42 =	vmin.f32 v42, v1;
	v1 =	vadd.f32 v51, v5  }
0x99: {  	v60 =	vadd.f32 v57, v52;
	v5 =	vmul.f32 v43, v19;
	v7 =	vmul.f32 v43, v20  }
0x9a: {  	v45 =	vadd.f32 v46, v54;
	v49 =	vmul.f32 v43, v24;
	v48 =	vmul.f32 v44, v27  }
0x9b: {  	v35 =	vmin.f32 v35, v47;
	v46 =	vmul.f32 v44, v33;
	v50 =	vmul.f32 v0, v34  }
0x9c: {  	v36 =	vmin.f32 v36, v6;
	v51 =	vmul.f32 v44, v23;
	v47 =	vmul.f32 v0, v31  }
0x9d: {  	v6 =	vmul.f32 v0, v32;
	v49 =	vadd.f32 v58, v49;
	v50 =	vadd.f32 v50, v46  }
0x9e: {  	v52 =	vmul.f32 v44, v22;
	v46 =	vadd.f32 v58, v5;
	v5 =	vmul.f32 v43, v15  }
0x9f: {  	v55 =	vmul.f32 v43, v14;
	v54 =	vmul.f32 v0, v30;
	v49 =	vadd.f32 v50, v49  }
0xa0: {  	v57 =	vmul.f32 v44, v21;
	v61 =	vmul.f32 v0, v28;
	v47 =	vadd.f32 v47, v48  }
0xa1: {  	v62 =	vmul.f32 v43, v13;
	v63 =	vmul.f32 v44, v18;
	v37 =	vmin.f32 v37, v49  }
0xa2: {  	v3 =	vmul.f32 v43, v12;
	v2 =	vmul.f32 v0, v26;
	v48 =	vadd.f32 v58, v7  }
0xa3: {  	v4 =	vmul.f32 v44, v17;
	v8 =	vmul.f32 v0, v29;
	v49 =	vadd.f32 v6, v51  }
.Ltmp1:
0xa4: {  	v9 =	vmul.f32 v43, v11;
	v53 =	vmul.f32 v44, v16;
	v50 =	vadd.f32 v58, v5;
	(pc) =	sbr.rel @p0 .LBB2_5-.Ltmp1, $4  }
0xa5: {  	v56 =	vmul.f32 v0, v25;
	v5 =	vadd.f32 v58, v55;
	v6 =	vadd.f32 v54, v52  }
0xa6: {  	s24 =	sshra.s32 s23, $0x2;
	v38 =	vmin.f32 v38, v1;
	v7 =	vadd.f32 v58, v62;
	v51 =	vadd.f32 v61, v57  }
0xa7: {  	v39 =	vmin.f32 v39, v59;
	v55 =	vadd.f32 v2, v63;
	v52 =	vadd.f32 v58, v3;
	v43 =	vld [tilespmem:s24+$0x200]  }
0xa8: {  	s23 =	sadd.s32 $0x40, s23;
	v40 =	vmin.f32 v40, v60;
	v57 =	vadd.f32 v8, v4;
	v54 =	vadd.f32 v58, v9;
	v44 =	vld [tilespmem:s24+$0x1200]  }
0xa9: {  	v1 =	vadd.f32 v47, v46;
	v2 =	vadd.f32 v56, v53  }
0xaa: {  	v4 =	vadd.f32 v49, v48;
	v6 =	vadd.f32 v6, v50  }
0xab: {  	v5 =	vadd.f32 v51, v5;
	(v2sf) =	vpush v10, $0x8  }
0xac: {  	v3 =	vmin.f32 v41, v45;
	v7 =	vadd.f32 v55, v7;
	(v2sf) =	vpush v10, $0x9  }
0xad: {  	v1 =	vmin.f32 v42, v1;
	v9 =	vmul.f32 v43, v19;
	v19 =	vmul.f32 v43, v20  }
0xae: {  	v2 =	vadd.f32 v2, v54;
	v24 =	vmul.f32 v43, v24;
	v15 =	vmul.f32 v43, v15  }
0xaf: {  	v0 =	vld [tilespmem:s24+$0x2200];
	v4 =	vmin.f32 v35, v4;
	v14 =	vmul.f32 v43, v14;
	v13 =	vmul.f32 v43, v13  }
0xb0: {  	v8 =	vld [tilespmem:s24+$0x3200];
	v6 =	vmin.f32 v36, v6;
	v12 =	vmul.f32 v43, v12;
	v11 =	vmul.f32 v43, v11  }
0xb1: {  	(v2sf) =	vpush v10, $0xA;
	v20 =	vmul.f32 v44, v27;
	v33 =	vmul.f32 v44, v33  }
0xb2: {  	(v2sf) =	vpush v10, $0xB;
	v23 =	vmul.f32 v44, v23;
	v22 =	vmul.f32 v44, v22  }
0xb3: {  	v27 =	vadd.f32 v57, v52;
	v21 =	vmul.f32 v44, v21;
	v18 =	vmul.f32 v44, v18  }
0xb4: {  	v17 =	vmul.f32 v44, v17;
	v16 =	vmul.f32 v44, v16;
	(v2sf) =	vpush v10, $0xC  }
0xb5: {  	v34 =	vmul.f32 v0, v34;
	v24 =	vadd.f32 v8, v24;
	v9 =	vadd.f32 v8, v9  }
0xb6: {  	v31 =	vmul.f32 v0, v31;
	v19 =	vadd.f32 v8, v19;
	v15 =	vadd.f32 v8, v15  }
0xb7: {  	v32 =	vmul.f32 v0, v32;
	v14 =	vadd.f32 v8, v14;
	v13 =	vadd.f32 v8, v13  }
0xb8: {  	v30 =	vmul.f32 v0, v30;
	v12 =	vadd.f32 v8, v12;
	(v2sf) =	vpush v10, $0xD  }
0xb9: {  	v28 =	vmul.f32 v0, v28;
	v8 =	vadd.f32 v8, v11;
	(v2sf) =	vpush v10, $0xE  }
0xba: {  	v29 =	vmul.f32 v0, v29;
	v33 =	vadd.f32 v34, v33;
	v20 =	vadd.f32 v31, v20  }
0xbb: {  	v26 =	vmul.f32 v0, v26;
	v23 =	vadd.f32 v32, v23;
	v22 =	vadd.f32 v30, v22  }
0xbc: {  	v0 =	vmul.f32 v0, v25;
	v21 =	vadd.f32 v28, v21;
	v17 =	vadd.f32 v29, v17  }
0xbd: {  	v5 =	vmin.f32 v38, v5;
	v26 =	vadd.f32 v26, v18;
	(v2sf) =	vpush v10, $0xF;
	v10 =	vld [tilespmem:$0x1FF90]  }
0xbe: {  	v2 =	vmin.f32 v3, v2;
	v0 =	vadd.f32 v0, v16;
	v3 =	vadd.f32 v17, v12;
	v17 =	vld [tilespmem:$0x1FFC0]  }
0xbf: {  	v7 =	vmin.f32 v39, v7;
	v24 =	vadd.f32 v33, v24;
	v14 =	vadd.f32 v21, v14  }
0xc0: {  	v16 =	vmin.f32 v40, v27;
	v9 =	vadd.f32 v20, v9;
	v11 =	vadd.f32 v23, v19  }
0xc1: {  	v15 =	vadd.f32 v22, v15;
	v13 =	vadd.f32 v26, v13;
	v5 =	vmin.f32 v5, v14;
	v14 =	vld [tilespmem:$0x1FFD0]  }
0xc2: {  	v0 =	vadd.f32 v0, v8;
	v1 =	vmin.f32 v1, v9;
	(v2sf) =	vpush v10, $0x8  }
0xc3: {  	v18 =	vmin.f32 v37, v24;
	(v2sf) =	vpush v10, $0x9;
	v8 =	vperm.xlane v1, v17  }
0xc4: {  	v4 =	vmin.f32 v4, v11;
	v6 =	vmin.f32 v6, v15;
	v15 =	vld [tilespmem:$0x1FFE0];
	(v2sf) =	vpush v10, $0xA  }
0xc5: {  	v3 =	vmin.f32 v16, v3;
	v16 =	vld [tilespmem:$0x1FFA0];
	(v2sf) =	vpush v10, $0xB;
	v1 =	vmin.f32 v1, v8  }
0xc6: {  	s0 =	spop (v2sf);
	v8 =	vperm.xlane v4, v17;
	(v2sf) =	vpush v10, $0xC;
	v9 =	vperm.xlane v1, v14  }
0xc7: {  	v7 =	vmin.f32 v7, v13;
	v0 =	vmin.f32 v2, v0;
	s0 =	smul.f32 $-2.000000000e+00, s0;
	s1 =	spop (v2sf);
	(v2sf) =	vpush v10, $0xD  }
0xc8: {  	s1 =	smul.f32 $-2.000000000e+00, s1;
	s3 =	spop (v2sf);
	v4 =	vmin.f32 v4, v8;
	(v2sf) =	vpush v10, $0xE;
	v1 =	vmin.f32 v1, v9  }
0xc9: {  	v19 =	vld [tilespmem:$0x1FFF0];
	s3 =	smul.f32 $-2.000000000e+00, s3;
	s4 =	spop (v2sf);
	v8 =	vperm.xlane v4, v14;
	(v2sf) =	vpush v10, $0xF;
	v9 =	vmov s0  }
0xca: {  	s4 =	smul.f32 $-2.000000000e+00, s4;
	s13 =	spop (v2sf);
	v10 =	vmov s1;
	v52 =	vperm.xlane v1, v15;
	(v2sf) =	vpush v16, $0x8  }
0xcb: {  	s16 =	smul.f32 $-2.000000000e+00, s13;
	v11 =	vmov s3;
	v4 =	vmin.f32 v4, v8;
	v8 =	vperm.xlane v6, v17  }
0xcc: {  	(v2sf) =	vpush v16, $0x9;
	v13 =	vmov s4;
	v2 =	vmin.f32 v1, v52  }
0xcd: {  	s17 =	spop (v2sf);
	v53 =	vperm.xlane v4, v15;
	(v2sf) =	vpush v16, $0xA;
	v12 =	vmov s16  }
0xce: {  	s18 =	smul.f32 $-2.000000000e+00, s17;
	[tilespmem:$0x1FE60] =	vst v2;
	v2 =	vperm.xlane v2, v19;
	v54 =	vmin.f32 v6, v8;
	(v2sf) =	vpush v16, $0xB  }
0xcf: {  	s19 =	spop (v2sf);
	v6 =	vmin.f32 v4, v53;
	v55 =	vperm.xlane v54, v14;
	v4 =	vperm.xlane v5, v17  }
0xd0: {  	s24 =	spop (v2sf);
	v8 =	vmov s18;
	(v2sf) =	vpush v16, $0xC;
	v53 =	vimm.f32 $+Inf  }
0xd1: {  	s25 =	smul.f32 $-2.000000000e+00, s24;
	[tilespmem:$0x1FE80] =	vst v6;
	v6 =	vperm.xlane v6, v19;
	v1 =	vmin.f32 v54, v55;
	v56 =	vmin.f32 v5, v4  }
0xd2: {  	(v2sf) =	vpush v16, $0xD;
	v4 =	vperm.xlane v1, v15;
	v5 =	vperm.xlane v56, v14  }
0xd3: {  	s23 =	smul.f32 $-2.000000000e+00, s19;
	v33 =	vmov s25;
	(v2sf) =	vpush v16, $0xE;
	s26 =	spop (v2sf);
	[tilespmem:$0x1FE90] =	vst v6;
	v6 =	vperm.xlane v7, v17  }
0xd4: {  	(v2sf) =	vpush v16, $0xF;
	s28 =	spop (v2sf);
	s29 =	smul.f32 $-2.000000000e+00, s26;
	v20 =	vmin.f32 v1, v4;
	v57 =	vmin.f32 v56, v5  }
0xd5: {  	[tilespmem:$0x1FE70] =	vst v2;
	s30 =	spop (v2sf);
	s31 =	smul.f32 $-2.000000000e+00, s28;
	v4 =	vmin.f32 v7, v6;
	v6 =	vperm.xlane v3, v17;
	v2 =	vperm.xlane v57, v15  }
0xd6: {  	v16 =	vmov s23;
	s14 =	spop (v2sf);
	s15 =	smul.f32 $-2.000000000e+00, s30;
	v5 =	vperm.xlane v4, v14;
	v7 =	vperm.xlane v20, v19  }
0xd7: {  	v34 =	vmov s29;
	s16 =	spop (v2sf);
	s17 =	smul.f32 $-2.000000000e+00, s14;
	v38 =	vmov s31;
	v59 =	vmin.f32 v3, v6  }
0xd8: {  	s18 =	spop (v2sf);
	s19 =	smul.f32 $-2.000000000e+00, s16;
	[tilespmem:$0x1FEB0] =	vst v7;
	v7 =	vmin.f32 v57, v2;
	v58 =	vmin.f32 v4, v5;
	v4 =	vperm.xlane v0, v17  }
0xd9: {  	v31 =	vmov s15;
	v3 =	vperm.xlane v59, v14;
	s23 =	spop (v2sf);
	s24 =	smul.f32 $-2.000000000e+00, s18;
	v35 =	vmov s17  }
0xda: {  	v5 =	vperm.xlane v7, v19;
	s25 =	spop (v2sf);
	s26 =	smul.f32 $-2.000000000e+00, s23;
	v32 =	vmov s19;
	v0 =	vmin.f32 v0, v4;
	s19 =	simm.s32 $0x0  }
0xdb: {  	[tilespmem:$0x1FEC0] =	vst v7;
	v2 =	vmin.f32 v59, v3;
	v4 =	vperm.xlane v18, v17;
	s29 =	smul.f32 $-2.000000000e+00, s25;
	v3 =	vperm.xlane v0, v14;
	v7 =	vld [tilespmem:s19+$0x1200]  }
0xdc: {  	[tilespmem:$0x1FED0] =	vst v5;
	v5 =	vperm.xlane v58, v15;
	v37 =	vmov s24;
	v6 =	vperm.xlane v2, v15  }
0xdd: {  	s28 =	spop (v2sf);
	v27 =	vmov s26;
	v45 =	vmov s29;
	v0 =	vmin.f32 v0, v3  }
0xde: {  	s30 =	spop (v2sf);
	s31 =	smul.f32 $-2.000000000e+00, s28;
	v3 =	vmin.f32 v18, v4;
	v4 =	vld [tilespmem:s19+$0x200];
	v17 =	vmin.f32 v58, v5;
	v60 =	vperm.xlane v0, v15  }
0xdf: {  	s15 =	smul.f32 $-2.000000000e+00, s30;
	v6 =	vmin.f32 v2, v6;
	v2 =	vld [tilespmem:s19+$0x2200];
	v5 =	vperm.xlane v3, v14;
	v14 =	vperm.xlane v17, v19  }
0xe0: {  	v42 =	vmov s31;
	[tilespmem:$0x1FF00] =	vst v6;
	v6 =	vperm.xlane v6, v19;
	v62 =	vmul.f32 v7, v34  }
0xe1: {  	s14 =	spop (v2sf);
	[tilespmem:$0x1FEE0] =	vst v17;
	v41 =	vmov s15;
	v17 =	vmul.f32 v7, v45;
	v23 =	vmul.f32 v7, v38  }
0xe2: {  	s16 =	spop (v2sf);
	s17 =	smul.f32 $-2.000000000e+00, s14;
	[tilespmem:$0x1FF10] =	vst v6;
	v6 =	vmin.f32 v0, v60;
	v28 =	vmul.f32 v7, v31;
	v57 =	vmul.f32 v7, v32  }
0xe3: {  	v1 =	vld [tilespmem:s19+$0x3200];
	s18 =	spop (v2sf);
	s24 =	smul.f32 $-2.000000000e+00, s16;
	v61 =	vmin.f32 v3, v5;
	v3 =	vperm.xlane v6, v19;
	v5 =	vmul.f32 v4, v9  }
0xe4: {  	s23 =	spop (v2sf);
	v40 =	vmov s17;
	s26 =	smul.f32 $-2.000000000e+00, s18;
	[tilespmem:$0x1FF20] =	vst v6;
	v6 =	vmul.f32 v4, v10;
	v22 =	vmul.f32 v2, v42  }
0xe5: {  	s25 =	spop (v2sf);
	v43 =	vmov s24;
	s29 =	smul.f32 $-2.000000000e+00, s23;
	v25 =	vmul.f32 v2, v41;
	v29 =	vmul.f32 v2, v40  }
0xe6: {  	v44 =	vmov s26;
	s30 =	smul.f32 $-2.000000000e+00, s25;
	v63 =	vmul.f32 v4, v13;
	v56 =	vmul.f32 v4, v12  }
0xe7: {  	s31 =	simm.s32 $0x10;
	v59 =	vmul.f32 v4, v8;
	[tilespmem:$0x1FF30] =	vst v3;
	v3 =	vperm.xlane v61, v15;
	v46 =	vmov s29  }
0xe8: {  	v51 =	vld [tilespmem:s31+$0x2200];
	s28 =	spop (v2sf);
	v58 =	vmul.f32 v2, v44;
	v39 =	vmov s30;
	v5 =	vadd.f32 v1, v5  }
0xe9: {  	v50 =	vld [tilespmem:s31+$0x1200];
	s4 =	smul.f32 $-2.000000000e+00, s28;
	v0 =	vadd.f32 v22, v62;
	v22 =	vmul.f32 v2, v43;
	v6 =	vadd.f32 v1, v6  }
0xea: {  	v23 =	vadd.f32 v25, v23;
	v25 =	vmul.f32 v7, v37;
	v60 =	vmul.f32 v2, v46  }
0xeb: {  	[tilespmem:$0x1FEA0] =	vst v20;
	v28 =	vadd.f32 v29, v28;
	v29 =	vadd.f32 v1, v63;
	v48 =	vmov s4  }
0xec: {  	[tilespmem:$0x1FEF0] =	vst v14;
	v14 =	vmin.f32 v61, v3;
	v3 =	vmul.f32 v4, v33;
	v20 =	vmul.f32 v2, v48  }
0xed: {  	v62 =	vadd.f32 v1, v59;
	v63 =	vmul.f32 v51, v42;
	v61 =	vadd.f32 v58, v57  }
0xee: {  	v57 =	vmul.f32 v50, v37;
	v3 =	vadd.f32 v1, v3;
	v17 =	vadd.f32 v20, v17  }
0xef: {  	v2 =	vmul.f32 v2, v39;
	v25 =	vadd.f32 v60, v25;
	v0 =	vadd.f32 v0, v5  }
0xf0: {  	v36 =	vld [tilespmem:s31+$0x200];
	v20 =	vmul.f32 v4, v11;
	v3 =	vadd.f32 v17, v3;
	v17 =	vmul.f32 v7, v35  }
0xf1: {  	v4 =	vmul.f32 v4, v16;
	v55 =	vmin.f32 v53, v0;
	v49 =	vadd.f32 v25, v62  }
0xf2: {  	v20 =	vadd.f32 v1, v20;
	v7 =	vmul.f32 v7, v27;
	v17 =	vadd.f32 v22, v17  }
0xf3: {  	v25 =	vmul.f32 v50, v32;
	v22 =	vadd.f32 v1, v56;
	v1 =	vadd.f32 v1, v4  }
0xf4: {  	v3 =	vmin.f32 v53, v3;
	v2 =	vadd.f32 v2, v7;
	v4 =	vadd.f32 v23, v6  }
0xf5: {  	v5 =	vadd.f32 v28, v20;
	v56 =	vld [tilespmem:s31+$0x3200];
	v6 =	vmul.f32 v36, v9;
	v7 =	vmul.f32 v36, v10  }
0xf6: {  	v20 =	vmul.f32 v36, v33;
	v23 =	vmul.f32 v51, v48;
	v0 =	vadd.f32 v17, v29  }
0xf7: {  	v47 =	vadd.f32 v61, v22;
	v17 =	vmul.f32 v50, v34;
	v22 =	vmul.f32 v50, v45  }
0xf8: {  	v58 =	vadd.f32 v2, v1;
	v54 =	vmin.f32 v53, v4;
	v2 =	vmul.f32 v50, v38  }
0xf9: {  	v52 =	vmin.f32 v53, v5;
	v5 =	vmul.f32 v51, v41;
	v1 =	vmul.f32 v50, v35  }
0xfa: {  	v29 =	vmul.f32 v50, v27;
	v4 =	vadd.f32 v56, v20;
	v20 =	vadd.f32 v23, v22  }
0xfb: {  	v60 =	vadd.f32 v63, v17;
	v17 =	vmul.f32 v51, v43;
	v61 =	vadd.f32 v5, v2  }
0xfc: {  	v59 =	vadd.f32 v56, v6;
	v23 =	vmul.f32 v36, v11;
	v4 =	vadd.f32 v20, v4  }
0xfd: {  	v6 =	vmul.f32 v50, v31;
	v22 =	vmul.f32 v51, v40;
	v62 =	vadd.f32 v56, v7  }
0xfe: {  	v5 =	vadd.f32 v17, v1;
	v20 =	vmin.f32 v3, v4;
	v4 =	vmul.f32 v51, v46  }
0xff: {  	v1 =	vmul.f32 v36, v13;
	v63 =	vadd.f32 v22, v6;
	v3 =	vmul.f32 v51, v44  }
0x100: {  	v7 =	vadd.f32 v56, v23;
	v22 =	vadd.f32 v4, v57;
	v57 =	vmul.f32 v36, v8  }
0x101: {  	v6 =	vadd.f32 v3, v25;
	v3 =	vmul.f32 v36, v12;
	v4 =	vmul.f32 v36, v16  }
0x102: {  	s24 =	simm.s32 $0x20;
	v17 =	vadd.f32 v56, v1;
	v28 =	vadd.f32 v56, v57;
	v57 =	vperm.xlane v14, v19  }
0x103: {  	[tilespmem:$0x1FF40] =	vst v14;
	v36 =	vmul.f32 v51, v39;
	v23 =	vadd.f32 v56, v3;
	v25 =	vadd.f32 v56, v4;
	v56 =	vld [tilespmem:s24+$0x200]  }
0x104: {  	s23 =	simm.s32 $0xC0;
	v49 =	vmin.f32 v53, v49;
	v50 =	vmin.f32 v53, v0;
	v51 =	vmin.f32 v53, v47;
	[tilespmem:$0x1FF50] =	vst v57;
	v57 =	vld [tilespmem:s24+$0x1200]  }
.LBB2_7:
0x105: {  	p0 =	sne.s32 s23, $0x3FC0;
	v0 =	vld [tilespmem:s24+$0x2200];
	v1 =	vadd.f32 v60, v59;
	v2 =	vadd.f32 v36, v29;
	v53 =	vmin.f32 v53, v58  }
0x106: {  	v3 =	vadd.f32 v61, v62;
	v4 =	vadd.f32 v63, v7  }
0x107: {  	v15 =	vadd.f32 v6, v23;
	v14 =	vld [tilespmem:s24+$0x3200];
	v55 =	vmin.f32 v55, v1;
	v1 =	vadd.f32 v5, v17  }
0x108: {  	v47 =	vadd.f32 v22, v28;
	v5 =	vmul.f32 v56, v9;
	v6 =	vmul.f32 v56, v10  }
0x109: {  	v58 =	vadd.f32 v2, v25;
	v17 =	vmul.f32 v56, v33;
	v7 =	vmul.f32 v57, v34  }
0x10a: {  	v54 =	vmin.f32 v54, v3;
	v2 =	vmul.f32 v57, v45;
	v22 =	vmul.f32 v0, v48  }
0x10b: {  	v52 =	vmin.f32 v52, v4;
	v23 =	vmul.f32 v57, v38;
	v3 =	vmul.f32 v0, v42  }
0x10c: {  	v4 =	vmul.f32 v0, v41;
	v17 =	vadd.f32 v14, v17;
	v2 =	vadd.f32 v22, v2  }
0x10d: {  	v59 =	vadd.f32 v14, v5;
	v5 =	vmul.f32 v56, v11;
	v22 =	vmul.f32 v57, v31  }
0x10e: {  	v28 =	vmul.f32 v56, v13;
	v25 =	vmul.f32 v0, v40;
	v2 =	vadd.f32 v2, v17  }
0x10f: {  	v18 =	vmul.f32 v0, v43;
	v60 =	vadd.f32 v3, v7;
	v3 =	vmul.f32 v57, v35  }
0x110: {  	v19 =	vmul.f32 v56, v12;
	v21 =	vmul.f32 v57, v32;
	v20 =	vmin.f32 v20, v2  }
0x111: {  	v24 =	vmul.f32 v56, v8;
	v62 =	vadd.f32 v14, v6;
	v2 =	vmul.f32 v0, v44  }
0x112: {  	v26 =	vmul.f32 v0, v46;
	v61 =	vadd.f32 v4, v23;
	v4 =	vmul.f32 v57, v37  }
.Ltmp2:
0x113: {  	v30 =	vmul.f32 v56, v16;
	v29 =	vmul.f32 v57, v27;
	v7 =	vadd.f32 v14, v5;
	(pc) =	sbr.rel @p0 .LBB2_7-.Ltmp2, $4  }
0x114: {  	v36 =	vmul.f32 v0, v39;
	v63 =	vadd.f32 v25, v22;
	v17 =	vadd.f32 v14, v28  }
0x115: {  	s24 =	sshra.s32 s23, $0x2;
	v50 =	vmin.f32 v50, v1;
	v23 =	vadd.f32 v14, v19;
	v5 =	vadd.f32 v18, v3  }
0x116: {  	v51 =	vmin.f32 v51, v15;
	v28 =	vadd.f32 v14, v24;
	v6 =	vadd.f32 v2, v21;
	v56 =	vld [tilespmem:s24+$0x200]  }
0x117: {  	s23 =	sadd.s32 $0x40, s23;
	v49 =	vmin.f32 v49, v47;
	v22 =	vadd.f32 v26, v4;
	v25 =	vadd.f32 v14, v30;
	v57 =	vld [tilespmem:s24+$0x1200]  }
0x118: {  	v2 =	vadd.f32 v36, v29;
	v36 =	vld [tilespmem:$0x1FF60]  }
0x119: {  	v0 =	vadd.f32 v60, v59;
	v15 =	vld [tilespmem:$0x1FF70]  }
0x11a: {  	v3 =	vmin.f32 v53, v58;
	v4 =	vadd.f32 v61, v62;
	v21 =	vld [tilespmem:$0x1FF80]  }
0x11b: {  	v7 =	vadd.f32 v63, v7;
	v58 =	vld [tilespmem:$0x1FE60];
	v0 =	vmin.f32 v55, v0;
	v55 =	vmul.f32 v56, v33  }
0x11c: {  	v14 =	vadd.f32 v5, v17;
	v59 =	vld [tilespmem:$0x1FE70];
	v9 =	vmul.f32 v56, v9;
	v10 =	vmul.f32 v56, v10  }
0x11d: {  	v18 =	vadd.f32 v6, v23;
	v29 =	vld [tilespmem:$0x1FFB0];
	v11 =	vmul.f32 v56, v11;
	v13 =	vmul.f32 v56, v13  }
0x11e: {  	v1 =	vld [tilespmem:s24+$0x2200];
	v19 =	vadd.f32 v22, v28;
	v5 =	vmul.f32 v36, v36;
	v15 =	vmul.f32 v15, v15  }
0x11f: {  	v2 =	vadd.f32 v2, v25;
	v12 =	vmul.f32 v56, v12;
	v8 =	vmul.f32 v56, v8  }
0x120: {  	v17 =	vld [tilespmem:s24+$0x3200];
	v16 =	vmul.f32 v56, v16;
	v21 =	vmul.f32 v21, v21;
	v5 =	vadd.f32 v15, v5  }
0x121: {  	v4 =	vmin.f32 v54, v4;
	v47 =	vmul.f32 v57, v45;
	v60 =	vmul.f32 v57, v34;
	v34 =	vld [tilespmem:$0x1FE80]  }
0x122: {  	(v2sf) =	vpush v29, $0x0;
	v36 =	vld [tilespmem:$0x1FE90];
	v15 =	vmin.f32 v58, v59;
	v5 =	vadd.f32 v21, v5  }
0x123: {  	v24 =	vmul.f32 v57, v38;
	v53 =	vmul.f32 v1, v48;
	(v2sf) =	vpush v15, $0x0  }
0x124: {  	v30 =	vld [tilespmem:$0x1FEB0];
	v7 =	vmin.f32 v52, v7;
	v38 =	vmul.f32 v57, v31;
	v5 =	vmul.f32 v5, v29  }
0x125: {  	v45 =	vmul.f32 v57, v37;
	v22 =	vadd.f32 v17, v55;
	v48 =	vld [tilespmem:$0x1FEA0];
	v6 =	vadd.f32 v53, v47  }
0x126: {  	v54 =	vmul.f32 v57, v27;
	v61 =	vmul.f32 v1, v42;
	(v2sf) =	vpush v5, $0x0  }
0x127: {  	v6 =	vadd.f32 v6, v22;
	v22 =	vmin.f32 v34, v36;
	(v2sf) =	vpush v29, $0x1  }
0x128: {  	v52 =	vld [tilespmem:$0x1FEC0];
	v62 =	vmul.f32 v1, v41;
	v9 =	vadd.f32 v17, v9;
	(v2sf) =	vpush v22, $0x0  }
0x129: {  	v40 =	vmul.f32 v1, v40;
	v10 =	vadd.f32 v17, v10;
	v53 =	vld [tilespmem:$0x1FED0];
	(v2sf) =	vpush v5, $0x1  }
0x12a: {  	v11 =	vadd.f32 v17, v11;
	v25 =	vmin.f32 v48, v30;
	(v2sf) =	vpush v29, $0x2  }
0x12b: {  	v41 =	vmul.f32 v57, v35;
	v13 =	vadd.f32 v17, v13;
	(v2sf) =	vpush v25, $0x0  }
0x12c: {  	v56 =	vld [tilespmem:$0x1FEF0];
	v26 =	vmul.f32 v1, v43;
	v12 =	vadd.f32 v17, v12;
	v8 =	vadd.f32 v17, v8  }
0x12d: {  	v43 =	vmul.f32 v57, v32;
	v55 =	vld [tilespmem:$0x1FEE0];
	v16 =	vadd.f32 v17, v16;
	(v2sf) =	vpush v5, $0x2  }
0x12e: {  	v63 =	vadd.f32 v61, v60;
	v25 =	vmin.f32 v52, v53;
	(v2sf) =	vpush v29, $0x3  }
0x12f: {  	v44 =	vmul.f32 v1, v44;
	v33 =	vadd.f32 v62, v24;
	(v2sf) =	vpush v25, $0x0  }
0x130: {  	v23 =	vadd.f32 v40, v38;
	v42 =	vadd.f32 v26, v41;
	v47 =	vmul.f32 v1, v46;
	v59 =	vld [tilespmem:$0x1FF00]  }
0x131: {  	v24 =	vadd.f32 v44, v43;
	v1 =	vmul.f32 v1, v39;
	v60 =	vld [tilespmem:$0x1FF10];
	s0 =	spop (v2sf);
	(v2sf) =	vpush v5, $0x3  }
0x132: {  	v61 =	vld [tilespmem:$0x1FFC0];
	v26 =	vadd.f32 v47, v45;
	v27 =	vmin.f32 v55, v56;
	s1 =	spop (v2sf);
	(v2sf) =	vpush v29, $0x4  }
0x133: {  	v58 =	vmin.f32 v49, v19;
	v19 =	vld [tilespmem:$0x1FF30];
	v9 =	vadd.f32 v63, v9;
	(v2sf) =	vpush v27, $0x0;
	s0 =	smul.f32 s1, s0  }
0x134: {  	v1 =	vadd.f32 v1, v54;
	v63 =	vadd.f32 v42, v13;
	v13 =	vld [tilespmem:$0x1FF20]  }
0x135: {  	v14 =	vmin.f32 v50, v14;
	v10 =	vadd.f32 v33, v10;
	v21 =	vld [tilespmem:$0x1FFD0];
	s0 =	sadd.f32 s0, s22;
	s17 =	spop (v2sf);
	(v2sf) =	vpush v5, $0x4  }
0x136: {  	v0 =	vmin.f32 v0, v9;
	v9 =	vmin.f32 v59, v60;
	s3 =	spop (v2sf);
	(v2sf) =	vpush v29, $0x5  }
0x137: {  	v12 =	vadd.f32 v24, v12;
	v24 =	vld [tilespmem:$0x1FFE0];
	v62 =	vperm.xlane v0, v61;
	s0 =	sadd.f32 s0, s17;
	s4 =	spop (v2sf);
	(v2sf) =	vpush v9, $0x0  }
0x138: {  	v2 =	vmin.f32 v3, v2;
	v11 =	vadd.f32 v23, v11;
	v8 =	vadd.f32 v26, v8;
	v26 =	vld [tilespmem:$0x1FF40];
	s18 =	smul.f32 s4, s3;
	s19 =	spop (v2sf)  }
0x139: {  	v4 =	vmin.f32 v4, v10;
	v0 =	vmin.f32 v0, v62;
	v27 =	vld [tilespmem:$0x1FF50];
	(v2sf) =	vpush v5, $0x5;
	s22 =	spop (v2sf)  }
0x13a: {  	v22 =	vperm.xlane v0, v21;
	v9 =	vmin.f32 v13, v19;
	(v2sf) =	vpush v29, $0x6;
	s0 =	sadd.f32 s18, s0;
	s23 =	spop (v2sf)  }
0x13b: {  	v31 =	vld [tilespmem:$0x1FFF0];
	v57 =	vmin.f32 v51, v18;
	v23 =	vperm.xlane v4, v61;
	(v2sf) =	vpush v9, $0x0;
	s1 =	smul.f32 s23, s22  }
0x13c: {  	v1 =	vadd.f32 v1, v16;
	v7 =	vmin.f32 v7, v11;
	v0 =	vmin.f32 v0, v22;
	s24 =	spop (v2sf);
	s0 =	sadd.f32 s0, s19  }
0x13d: {  	v4 =	vmin.f32 v4, v23;
	v25 =	vperm.xlane v0, v24;
	(v2sf) =	vpush v5, $0x6;
	s25 =	spop (v2sf)  }
0x13e: {  	v28 =	vperm.xlane v4, v21;
	v10 =	vmin.f32 v26, v27;
	(v2sf) =	vpush v29, $0x7;
	s26 =	spop (v2sf);
	s0 =	sadd.f32 s1, s0  }
0x13f: {  	v30 =	vperm.xlane v7, v61;
	v0 =	vmin.f32 v0, v25;
	(v2sf) =	vpush v10, $0x0;
	s1 =	smul.f32 s26, s25  }
0x140: {  	v4 =	vmin.f32 v4, v28;
	v32 =	vperm.xlane v0, v31;
	s28 =	spop (v2sf);
	(v2sf) =	vpush v5, $0x7;
	s0 =	sadd.f32 s0, s24  }
0x141: {  	v3 =	vmin.f32 v14, v63;
	v7 =	vmin.f32 v7, v30;
	v33 =	vperm.xlane v4, v24;
	s29 =	spop (v2sf)  }
0x142: {  	v34 =	vperm.xlane v7, v21;
	v0 =	vmin.f32 v0, v32;
	(v2sf) =	vpush v29, $0x8;
	s30 =	spop (v2sf);
	s0 =	sadd.f32 s1, s0  }
0x143: {  	v36 =	vperm.xlane v3, v61;
	v35 =	vmin.f32 v4, v33;
	(v2sf) =	vpush v0, $0x0;
	s1 =	smul.f32 s30, s29  }
0x144: {  	v37 =	vmin.f32 v57, v12;
	v7 =	vmin.f32 v7, v34;
	v38 =	vperm.xlane v35, v31;
	s0 =	sadd.f32 s0, s28;
	s31 =	spop (v2sf)  }
0x145: {  	v3 =	vmin.f32 v3, v36;
	v39 =	vperm.xlane v7, v24;
	(v2sf) =	vpush v5, $0x8;
	s4 =	spop (v2sf)  }
0x146: {  	v40 =	vperm.xlane v3, v21;
	v0 =	vmin.f32 v35, v38;
	(v2sf) =	vpush v29, $0x9;
	s0 =	sadd.f32 s1, s0;
	s13 =	spop (v2sf)  }
0x147: {  	v42 =	vperm.xlane v37, v61;
	v41 =	vmin.f32 v7, v39;
	(v2sf) =	vpush v0, $0x0;
	s1 =	smul.f32 s13, s4  }
0x148: {  	v43 =	vmin.f32 v58, v8;
	v3 =	vmin.f32 v3, v40;
	v44 =	vperm.xlane v41, v31;
	s14 =	spop (v2sf);
	s0 =	sadd.f32 s0, s31  }
0x149: {  	v45 =	vperm.xlane v3, v24;
	v4 =	vmin.f32 v37, v42;
	(v2sf) =	vpush v5, $0x9;
	s15 =	spop (v2sf)  }
0x14a: {  	v46 =	vperm.xlane v4, v21;
	v0 =	vmin.f32 v41, v44;
	(v2sf) =	vpush v29, $0xA;
	s16 =	spop (v2sf);
	s0 =	sadd.f32 s1, s0  }
0x14b: {  	v48 =	vperm.xlane v43, v61;
	v47 =	vmin.f32 v3, v45;
	(v2sf) =	vpush v0, $0x0;
	s1 =	smul.f32 s16, s15  }
0x14c: {  	v50 =	vperm.xlane v47, v31;
	v49 =	vmin.f32 v4, v46;
	s17 =	spop (v2sf);
	(v2sf) =	vpush v5, $0xA;
	s0 =	sadd.f32 s0, s14  }
0x14d: {  	v1 =	vmin.f32 v2, v1;
	v3 =	vmin.f32 v43, v48;
	v51 =	vperm.xlane v49, v24;
	s18 =	spop (v2sf)  }
0x14e: {  	v52 =	vperm.xlane v3, v21;
	v0 =	vmin.f32 v47, v50;
	(v2sf) =	vpush v29, $0xB;
	s19 =	spop (v2sf);
	s0 =	sadd.f32 s1, s0  }
0x14f: {  	v54 =	vperm.xlane v1, v61;
	v53 =	vmin.f32 v49, v51;
	(v2sf) =	vpush v0, $0x0;
	s22 =	spop (v2sf)  }
0x150: {  	v3 =	vmin.f32 v3, v52;
	v55 =	vperm.xlane v53, v31;
	(v2sf) =	vpush v5, $0xB;
	s1 =	smul.f32 s19, s18;
	s0 =	sadd.f32 s0, s17  }
0x151: {  	v6 =	vmin.f32 v20, v6;
	v1 =	vmin.f32 v1, v54;
	v56 =	vperm.xlane v3, v24;
	s23 =	spop (v2sf)  }
0x152: {  	v57 =	vperm.xlane v1, v21;
	v0 =	vmin.f32 v53, v55;
	(v2sf) =	vpush v29, $0xC;
	s24 =	spop (v2sf);
	s0 =	sadd.f32 s1, s0  }
0x153: {  	v59 =	vperm.xlane v6, v61;
	v58 =	vmin.f32 v3, v56;
	(v2sf) =	vpush v0, $0x0;
	s1 =	smul.f32 s24, s23  }
0x154: {  	v1 =	vmin.f32 v1, v57;
	v3 =	vperm.xlane v58, v31;
	s25 =	spop (v2sf);
	s0 =	sadd.f32 s0, s22  }
0x155: {  	v2 =	vmin.f32 v6, v59;
	v4 =	vperm.xlane v1, v24;
	(v2sf) =	vpush v5, $0xC;
	s26 =	spop (v2sf)  }
0x156: {  	v60 =	vperm.xlane v2, v21;
	v0 =	vmin.f32 v58, v3;
	(v2sf) =	vpush v29, $0xD;
	s28 =	spop (v2sf);
	s0 =	sadd.f32 s1, s0  }
0x157: {  	v61 =	vmin.f32 v1, v4;
	(v2sf) =	vpush v0, $0x0;
	s1 =	smul.f32 s28, s26  }
0x158: {  	v2 =	vmin.f32 v2, v60;
	v1 =	vperm.xlane v61, v31;
	s29 =	spop (v2sf);
	(v2sf) =	vpush v5, $0xD;
	s0 =	sadd.f32 s0, s25  }
0x159: {  	v3 =	vperm.xlane v2, v24;
	s30 =	spop (v2sf)  }
0x15a: {  	v0 =	vmin.f32 v61, v1;
	(v2sf) =	vpush v29, $0xE;
	s31 =	spop (v2sf);
	s0 =	sadd.f32 s1, s0  }
0x15b: {  	v62 =	vmin.f32 v2, v3;
	(v2sf) =	vpush v0, $0x0;
	s13 =	spop (v2sf)  }
0x15c: {  	v63 =	vperm.xlane v62, v31;
	(v2sf) =	vpush v5, $0xE;
	s1 =	smul.f32 s31, s30;
	s0 =	sadd.f32 s0, s29  }
0x15d: {  	s14 =	spop (v2sf)  }
0x15e: {  	v0 =	vmin.f32 v62, v63;
	(v2sf) =	vpush v29, $0xF;
	s15 =	spop (v2sf);
	s0 =	sadd.f32 s1, s0  }
0x15f: {  	(v2sf) =	vpush v0, $0x0;
	s16 =	spop (v2sf)  }
0x160: {  	s1 =	smul.f32 s15, s14;
	s0 =	sadd.f32 s0, s13  }
0x161: {  	s17 =	spop (v2sf)  }
0x162: {  	s18 =	spop (v2sf);
	s0 =	sadd.f32 s1, s0  }
0x163: {  	s1 =	smul.f32 s18, s17  }
0x164: {  	(v2sf) =	vpush v5, $0xF;
	s19 =	spop (v2sf);
	s0 =	sadd.f32 s0, s16  }
0x165: {  	s22 =	spop (v2sf)  }
0x166: {  	s23 =	spop (v2sf);
	s0 =	sadd.f32 s1, s0  }
0x167: {  	s24 =	spop (v2sf)  }
0x168: {  	s1 =	smul.f32 s23, s22;
	s0 =	sadd.f32 s0, s19  }
0x169: {  	s25 =	spop (v2sf)  }
0x16a: {  	s26 =	spop (v2sf);
	s0 =	sadd.f32 s1, s0  }
0x16b: {  	s28 =	spop (v2sf)  }
0x16c: {  	s1 =	smul.f32 s26, s25;
	s0 =	sadd.f32 s0, s24  }
0x16d: {  	s29 =	spop (v2sf)  }
0x16e: {  	s21 =	sadd.s32 $0x1, s21;
	s30 =	spop (v2sf);
	s0 =	sadd.f32 s1, s0  }
0x16f: {  	p0 =	sne.s32 s21, $0x4;
	s1 =	smul.f32 s30, s29  }
.Ltmp3:
0x170: {  	s0 =	sadd.f32 s0, s28;
	(pc) =	sbr.rel @p0 .LBB2_4-.Ltmp3, $4  }
0x171: {  	_ = 	snop  }
0x172: {  	s0 =	sadd.f32 s1, s0  }
0x173: {  	s31 =	spop (v2sf)  }
0x174: {  	s22 =	sadd.f32 s0, s31  }
0x175: {  	_ = 	snop  }
0x176: {  	s20 =	sadd.s32 $0x1, s20;
	v0 =	vmov s22  }
0x177: {  	p0 =	sne.s32 s20, s11;
	v0 =	vnsel vm0, $0x0, v0  }
.Ltmp4:
0x178: {  	s0 =	simm.s32 $0x4200;
	[tilespmem:$0x4200] =	vst v0;
	(pc) =	sbr.rel @p0 .LBB2_1-.Ltmp4, $4  }
0x179: {  	[hbm4b:s10+s2] =	stream.linear.scatter [tilespmem:s0], [sflag:$0x1], $0x80, $0x38;
	[tilespmem:$0x4280] =	vst v63  }
0x17a: {  	_ =	swait.ge [sflag:s12], $0x80  }
0x17b: {  	[sflag:s12] =	ssyncset.done $0x0  }
0x17c: {  	[sflag:s12] =	ssyncadd.s32 $0xFFFFFF80  }
0x17d: {  	_ =	sfence.sel $0x180000  }
0x17e: {  	[bflag:$0x0] =	sbarrier.arrive $0xFFFF  }
0x17f: {  	_ =	strace $0x90000047  }
0x180: {  	s0 =	stileid.u32;
	[bflag:$0x2] =	sbarrier.arrive $0xFFFF  }
0x181: {  	p0 =	sne.s32 s0, $0x0;
	s0 =	rddreg [dreg:$0x1]  }
0x182: {  	s0 =	sadd.s32 @!p0 $0x100000, s0  }
0x183: {  	[sflag:s0] =	ssyncadd.tile.s32 @!p0 $0x1;
	_ =	shalt  }
.Lfunc_end2:
_tile_overlayer_lowered:
.L_overlay_start_2:
0x184: {  	(tag) =	ssettag $0x2  }
0x185: {  	s0 =	rddreg [dreg:$0x0];
	s2 =	stileid.u32  }
0x186: {  	s1 =	rddreg [dreg:$0x1];
	p0 =	sne.s32 s2, $0x0  }
0x187: {  	s3 =	rddreg [dreg:$0x2];
	[bflag:$0x3] =	sbarrier.arrive $0xFFFF;
	s2 =	simm.s32 @!p0 $0x1C01  }
0x188: {  	[timem:s3], [sflag:s2] =	dma.local @!p0 [hbm:s0], s1  }
0x189: {  	s0 =	simm.s32 @!p0 $0x1  }
0x18a: {  	_ =	swait.ge @!p0 [sflag:s0], s1  }
0x18b: {  	s1 =	ssub.s32 @!p0 $0x0, s1;
	[sflag:s0] =	ssyncset.done @!p0 $0x0  }
0x18c: {  	[sflag:s0] =	ssyncadd.s32 @!p0 s1  }
0x18d: {  	[bflag:$0x3] =	sbarrier.arrive $0xFFFF  }
0x18e: {  	_ =	shalt  }

</sc_bundles>
